<compile_context>
chip_gen: v7x
topology: tpu7x:2x2x1
jax: 0.10.2.dev20260603
libtpu: 0.0.44.dev20260713+nightly
codegen_flags: <defaults>
</compile_context>

<pallas_src>
import jax
import jax.numpy as jnp
from jax import lax
from jax.experimental import pallas as pl
from jax.experimental.pallas import tpu as pltpu
from jax.experimental.pallas import tpu_sc as plsc

D_MODEL = 768
SEQ_LEN = 4096
BATCH = 4
NUM_CORES = 2
NUM_SUBCORES = 16
NUM_WORKERS = NUM_CORES * NUM_SUBCORES
L_PER_WORKER = SEQ_LEN // NUM_WORKERS
CHUNK = 8
N_STEPS = L_PER_WORKER // CHUNK
ROWS_PER_STEP = BATCH * CHUNK
NBUF = 4
LANES = 16


def _emb_body(x_hbm, pe_hbm, table_hbm, out_hbm, idx_v, pe_v, rows_v,
              sem_g, sem_st, sem_pe, sem_idx):
    cid = lax.axis_index("c")
    sid = lax.axis_index("s")
    wid = sid * NUM_CORES + cid
    l_base = wid * L_PER_WORKER

    idx_copies = [
        pltpu.async_copy(
            x_hbm.at[pl.ds(b * SEQ_LEN + l_base, L_PER_WORKER)],
            idx_v.at[b], sem_idx)
        for b in range(BATCH)
    ]

    def start_step(s):
        slot = lax.rem(s, NBUF)
        pltpu.async_copy(
            pe_hbm.at[pl.ds(l_base + s * CHUNK, CHUNK)],
            pe_v.at[pl.ds(slot * CHUNK, CHUNK)], sem_pe)
        for b in range(BATCH):
            pltpu.async_copy(
                table_hbm.at[idx_v.at[b, pl.ds(s * CHUNK, CHUNK)]],
                rows_v.at[pl.ds(slot * ROWS_PER_STEP + b * CHUNK, CHUNK)],
                sem_g)

    def wait_pe():
        pltpu.make_async_copy(
            pe_hbm.at[pl.ds(0, CHUNK)], pe_v.at[pl.ds(0, CHUNK)],
            sem_pe).wait()

    def wait_gathers():
        pltpu.make_async_copy(
            table_hbm.at[pl.ds(0, ROWS_PER_STEP)],
            rows_v.at[pl.ds(0, ROWS_PER_STEP)], sem_g).wait()

    def wait_stores():
        pltpu.make_async_copy(
            rows_v.at[pl.ds(0, ROWS_PER_STEP)],
            out_hbm.at[pl.ds(0, ROWS_PER_STEP)], sem_st).wait()

    for c in idx_copies:
        c.wait()

    start_step(0)
    start_step(1)

    @pl.loop(0, N_STEPS)
    def _step(s):
        slot = lax.rem(s, NBUF)
        row0 = slot * ROWS_PER_STEP
        pe0 = slot * CHUNK

        wait_pe()
        wait_gathers()

        @pl.when(s >= 2)
        def _():
            wait_stores()

        @pl.when(s + 2 < N_STEPS)
        def _():
            start_step(s + 2)

        @plsc.parallel_loop(0, CHUNK, unroll=2)
        def _pos(i):
            for j0 in range(0, D_MODEL, 4 * LANES):
                regs = [
                    pe_v[pe0 + i, pl.ds(j0 + k * LANES, LANES)]
                    for k in range(4)
                ]
                for k in range(4):
                    for b in range(BATCH):
                        plsc.addupdate(
                            rows_v.at[row0 + b * CHUNK + i,
                                      pl.ds(j0 + k * LANES, LANES)],
                            regs[k])

        for b in range(BATCH):
            pltpu.async_copy(
                rows_v.at[pl.ds(row0 + b * CHUNK, CHUNK)],
                out_hbm.at[pl.ds(b * SEQ_LEN + l_base + s * CHUNK, CHUNK)],
                sem_st)

    wait_stores()
    wait_stores()


@jax.jit
def _emb(x_flat, pe, table):
    mesh = plsc.VectorSubcoreMesh(core_axis_name="c", subcore_axis_name="s")
    k = pl.kernel(
        _emb_body,
        out_type=jax.ShapeDtypeStruct((BATCH * SEQ_LEN, D_MODEL), jnp.float32),
        mesh=mesh,
        scratch_types=[
            pltpu.VMEM((BATCH, L_PER_WORKER), jnp.int32),
            pltpu.VMEM((NBUF * CHUNK, D_MODEL), jnp.float32),
            pltpu.VMEM((NBUF * ROWS_PER_STEP, D_MODEL), jnp.float32),
            pltpu.SemaphoreType.DMA,
            pltpu.SemaphoreType.DMA,
            pltpu.SemaphoreType.DMA,
            pltpu.SemaphoreType.DMA,
        ],
    )
    return k(x_flat, pe, table)


def kernel(x, table, pe):
    x_flat = x.reshape(-1).astype(jnp.int32)
    out = _emb(x_flat, pe, table)
    return out.reshape(x.shape[0], x.shape[1], D_MODEL)

# --- scband reference (transcript-rebuilt; emitter-appended) ---
"""Pipeline reference for scband-embedding-layer-27659589386801 (READ-ONLY COPY).

The authoritative reference and input builder live on the scoring server;
editing this copy changes nothing except your own understanding.
"""

import jax, jax.numpy as jnp
import numpy as np

D_MODEL = 768
VOCAB = 100000
MAX_LEN = 4096
B = 4
L = 4096


def _make_pe():
    pos = np.arange(MAX_LEN, dtype=np.float32)[:, None]
    _2i = np.arange(0, D_MODEL, 2, dtype=np.float32)
    angle = pos / np.power(10000.0, _2i / D_MODEL)
    pe = np.zeros((MAX_LEN, D_MODEL), dtype=np.float32)
    pe[:, 0::2] = np.sin(angle)
    pe[:, 1::2] = np.cos(angle)
    return jnp.asarray(pe)


def setup_inputs(seed: int = 0):
    key = jax.random.key(seed)
    k1, k2 = jax.random.split(key)
    x = jax.random.randint(k1, (B, L), 0, VOCAB)
    table = jax.random.normal(k2, (VOCAB, D_MODEL), dtype=jnp.float32)
    table = table.at[0].set(0.0)  # padding_idx=0 row is zero
    pe = _make_pe()
    return {"x": x, "table": table, "pe": pe}


def reference(x, table, pe):
    # word embedding lookup with padding_idx=0 (row already zero)
    word_emb = jnp.take(table, x, axis=0)  # [B, L, D]
    seq_len = x.shape[1]
    pos_emb = pe[:seq_len, :]  # [L, D]
    # dropout is identity at inference
    return word_emb + pos_emb[None, :, :]

if __name__ == "__main__":
    import jax
    _d = setup_inputs()
    print(jax.jit(kernel)(*tuple(_d.values())))

</pallas_src>

<mosaic_0001>
#map = affine_map<(d0, d1) -> (0)>
#map1 = affine_map<(d0, d1) -> (0, 0)>
module attributes {stable_mosaic.version = 14 : i64} {
  func.func @_emb_body(%arg0: i32, %arg1: i32, %arg2: memref<16384xi32, #tpu.memory_space<hbm>>, %arg3: memref<4096x768xf32, #tpu.memory_space<hbm>>, %arg4: memref<100000x768xf32, #tpu.memory_space<hbm>>, %arg5: memref<16384x768xf32, #tpu.memory_space<hbm>>, %arg6: memref<4x128xi32, #tpu.memory_space<vmem>>, %arg7: memref<32x768xf32, #tpu.memory_space<vmem>>, %arg8: memref<128x768xf32, #tpu.memory_space<vmem>>, %arg9: memref<!tpu.dma_semaphore, #tpu.memory_space<semaphore_mem>>, %arg10: memref<!tpu.dma_semaphore, #tpu.memory_space<semaphore_mem>>, %arg11: memref<!tpu.dma_semaphore, #tpu.memory_space<semaphore_mem>>, %arg12: memref<!tpu.dma_semaphore, #tpu.memory_space<semaphore_mem>>) attributes {dimension_semantics = [#tpu.dimension_semantics<core_parallel>, #tpu.dimension_semantics<subcore_parallel>], iteration_bounds = array<i64: 2, 16>, scalar_prefetch = 0 : i64, scratch_operands = 7 : i64, tpu.core_type = #tpu.core_type<sc_vector_subcore>, window_params = [{transform_indices = #map}, {transform_indices = #map1}, {transform_indices = #map1}, {transform_indices = #map1}]} {
    %mul3A = arith.constant 2 : i32
    %mul3A_0 = arith.muli %arg1, %mul3A : i32
    %add3A = arith.addi %mul3A_0, %arg0 : i32
    %mul3A_1 = arith.constant 128 : i32
    %mul3A_2 = arith.muli %add3A, %mul3A_1 : i32
    %add3A_3 = arith.constant 0 : i32
    %add3A_4 = arith.addi %add3A_3, %mul3A_2 : i32
    %dma_start3A = arith.constant 0 : i32
    %dma_start3A_5 = arith.constant 0 : i32
    %dma_start3A_6 = tpu.memref_slice %arg6[%dma_start3A, %dma_start3A_5] : memref<4x128xi32, #tpu.memory_space<vmem>> -> memref<1x128xi32, #tpu.memory_space<vmem>>
    %dma_start3A_7 = tpu.memref_squeeze %dma_start3A_6 : memref<1x128xi32, #tpu.memory_space<vmem>> -> memref<128xi32, #tpu.memory_space<vmem>>
    %dma_start3A_8 = tpu.memref_slice %arg2[%add3A_4] : memref<16384xi32, #tpu.memory_space<hbm>> -> memref<128xi32, #tpu.memory_space<hbm>>
    %dma_start3A_9 = arith.constant 0 : i32
    %dma_start3A_10 = tpu.memref_slice %arg6[%dma_start3A, %dma_start3A_9] : memref<4x128xi32, #tpu.memory_space<vmem>> -> memref<1x128xi32, #tpu.memory_space<vmem>>
    %dma_start3A_11 = tpu.memref_squeeze %dma_start3A_10 : memref<1x128xi32, #tpu.memory_space<vmem>> -> memref<128xi32, #tpu.memory_space<vmem>>
    %dma_start3A_12 = tpu.memref_slice %arg2[%add3A_4] : memref<16384xi32, #tpu.memory_space<hbm>> -> memref<128xi32, #tpu.memory_space<hbm>>
    tpu.enqueue_dma source(%dma_start3A_12 : memref<128xi32, #tpu.memory_space<hbm>>) target(%dma_start3A_11 : memref<128xi32, #tpu.memory_space<vmem>>) target_semaphore(%arg12 : memref<!tpu.dma_semaphore, #tpu.memory_space<semaphore_mem>>)
    %add3A_13 = arith.constant 4096 : i32
    %add3A_14 = arith.addi %add3A_13, %mul3A_2 : i32
    %dma_start3A_15 = arith.constant 1 : i32
    %dma_start3A_16 = arith.constant 0 : i32
    %dma_start3A_17 = tpu.memref_slice %arg6[%dma_start3A_15, %dma_start3A_16] : memref<4x128xi32, #tpu.memory_space<vmem>> -> memref<1x128xi32, #tpu.memory_space<vmem>>
    %dma_start3A_18 = tpu.memref_squeeze %dma_start3A_17 : memref<1x128xi32, #tpu.memory_space<vmem>> -> memref<128xi32, #tpu.memory_space<vmem>>
    %dma_start3A_19 = tpu.memref_slice %arg2[%add3A_14] : memref<16384xi32, #tpu.memory_space<hbm>> -> memref<128xi32, #tpu.memory_space<hbm>>
    %dma_start3A_20 = arith.constant 0 : i32
    %dma_start3A_21 = tpu.memref_slice %arg6[%dma_start3A_15, %dma_start3A_20] : memref<4x128xi32, #tpu.memory_space<vmem>> -> memref<1x128xi32, #tpu.memory_space<vmem>>
    %dma_start3A_22 = tpu.memref_squeeze %dma_start3A_21 : memref<1x128xi32, #tpu.memory_space<vmem>> -> memref<128xi32, #tpu.memory_space<vmem>>
    %dma_start3A_23 = tpu.memref_slice %arg2[%add3A_14] : memref<16384xi32, #tpu.memory_space<hbm>> -> memref<128xi32, #tpu.memory_space<hbm>>
    tpu.enqueue_dma source(%dma_start3A_23 : memref<128xi32, #tpu.memory_space<hbm>>) target(%dma_start3A_22 : memref<128xi32, #tpu.memory_space<vmem>>) target_semaphore(%arg12 : memref<!tpu.dma_semaphore, #tpu.memory_space<semaphore_mem>>)
    %add3A_24 = arith.constant 8192 : i32
    %add3A_25 = arith.addi %add3A_24, %mul3A_2 : i32
    %dma_start3A_26 = arith.constant 2 : i32
    %dma_start3A_27 = arith.constant 0 : i32
    %dma_start3A_28 = tpu.memref_slice %arg6[%dma_start3A_26, %dma_start3A_27] : memref<4x128xi32, #tpu.memory_space<vmem>> -> memref<1x128xi32, #tpu.memory_space<vmem>>
    %dma_start3A_29 = tpu.memref_squeeze %dma_start3A_28 : memref<1x128xi32, #tpu.memory_space<vmem>> -> memref<128xi32, #tpu.memory_space<vmem>>
    %dma_start3A_30 = tpu.memref_slice %arg2[%add3A_25] : memref<16384xi32, #tpu.memory_space<hbm>> -> memref<128xi32, #tpu.memory_space<hbm>>
    %dma_start3A_31 = arith.constant 0 : i32
    %dma_start3A_32 = tpu.memref_slice %arg6[%dma_start3A_26, %dma_start3A_31] : memref<4x128xi32, #tpu.memory_space<vmem>> -> memref<1x128xi32, #tpu.memory_space<vmem>>
    %dma_start3A_33 = tpu.memref_squeeze %dma_start3A_32 : memref<1x128xi32, #tpu.memory_space<vmem>> -> memref<128xi32, #tpu.memory_space<vmem>>
    %dma_start3A_34 = tpu.memref_slice %arg2[%add3A_25] : memref<16384xi32, #tpu.memory_space<hbm>> -> memref<128xi32, #tpu.memory_space<hbm>>
    tpu.enqueue_dma source(%dma_start3A_34 : memref<128xi32, #tpu.memory_space<hbm>>) target(%dma_start3A_33 : memref<128xi32, #tpu.memory_space<vmem>>) target_semaphore(%arg12 : memref<!tpu.dma_semaphore, #tpu.memory_space<semaphore_mem>>)
    %add3A_35 = arith.constant 12288 : i32
    %add3A_36 = arith.addi %add3A_35, %mul3A_2 : i32
    %dma_start3A_37 = arith.constant 3 : i32
    %dma_start3A_38 = arith.constant 0 : i32
    %dma_start3A_39 = tpu.memref_slice %arg6[%dma_start3A_37, %dma_start3A_38] : memref<4x128xi32, #tpu.memory_space<vmem>> -> memref<1x128xi32, #tpu.memory_space<vmem>>
    %dma_start3A_40 = tpu.memref_squeeze %dma_start3A_39 : memref<1x128xi32, #tpu.memory_space<vmem>> -> memref<128xi32, #tpu.memory_space<vmem>>
    %dma_start3A_41 = tpu.memref_slice %arg2[%add3A_36] : memref<16384xi32, #tpu.memory_space<hbm>> -> memref<128xi32, #tpu.memory_space<hbm>>
    %dma_start3A_42 = arith.constant 0 : i32
    %dma_start3A_43 = tpu.memref_slice %arg6[%dma_start3A_37, %dma_start3A_42] : memref<4x128xi32, #tpu.memory_space<vmem>> -> memref<1x128xi32, #tpu.memory_space<vmem>>
    %dma_start3A_44 = tpu.memref_squeeze %dma_start3A_43 : memref<1x128xi32, #tpu.memory_space<vmem>> -> memref<128xi32, #tpu.memory_space<vmem>>
    %dma_start3A_45 = tpu.memref_slice %arg2[%add3A_36] : memref<16384xi32, #tpu.memory_space<hbm>> -> memref<128xi32, #tpu.memory_space<hbm>>
    tpu.enqueue_dma source(%dma_start3A_45 : memref<128xi32, #tpu.memory_space<hbm>>) target(%dma_start3A_44 : memref<128xi32, #tpu.memory_space<vmem>>) target_semaphore(%arg12 : memref<!tpu.dma_semaphore, #tpu.memory_space<semaphore_mem>>)
    %dma_wait3A = arith.constant 0 : i32
    %dma_wait3A_46 = arith.constant 0 : i32
    %dma_wait3A_47 = tpu.memref_slice %arg6[%dma_wait3A, %dma_wait3A_46] : memref<4x128xi32, #tpu.memory_space<vmem>> -> memref<1x128xi32, #tpu.memory_space<vmem>>
    %dma_wait3A_48 = tpu.memref_squeeze %dma_wait3A_47 : memref<1x128xi32, #tpu.memory_space<vmem>> -> memref<128xi32, #tpu.memory_space<vmem>>
    %dma_wait3A_49 = tpu.memref_slice %arg2[%add3A_4] : memref<16384xi32, #tpu.memory_space<hbm>> -> memref<128xi32, #tpu.memory_space<hbm>>
    %dma_wait3A_50 = arith.constant 0 : i32
    %dma_wait3A_51 = tpu.memref_slice %arg6[%dma_wait3A, %dma_wait3A_50] : memref<4x128xi32, #tpu.memory_space<vmem>> -> memref<1x128xi32, #tpu.memory_space<vmem>>
    %dma_wait3A_52 = tpu.memref_squeeze %dma_wait3A_51 : memref<1x128xi32, #tpu.memory_space<vmem>> -> memref<128xi32, #tpu.memory_space<vmem>>
    %dma_wait3A_53 = tpu.memref_slice %arg2[%add3A_4] : memref<16384xi32, #tpu.memory_space<hbm>> -> memref<128xi32, #tpu.memory_space<hbm>>
    tpu.wait_dma2 semaphore(%arg12 : memref<!tpu.dma_semaphore, #tpu.memory_space<semaphore_mem>>) src(%dma_wait3A_53 : memref<128xi32, #tpu.memory_space<hbm>>) dst(%dma_wait3A_52 : memref<128xi32, #tpu.memory_space<vmem>>)
    %dma_wait3A_54 = arith.constant 1 : i32
    %dma_wait3A_55 = arith.constant 0 : i32
    %dma_wait3A_56 = tpu.memref_slice %arg6[%dma_wait3A_54, %dma_wait3A_55] : memref<4x128xi32, #tpu.memory_space<vmem>> -> memref<1x128xi32, #tpu.memory_space<vmem>>
    %dma_wait3A_57 = tpu.memref_squeeze %dma_wait3A_56 : memref<1x128xi32, #tpu.memory_space<vmem>> -> memref<128xi32, #tpu.memory_space<vmem>>
    %dma_wait3A_58 = tpu.memref_slice %arg2[%add3A_14] : memref<16384xi32, #tpu.memory_space<hbm>> -> memref<128xi32, #tpu.memory_space<hbm>>
    %dma_wait3A_59 = arith.constant 0 : i32
    %dma_wait3A_60 = tpu.memref_slice %arg6[%dma_wait3A_54, %dma_wait3A_59] : memref<4x128xi32, #tpu.memory_space<vmem>> -> memref<1x128xi32, #tpu.memory_space<vmem>>
    %dma_wait3A_61 = tpu.memref_squeeze %dma_wait3A_60 : memref<1x128xi32, #tpu.memory_space<vmem>> -> memref<128xi32, #tpu.memory_space<vmem>>
    %dma_wait3A_62 = tpu.memref_slice %arg2[%add3A_14] : memref<16384xi32, #tpu.memory_space<hbm>> -> memref<128xi32, #tpu.memory_space<hbm>>
    tpu.wait_dma2 semaphore(%arg12 : memref<!tpu.dma_semaphore, #tpu.memory_space<semaphore_mem>>) src(%dma_wait3A_62 : memref<128xi32, #tpu.memory_space<hbm>>) dst(%dma_wait3A_61 : memref<128xi32, #tpu.memory_space<vmem>>)
    %dma_wait3A_63 = arith.constant 2 : i32
    %dma_wait3A_64 = arith.constant 0 : i32
    %dma_wait3A_65 = tpu.memref_slice %arg6[%dma_wait3A_63, %dma_wait3A_64] : memref<4x128xi32, #tpu.memory_space<vmem>> -> memref<1x128xi32, #tpu.memory_space<vmem>>
    %dma_wait3A_66 = tpu.memref_squeeze %dma_wait3A_65 : memref<1x128xi32, #tpu.memory_space<vmem>> -> memref<128xi32, #tpu.memory_space<vmem>>
    %dma_wait3A_67 = tpu.memref_slice %arg2[%add3A_25] : memref<16384xi32, #tpu.memory_space<hbm>> -> memref<128xi32, #tpu.memory_space<hbm>>
    %dma_wait3A_68 = arith.constant 0 : i32
    %dma_wait3A_69 = tpu.memref_slice %arg6[%dma_wait3A_63, %dma_wait3A_68] : memref<4x128xi32, #tpu.memory_space<vmem>> -> memref<1x128xi32, #tpu.memory_space<vmem>>
    %dma_wait3A_70 = tpu.memref_squeeze %dma_wait3A_69 : memref<1x128xi32, #tpu.memory_space<vmem>> -> memref<128xi32, #tpu.memory_space<vmem>>
    %dma_wait3A_71 = tpu.memref_slice %arg2[%add3A_25] : memref<16384xi32, #tpu.memory_space<hbm>> -> memref<128xi32, #tpu.memory_space<hbm>>
    tpu.wait_dma2 semaphore(%arg12 : memref<!tpu.dma_semaphore, #tpu.memory_space<semaphore_mem>>) src(%dma_wait3A_71 : memref<128xi32, #tpu.memory_space<hbm>>) dst(%dma_wait3A_70 : memref<128xi32, #tpu.memory_space<vmem>>)
    %dma_wait3A_72 = arith.constant 3 : i32
    %dma_wait3A_73 = arith.constant 0 : i32
    %dma_wait3A_74 = tpu.memref_slice %arg6[%dma_wait3A_72, %dma_wait3A_73] : memref<4x128xi32, #tpu.memory_space<vmem>> -> memref<1x128xi32, #tpu.memory_space<vmem>>
    %dma_wait3A_75 = tpu.memref_squeeze %dma_wait3A_74 : memref<1x128xi32, #tpu.memory_space<vmem>> -> memref<128xi32, #tpu.memory_space<vmem>>
    %dma_wait3A_76 = tpu.memref_slice %arg2[%add3A_36] : memref<16384xi32, #tpu.memory_space<hbm>> -> memref<128xi32, #tpu.memory_space<hbm>>
    %dma_wait3A_77 = arith.constant 0 : i32
    %dma_wait3A_78 = tpu.memref_slice %arg6[%dma_wait3A_72, %dma_wait3A_77] : memref<4x128xi32, #tpu.memory_space<vmem>> -> memref<1x128xi32, #tpu.memory_space<vmem>>
    %dma_wait3A_79 = tpu.memref_squeeze %dma_wait3A_78 : memref<1x128xi32, #tpu.memory_space<vmem>> -> memref<128xi32, #tpu.memory_space<vmem>>
    %dma_wait3A_80 = tpu.memref_slice %arg2[%add3A_36] : memref<16384xi32, #tpu.memory_space<hbm>> -> memref<128xi32, #tpu.memory_space<hbm>>
    tpu.wait_dma2 semaphore(%arg12 : memref<!tpu.dma_semaphore, #tpu.memory_space<semaphore_mem>>) src(%dma_wait3A_80 : memref<128xi32, #tpu.memory_space<hbm>>) dst(%dma_wait3A_79 : memref<128xi32, #tpu.memory_space<vmem>>)
    %rem3A = arith.constant 0 : i32
    %rem3A_81 = arith.constant 4 : i32
    %rem3A_82 = arith.remsi %rem3A, %rem3A_81 : i32
    %add3A_83 = arith.constant 0 : i32
    %add3A_84 = arith.addi %mul3A_2, %add3A_83 : i32
    %mul3A_85 = arith.constant 8 : i32
    %mul3A_86 = arith.muli %rem3A_82, %mul3A_85 : i32
    %dma_start3A_87 = arith.constant 0 : i32
    %dma_start3A_88 = tpu.memref_slice %arg7[%mul3A_86, %dma_start3A_87] : memref<32x768xf32, #tpu.memory_space<vmem>> -> memref<8x768xf32, #tpu.memory_space<vmem>>
    %dma_start3A_89 = arith.constant 0 : i32
    %dma_start3A_90 = tpu.memref_slice %arg3[%add3A_84, %dma_start3A_89] : memref<4096x768xf32, #tpu.memory_space<hbm>> -> memref<8x768xf32, #tpu.memory_space<hbm>>
    %dma_start3A_91 = arith.constant 0 : i32
    %dma_start3A_92 = tpu.memref_slice %arg7[%mul3A_86, %dma_start3A_91] : memref<32x768xf32, #tpu.memory_space<vmem>> -> memref<8x768xf32, #tpu.memory_space<vmem>>
    %dma_start3A_93 = arith.constant 0 : i32
    %dma_start3A_94 = tpu.memref_slice %arg3[%add3A_84, %dma_start3A_93] : memref<4096x768xf32, #tpu.memory_space<hbm>> -> memref<8x768xf32, #tpu.memory_space<hbm>>
    tpu.enqueue_dma source(%dma_start3A_94 : memref<8x768xf32, #tpu.memory_space<hbm>>) target(%dma_start3A_92 : memref<8x768xf32, #tpu.memory_space<vmem>>) target_semaphore(%arg11 : memref<!tpu.dma_semaphore, #tpu.memory_space<semaphore_mem>>)
    %mul3A_95 = arith.constant 32 : i32
    %mul3A_96 = arith.muli %rem3A_82, %mul3A_95 : i32
    %add3A_97 = arith.constant 0 : i32
    %add3A_98 = arith.addi %mul3A_96, %add3A_97 : i32
    %dma_start3A_99 = arith.constant 0 : i32
    %dma_start3A_100 = arith.constant 0 : i32
    %dma_start3A_101 = tpu.memref_slice %arg8[%add3A_98, %dma_start3A_100] : memref<128x768xf32, #tpu.memory_space<vmem>> -> memref<8x768xf32, #tpu.memory_space<vmem>>
    %dma_start3A_102 = arith.constant 0 : i32
    %dma_start3A_103 = tpu.memref_slice %arg6[%dma_start3A_99, %dma_start3A_102] : memref<4x128xi32, #tpu.memory_space<vmem>> -> memref<1x8xi32, #tpu.memory_space<vmem>>
    %dma_start3A_104 = tpu.memref_squeeze %dma_start3A_103 : memref<1x8xi32, #tpu.memory_space<vmem>> -> memref<8xi32, #tpu.memory_space<vmem>>
    %dma_start3A_105 = arith.constant 0 : i32
    %dma_start3A_106 = arith.constant 0 : i32
    %dma_start3A_107 = tpu.memref_slice %arg4[%dma_start3A_105, %dma_start3A_106] : memref<100000x768xf32, #tpu.memory_space<hbm>> -> memref<100000x768xf32, #tpu.memory_space<hbm>>
    tpu.enqueue_indirect_dma source(%dma_start3A_107 : memref<100000x768xf32, #tpu.memory_space<hbm>>) target(%dma_start3A_101 : memref<8x768xf32, #tpu.memory_space<vmem>>) offsets(%dma_start3A_104 : memref<8xi32, #tpu.memory_space<vmem>>) semaphore(%arg9 : memref<!tpu.dma_semaphore, #tpu.memory_space<semaphore_mem>>)
    %mul3A_108 = arith.constant 32 : i32
    %mul3A_109 = arith.muli %rem3A_82, %mul3A_108 : i32
    %add3A_110 = arith.constant 8 : i32
    %add3A_111 = arith.addi %mul3A_109, %add3A_110 : i32
    %dma_start3A_112 = arith.constant 1 : i32
    %dma_start3A_113 = arith.constant 0 : i32
    %dma_start3A_114 = tpu.memref_slice %arg8[%add3A_111, %dma_start3A_113] : memref<128x768xf32, #tpu.memory_space<vmem>> -> memref<8x768xf32, #tpu.memory_space<vmem>>
    %dma_start3A_115 = arith.constant 0 : i32
    %dma_start3A_116 = tpu.memref_slice %arg6[%dma_start3A_112, %dma_start3A_115] : memref<4x128xi32, #tpu.memory_space<vmem>> -> memref<1x8xi32, #tpu.memory_space<vmem>>
    %dma_start3A_117 = tpu.memref_squeeze %dma_start3A_116 : memref<1x8xi32, #tpu.memory_space<vmem>> -> memref<8xi32, #tpu.memory_space<vmem>>
    %dma_start3A_118 = arith.constant 0 : i32
    %dma_start3A_119 = arith.constant 0 : i32
    %dma_start3A_120 = tpu.memref_slice %arg4[%dma_start3A_118, %dma_start3A_119] : memref<100000x768xf32, #tpu.memory_space<hbm>> -> memref<100000x768xf32, #tpu.memory_space<hbm>>
    tpu.enqueue_indirect_dma source(%dma_start3A_120 : memref<100000x768xf32, #tpu.memory_space<hbm>>) target(%dma_start3A_114 : memref<8x768xf32, #tpu.memory_space<vmem>>) offsets(%dma_start3A_117 : memref<8xi32, #tpu.memory_space<vmem>>) semaphore(%arg9 : memref<!tpu.dma_semaphore, #tpu.memory_space<semaphore_mem>>)
    %mul3A_121 = arith.constant 32 : i32
    %mul3A_122 = arith.muli %rem3A_82, %mul3A_121 : i32
    %add3A_123 = arith.constant 16 : i32
    %add3A_124 = arith.addi %mul3A_122, %add3A_123 : i32
    %dma_start3A_125 = arith.constant 2 : i32
    %dma_start3A_126 = arith.constant 0 : i32
    %dma_start3A_127 = tpu.memref_slice %arg8[%add3A_124, %dma_start3A_126] : memref<128x768xf32, #tpu.memory_space<vmem>> -> memref<8x768xf32, #tpu.memory_space<vmem>>
    %dma_start3A_128 = arith.constant 0 : i32
    %dma_start3A_129 = tpu.memref_slice %arg6[%dma_start3A_125, %dma_start3A_128] : memref<4x128xi32, #tpu.memory_space<vmem>> -> memref<1x8xi32, #tpu.memory_space<vmem>>
    %dma_start3A_130 = tpu.memref_squeeze %dma_start3A_129 : memref<1x8xi32, #tpu.memory_space<vmem>> -> memref<8xi32, #tpu.memory_space<vmem>>
    %dma_start3A_131 = arith.constant 0 : i32
    %dma_start3A_132 = arith.constant 0 : i32
    %dma_start3A_133 = tpu.memref_slice %arg4[%dma_start3A_131, %dma_start3A_132] : memref<100000x768xf32, #tpu.memory_space<hbm>> -> memref<100000x768xf32, #tpu.memory_space<hbm>>
    tpu.enqueue_indirect_dma source(%dma_start3A_133 : memref<100000x768xf32, #tpu.memory_space<hbm>>) target(%dma_start3A_127 : memref<8x768xf32, #tpu.memory_space<vmem>>) offsets(%dma_start3A_130 : memref<8xi32, #tpu.memory_space<vmem>>) semaphore(%arg9 : memref<!tpu.dma_semaphore, #tpu.memory_space<semaphore_mem>>)
    %mul3A_134 = arith.constant 32 : i32
    %mul3A_135 = arith.muli %rem3A_82, %mul3A_134 : i32
    %add3A_136 = arith.constant 24 : i32
    %add3A_137 = arith.addi %mul3A_135, %add3A_136 : i32
    %dma_start3A_138 = arith.constant 3 : i32
    %dma_start3A_139 = arith.constant 0 : i32
    %dma_start3A_140 = tpu.memref_slice %arg8[%add3A_137, %dma_start3A_139] : memref<128x768xf32, #tpu.memory_space<vmem>> -> memref<8x768xf32, #tpu.memory_space<vmem>>
    %dma_start3A_141 = arith.constant 0 : i32
    %dma_start3A_142 = tpu.memref_slice %arg6[%dma_start3A_138, %dma_start3A_141] : memref<4x128xi32, #tpu.memory_space<vmem>> -> memref<1x8xi32, #tpu.memory_space<vmem>>
    %dma_start3A_143 = tpu.memref_squeeze %dma_start3A_142 : memref<1x8xi32, #tpu.memory_space<vmem>> -> memref<8xi32, #tpu.memory_space<vmem>>
    %dma_start3A_144 = arith.constant 0 : i32
    %dma_start3A_145 = arith.constant 0 : i32
    %dma_start3A_146 = tpu.memref_slice %arg4[%dma_start3A_144, %dma_start3A_145] : memref<100000x768xf32, #tpu.memory_space<hbm>> -> memref<100000x768xf32, #tpu.memory_space<hbm>>
    tpu.enqueue_indirect_dma source(%dma_start3A_146 : memref<100000x768xf32, #tpu.memory_space<hbm>>) target(%dma_start3A_140 : memref<8x768xf32, #tpu.memory_space<vmem>>) offsets(%dma_start3A_143 : memref<8xi32, #tpu.memory_space<vmem>>) semaphore(%arg9 : memref<!tpu.dma_semaphore, #tpu.memory_space<semaphore_mem>>)
    %rem3A_147 = arith.constant 1 : i32
    %rem3A_148 = arith.constant 4 : i32
    %rem3A_149 = arith.remsi %rem3A_147, %rem3A_148 : i32
    %add3A_150 = arith.constant 8 : i32
    %add3A_151 = arith.addi %mul3A_2, %add3A_150 : i32
    %mul3A_152 = arith.constant 8 : i32
    %mul3A_153 = arith.muli %rem3A_149, %mul3A_152 : i32
    %dma_start3A_154 = arith.constant 0 : i32
    %dma_start3A_155 = tpu.memref_slice %arg7[%mul3A_153, %dma_start3A_154] : memref<32x768xf32, #tpu.memory_space<vmem>> -> memref<8x768xf32, #tpu.memory_space<vmem>>
    %dma_start3A_156 = arith.constant 0 : i32
    %dma_start3A_157 = tpu.memref_slice %arg3[%add3A_151, %dma_start3A_156] : memref<4096x768xf32, #tpu.memory_space<hbm>> -> memref<8x768xf32, #tpu.memory_space<hbm>>
    %dma_start3A_158 = arith.constant 0 : i32
    %dma_start3A_159 = tpu.memref_slice %arg7[%mul3A_153, %dma_start3A_158] : memref<32x768xf32, #tpu.memory_space<vmem>> -> memref<8x768xf32, #tpu.memory_space<vmem>>
    %dma_start3A_160 = arith.constant 0 : i32
    %dma_start3A_161 = tpu.memref_slice %arg3[%add3A_151, %dma_start3A_160] : memref<4096x768xf32, #tpu.memory_space<hbm>> -> memref<8x768xf32, #tpu.memory_space<hbm>>
    tpu.enqueue_dma source(%dma_start3A_161 : memref<8x768xf32, #tpu.memory_space<hbm>>) target(%dma_start3A_159 : memref<8x768xf32, #tpu.memory_space<vmem>>) target_semaphore(%arg11 : memref<!tpu.dma_semaphore, #tpu.memory_space<semaphore_mem>>)
    %mul3A_162 = arith.constant 32 : i32
    %mul3A_163 = arith.muli %rem3A_149, %mul3A_162 : i32
    %add3A_164 = arith.constant 0 : i32
    %add3A_165 = arith.addi %mul3A_163, %add3A_164 : i32
    %dma_start3A_166 = arith.constant 0 : i32
    %dma_start3A_167 = arith.constant 0 : i32
    %dma_start3A_168 = tpu.memref_slice %arg8[%add3A_165, %dma_start3A_167] : memref<128x768xf32, #tpu.memory_space<vmem>> -> memref<8x768xf32, #tpu.memory_space<vmem>>
    %dma_start3A_169 = arith.constant 8 : i32
    %dma_start3A_170 = tpu.memref_slice %arg6[%dma_start3A_166, %dma_start3A_169] : memref<4x128xi32, #tpu.memory_space<vmem>> -> memref<1x8xi32, #tpu.memory_space<vmem>>
    %dma_start3A_171 = tpu.memref_squeeze %dma_start3A_170 : memref<1x8xi32, #tpu.memory_space<vmem>> -> memref<8xi32, #tpu.memory_space<vmem>>
    %dma_start3A_172 = arith.constant 0 : i32
    %dma_start3A_173 = arith.constant 0 : i32
    %dma_start3A_174 = tpu.memref_slice %arg4[%dma_start3A_172, %dma_start3A_173] : memref<100000x768xf32, #tpu.memory_space<hbm>> -> memref<100000x768xf32, #tpu.memory_space<hbm>>
    tpu.enqueue_indirect_dma source(%dma_start3A_174 : memref<100000x768xf32, #tpu.memory_space<hbm>>) target(%dma_start3A_168 : memref<8x768xf32, #tpu.memory_space<vmem>>) offsets(%dma_start3A_171 : memref<8xi32, #tpu.memory_space<vmem>>) semaphore(%arg9 : memref<!tpu.dma_semaphore, #tpu.memory_space<semaphore_mem>>)
    %mul3A_175 = arith.constant 32 : i32
    %mul3A_176 = arith.muli %rem3A_149, %mul3A_175 : i32
    %add3A_177 = arith.constant 8 : i32
    %add3A_178 = arith.addi %mul3A_176, %add3A_177 : i32
    %dma_start3A_179 = arith.constant 1 : i32
    %dma_start3A_180 = arith.constant 0 : i32
    %dma_start3A_181 = tpu.memref_slice %arg8[%add3A_178, %dma_start3A_180] : memref<128x768xf32, #tpu.memory_space<vmem>> -> memref<8x768xf32, #tpu.memory_space<vmem>>
    %dma_start3A_182 = arith.constant 8 : i32
    %dma_start3A_183 = tpu.memref_slice %arg6[%dma_start3A_179, %dma_start3A_182] : memref<4x128xi32, #tpu.memory_space<vmem>> -> memref<1x8xi32, #tpu.memory_space<vmem>>
    %dma_start3A_184 = tpu.memref_squeeze %dma_start3A_183 : memref<1x8xi32, #tpu.memory_space<vmem>> -> memref<8xi32, #tpu.memory_space<vmem>>
    %dma_start3A_185 = arith.constant 0 : i32
    %dma_start3A_186 = arith.constant 0 : i32
    %dma_start3A_187 = tpu.memref_slice %arg4[%dma_start3A_185, %dma_start3A_186] : memref<100000x768xf32, #tpu.memory_space<hbm>> -> memref<100000x768xf32, #tpu.memory_space<hbm>>
    tpu.enqueue_indirect_dma source(%dma_start3A_187 : memref<100000x768xf32, #tpu.memory_space<hbm>>) target(%dma_start3A_181 : memref<8x768xf32, #tpu.memory_space<vmem>>) offsets(%dma_start3A_184 : memref<8xi32, #tpu.memory_space<vmem>>) semaphore(%arg9 : memref<!tpu.dma_semaphore, #tpu.memory_space<semaphore_mem>>)
    %mul3A_188 = arith.constant 32 : i32
    %mul3A_189 = arith.muli %rem3A_149, %mul3A_188 : i32
    %add3A_190 = arith.constant 16 : i32
    %add3A_191 = arith.addi %mul3A_189, %add3A_190 : i32
    %dma_start3A_192 = arith.constant 2 : i32
    %dma_start3A_193 = arith.constant 0 : i32
    %dma_start3A_194 = tpu.memref_slice %arg8[%add3A_191, %dma_start3A_193] : memref<128x768xf32, #tpu.memory_space<vmem>> -> memref<8x768xf32, #tpu.memory_space<vmem>>
    %dma_start3A_195 = arith.constant 8 : i32
    %dma_start3A_196 = tpu.memref_slice %arg6[%dma_start3A_192, %dma_start3A_195] : memref<4x128xi32, #tpu.memory_space<vmem>> -> memref<1x8xi32, #tpu.memory_space<vmem>>
    %dma_start3A_197 = tpu.memref_squeeze %dma_start3A_196 : memref<1x8xi32, #tpu.memory_space<vmem>> -> memref<8xi32, #tpu.memory_space<vmem>>
    %dma_start3A_198 = arith.constant 0 : i32
    %dma_start3A_199 = arith.constant 0 : i32
    %dma_start3A_200 = tpu.memref_slice %arg4[%dma_start3A_198, %dma_start3A_199] : memref<100000x768xf32, #tpu.memory_space<hbm>> -> memref<100000x768xf32, #tpu.memory_space<hbm>>
    tpu.enqueue_indirect_dma source(%dma_start3A_200 : memref<100000x768xf32, #tpu.memory_space<hbm>>) target(%dma_start3A_194 : memref<8x768xf32, #tpu.memory_space<vmem>>) offsets(%dma_start3A_197 : memref<8xi32, #tpu.memory_space<vmem>>) semaphore(%arg9 : memref<!tpu.dma_semaphore, #tpu.memory_space<semaphore_mem>>)
    %mul3A_201 = arith.constant 32 : i32
    %mul3A_202 = arith.muli %rem3A_149, %mul3A_201 : i32
    %add3A_203 = arith.constant 24 : i32
    %add3A_204 = arith.addi %mul3A_202, %add3A_203 : i32
    %dma_start3A_205 = arith.constant 3 : i32
    %dma_start3A_206 = arith.constant 0 : i32
    %dma_start3A_207 = tpu.memref_slice %arg8[%add3A_204, %dma_start3A_206] : memref<128x768xf32, #tpu.memory_space<vmem>> -> memref<8x768xf32, #tpu.memory_space<vmem>>
    %dma_start3A_208 = arith.constant 8 : i32
    %dma_start3A_209 = tpu.memref_slice %arg6[%dma_start3A_205, %dma_start3A_208] : memref<4x128xi32, #tpu.memory_space<vmem>> -> memref<1x8xi32, #tpu.memory_space<vmem>>
    %dma_start3A_210 = tpu.memref_squeeze %dma_start3A_209 : memref<1x8xi32, #tpu.memory_space<vmem>> -> memref<8xi32, #tpu.memory_space<vmem>>
    %dma_start3A_211 = arith.constant 0 : i32
    %dma_start3A_212 = arith.constant 0 : i32
    %dma_start3A_213 = tpu.memref_slice %arg4[%dma_start3A_211, %dma_start3A_212] : memref<100000x768xf32, #tpu.memory_space<hbm>> -> memref<100000x768xf32, #tpu.memory_space<hbm>>
    tpu.enqueue_indirect_dma source(%dma_start3A_213 : memref<100000x768xf32, #tpu.memory_space<hbm>>) target(%dma_start3A_207 : memref<8x768xf32, #tpu.memory_space<vmem>>) offsets(%dma_start3A_210 : memref<8xi32, #tpu.memory_space<vmem>>) semaphore(%arg9 : memref<!tpu.dma_semaphore, #tpu.memory_space<semaphore_mem>>)
    %scan3A = arith.constant 0 : i32
    %scan3A_214 = arith.constant 16 : i32
    %scan3A_215 = arith.addi %scan3A, %scan3A_214 : i32
    %scan3A_216 = arith.constant 1 : i32
    scf.for %scan3A_242 = %scan3A to %scan3A_215 step %scan3A_216  : i32 {
      %mul3A_243 = arith.constant 1 : i32
      %mul3A_244 = arith.muli %scan3A_242, %mul3A_243 : i32
      %add3A_245 = arith.constant 0 : i32
      %add3A_246 = arith.addi %add3A_245, %mul3A_244 : i32
      %rem3A_247 = arith.constant 4 : i32
      %rem3A_248 = arith.remsi %add3A_246, %rem3A_247 : i32
      %mul3A_249 = arith.constant 32 : i32
      %mul3A_250 = arith.muli %rem3A_248, %mul3A_249 : i32
      %mul3A_251 = arith.constant 8 : i32
      %mul3A_252 = arith.muli %rem3A_248, %mul3A_251 : i32
      %dma_wait3A_253 = arith.constant 0 : i32
      %dma_wait3A_254 = arith.constant 0 : i32
      %dma_wait3A_255 = tpu.memref_slice %arg7[%dma_wait3A_253, %dma_wait3A_254] : memref<32x768xf32, #tpu.memory_space<vmem>> -> memref<8x768xf32, #tpu.memory_space<vmem>>
      %dma_wait3A_256 = arith.constant 0 : i32
      %dma_wait3A_257 = arith.constant 0 : i32
      %dma_wait3A_258 = tpu.memref_slice %arg3[%dma_wait3A_256, %dma_wait3A_257] : memref<4096x768xf32, #tpu.memory_space<hbm>> -> memref<8x768xf32, #tpu.memory_space<hbm>>
      %dma_wait3A_259 = arith.constant 0 : i32
      %dma_wait3A_260 = arith.constant 0 : i32
      %dma_wait3A_261 = tpu.memref_slice %arg7[%dma_wait3A_259, %dma_wait3A_260] : memref<32x768xf32, #tpu.memory_space<vmem>> -> memref<8x768xf32, #tpu.memory_space<vmem>>
      %dma_wait3A_262 = arith.constant 0 : i32
      %dma_wait3A_263 = arith.constant 0 : i32
      %dma_wait3A_264 = tpu.memref_slice %arg3[%dma_wait3A_262, %dma_wait3A_263] : memref<4096x768xf32, #tpu.memory_space<hbm>> -> memref<8x768xf32, #tpu.memory_space<hbm>>
      tpu.wait_dma2 semaphore(%arg11 : memref<!tpu.dma_semaphore, #tpu.memory_space<semaphore_mem>>) src(%dma_wait3A_264 : memref<8x768xf32, #tpu.memory_space<hbm>>) dst(%dma_wait3A_261 : memref<8x768xf32, #tpu.memory_space<vmem>>)
      %dma_wait3A_265 = arith.constant 0 : i32
      %dma_wait3A_266 = arith.constant 0 : i32
      %dma_wait3A_267 = tpu.memref_slice %arg8[%dma_wait3A_265, %dma_wait3A_266] : memref<128x768xf32, #tpu.memory_space<vmem>> -> memref<32x768xf32, #tpu.memory_space<vmem>>
      %dma_wait3A_268 = arith.constant 0 : i32
      %dma_wait3A_269 = arith.constant 0 : i32
      %dma_wait3A_270 = tpu.memref_slice %arg4[%dma_wait3A_268, %dma_wait3A_269] : memref<100000x768xf32, #tpu.memory_space<hbm>> -> memref<32x768xf32, #tpu.memory_space<hbm>>
      %dma_wait3A_271 = arith.constant 0 : i32
      %dma_wait3A_272 = arith.constant 0 : i32
      %dma_wait3A_273 = tpu.memref_slice %arg8[%dma_wait3A_271, %dma_wait3A_272] : memref<128x768xf32, #tpu.memory_space<vmem>> -> memref<32x768xf32, #tpu.memory_space<vmem>>
      %dma_wait3A_274 = arith.constant 0 : i32
      %dma_wait3A_275 = arith.constant 0 : i32
      %dma_wait3A_276 = tpu.memref_slice %arg4[%dma_wait3A_274, %dma_wait3A_275] : memref<100000x768xf32, #tpu.memory_space<hbm>> -> memref<32x768xf32, #tpu.memory_space<hbm>>
      tpu.wait_dma2 semaphore(%arg9 : memref<!tpu.dma_semaphore, #tpu.memory_space<semaphore_mem>>) src(%dma_wait3A_276 : memref<32x768xf32, #tpu.memory_space<hbm>>) dst(%dma_wait3A_273 : memref<32x768xf32, #tpu.memory_space<vmem>>)
      %ge3A = arith.constant 2 : i32
      %ge3A_277 = arith.cmpi sge, %add3A_246, %ge3A : i32
      %convert_element_type3A = arith.extui %ge3A_277 : i1 to i32
      %cond3A = arith.constant 0 : i32
      %cond3A_278 = arith.cmpi ne, %convert_element_type3A, %cond3A : i32
      scf.if %cond3A_278 {
        %dma_wait3A_347 = arith.constant 0 : i32
        %dma_wait3A_348 = arith.constant 0 : i32
        %dma_wait3A_349 = tpu.memref_slice %arg8[%dma_wait3A_347, %dma_wait3A_348] : memref<128x768xf32, #tpu.memory_space<vmem>> -> memref<32x768xf32, #tpu.memory_space<vmem>>
        %dma_wait3A_350 = arith.constant 0 : i32
        %dma_wait3A_351 = arith.constant 0 : i32
        %dma_wait3A_352 = tpu.memref_slice %arg5[%dma_wait3A_350, %dma_wait3A_351] : memref<16384x768xf32, #tpu.memory_space<hbm>> -> memref<32x768xf32, #tpu.memory_space<hbm>>
        %dma_wait3A_353 = arith.constant 0 : i32
        %dma_wait3A_354 = arith.constant 0 : i32
        %dma_wait3A_355 = tpu.memref_slice %arg5[%dma_wait3A_353, %dma_wait3A_354] : memref<16384x768xf32, #tpu.memory_space<hbm>> -> memref<32x768xf32, #tpu.memory_space<hbm>>
        %dma_wait3A_356 = arith.constant 0 : i32
        %dma_wait3A_357 = arith.constant 0 : i32
        %dma_wait3A_358 = tpu.memref_slice %arg8[%dma_wait3A_356, %dma_wait3A_357] : memref<128x768xf32, #tpu.memory_space<vmem>> -> memref<32x768xf32, #tpu.memory_space<vmem>>
        tpu.wait_dma2 semaphore(%arg10 : memref<!tpu.dma_semaphore, #tpu.memory_space<semaphore_mem>>) src(%dma_wait3A_358 : memref<32x768xf32, #tpu.memory_space<vmem>>) dst(%dma_wait3A_355 : memref<32x768xf32, #tpu.memory_space<hbm>>)
      } else {
      }
      %add3A_279 = arith.constant 2 : i32
      %add3A_280 = arith.addi %add3A_246, %add3A_279 : i32
      %lt3A = arith.constant 16 : i32
      %lt3A_281 = arith.cmpi slt, %add3A_280, %lt3A : i32
      %convert_element_type3A_282 = arith.extui %lt3A_281 : i1 to i32
      %cond3A_283 = arith.constant 0 : i32
      %cond3A_284 = arith.cmpi ne, %convert_element_type3A_282, %cond3A_283 : i32
      scf.if %cond3A_284 {
        %add3A_347 = arith.constant 2 : i32
        %add3A_348 = arith.addi %add3A_246, %add3A_347 : i32
        %rem3A_349 = arith.constant 4 : i32
        %rem3A_350 = arith.remsi %add3A_348, %rem3A_349 : i32
        %mul3A_351 = arith.constant 8 : i32
        %mul3A_352 = arith.muli %add3A_348, %mul3A_351 : i32
        %add3A_353 = arith.addi %mul3A_2, %mul3A_352 : i32
        %mul3A_354 = arith.constant 8 : i32
        %mul3A_355 = arith.muli %rem3A_350, %mul3A_354 : i32
        %dma_start3A_356 = arith.constant 0 : i32
        %dma_start3A_357 = tpu.memref_slice %arg7[%mul3A_355, %dma_start3A_356] : memref<32x768xf32, #tpu.memory_space<vmem>> -> memref<8x768xf32, #tpu.memory_space<vmem>>
        %dma_start3A_358 = arith.constant 0 : i32
        %dma_start3A_359 = tpu.memref_slice %arg3[%add3A_353, %dma_start3A_358] : memref<4096x768xf32, #tpu.memory_space<hbm>> -> memref<8x768xf32, #tpu.memory_space<hbm>>
        %dma_start3A_360 = arith.constant 0 : i32
        %dma_start3A_361 = tpu.memref_slice %arg7[%mul3A_355, %dma_start3A_360] : memref<32x768xf32, #tpu.memory_space<vmem>> -> memref<8x768xf32, #tpu.memory_space<vmem>>
        %dma_start3A_362 = arith.constant 0 : i32
        %dma_start3A_363 = tpu.memref_slice %arg3[%add3A_353, %dma_start3A_362] : memref<4096x768xf32, #tpu.memory_space<hbm>> -> memref<8x768xf32, #tpu.memory_space<hbm>>
        tpu.enqueue_dma source(%dma_start3A_363 : memref<8x768xf32, #tpu.memory_space<hbm>>) target(%dma_start3A_361 : memref<8x768xf32, #tpu.memory_space<vmem>>) target_semaphore(%arg11 : memref<!tpu.dma_semaphore, #tpu.memory_space<semaphore_mem>>)
        %mul3A_364 = arith.constant 8 : i32
        %mul3A_365 = arith.muli %add3A_348, %mul3A_364 : i32
        %mul3A_366 = arith.constant 32 : i32
        %mul3A_367 = arith.muli %rem3A_350, %mul3A_366 : i32
        %add3A_368 = arith.constant 0 : i32
        %add3A_369 = arith.addi %mul3A_367, %add3A_368 : i32
        %dma_start3A_370 = arith.constant 0 : i32
        %dma_start3A_371 = arith.constant 0 : i32
        %dma_start3A_372 = tpu.memref_slice %arg8[%add3A_369, %dma_start3A_371] : memref<128x768xf32, #tpu.memory_space<vmem>> -> memref<8x768xf32, #tpu.memory_space<vmem>>
        %dma_start3A_373 = tpu.memref_slice %arg6[%dma_start3A_370, %mul3A_365] : memref<4x128xi32, #tpu.memory_space<vmem>> -> memref<1x8xi32, #tpu.memory_space<vmem>>
        %dma_start3A_374 = tpu.memref_squeeze %dma_start3A_373 : memref<1x8xi32, #tpu.memory_space<vmem>> -> memref<8xi32, #tpu.memory_space<vmem>>
        %dma_start3A_375 = arith.constant 0 : i32
        %dma_start3A_376 = arith.constant 0 : i32
        %dma_start3A_377 = tpu.memref_slice %arg4[%dma_start3A_375, %dma_start3A_376] : memref<100000x768xf32, #tpu.memory_space<hbm>> -> memref<100000x768xf32, #tpu.memory_space<hbm>>
        tpu.enqueue_indirect_dma source(%dma_start3A_377 : memref<100000x768xf32, #tpu.memory_space<hbm>>) target(%dma_start3A_372 : memref<8x768xf32, #tpu.memory_space<vmem>>) offsets(%dma_start3A_374 : memref<8xi32, #tpu.memory_space<vmem>>) semaphore(%arg9 : memref<!tpu.dma_semaphore, #tpu.memory_space<semaphore_mem>>)
        %mul3A_378 = arith.constant 8 : i32
        %mul3A_379 = arith.muli %add3A_348, %mul3A_378 : i32
        %mul3A_380 = arith.constant 32 : i32
        %mul3A_381 = arith.muli %rem3A_350, %mul3A_380 : i32
        %add3A_382 = arith.constant 8 : i32
        %add3A_383 = arith.addi %mul3A_381, %add3A_382 : i32
        %dma_start3A_384 = arith.constant 1 : i32
        %dma_start3A_385 = arith.constant 0 : i32
        %dma_start3A_386 = tpu.memref_slice %arg8[%add3A_383, %dma_start3A_385] : memref<128x768xf32, #tpu.memory_space<vmem>> -> memref<8x768xf32, #tpu.memory_space<vmem>>
        %dma_start3A_387 = tpu.memref_slice %arg6[%dma_start3A_384, %mul3A_379] : memref<4x128xi32, #tpu.memory_space<vmem>> -> memref<1x8xi32, #tpu.memory_space<vmem>>
        %dma_start3A_388 = tpu.memref_squeeze %dma_start3A_387 : memref<1x8xi32, #tpu.memory_space<vmem>> -> memref<8xi32, #tpu.memory_space<vmem>>
        %dma_start3A_389 = arith.constant 0 : i32
        %dma_start3A_390 = arith.constant 0 : i32
        %dma_start3A_391 = tpu.memref_slice %arg4[%dma_start3A_389, %dma_start3A_390] : memref<100000x768xf32, #tpu.memory_space<hbm>> -> memref<100000x768xf32, #tpu.memory_space<hbm>>
        tpu.enqueue_indirect_dma source(%dma_start3A_391 : memref<100000x768xf32, #tpu.memory_space<hbm>>) target(%dma_start3A_386 : memref<8x768xf32, #tpu.memory_space<vmem>>) offsets(%dma_start3A_388 : memref<8xi32, #tpu.memory_space<vmem>>) semaphore(%arg9 : memref<!tpu.dma_semaphore, #tpu.memory_space<semaphore_mem>>)
        %mul3A_392 = arith.constant 8 : i32
        %mul3A_393 = arith.muli %add3A_348, %mul3A_392 : i32
        %mul3A_394 = arith.constant 32 : i32
        %mul3A_395 = arith.muli %rem3A_350, %mul3A_394 : i32
        %add3A_396 = arith.constant 16 : i32
        %add3A_397 = arith.addi %mul3A_395, %add3A_396 : i32
        %dma_start3A_398 = arith.constant 2 : i32
        %dma_start3A_399 = arith.constant 0 : i32
        %dma_start3A_400 = tpu.memref_slice %arg8[%add3A_397, %dma_start3A_399] : memref<128x768xf32, #tpu.memory_space<vmem>> -> memref<8x768xf32, #tpu.memory_space<vmem>>
        %dma_start3A_401 = tpu.memref_slice %arg6[%dma_start3A_398, %mul3A_393] : memref<4x128xi32, #tpu.memory_space<vmem>> -> memref<1x8xi32, #tpu.memory_space<vmem>>
        %dma_start3A_402 = tpu.memref_squeeze %dma_start3A_401 : memref<1x8xi32, #tpu.memory_space<vmem>> -> memref<8xi32, #tpu.memory_space<vmem>>
        %dma_start3A_403 = arith.constant 0 : i32
        %dma_start3A_404 = arith.constant 0 : i32
        %dma_start3A_405 = tpu.memref_slice %arg4[%dma_start3A_403, %dma_start3A_404] : memref<100000x768xf32, #tpu.memory_space<hbm>> -> memref<100000x768xf32, #tpu.memory_space<hbm>>
        tpu.enqueue_indirect_dma source(%dma_start3A_405 : memref<100000x768xf32, #tpu.memory_space<hbm>>) target(%dma_start3A_400 : memref<8x768xf32, #tpu.memory_space<vmem>>) offsets(%dma_start3A_402 : memref<8xi32, #tpu.memory_space<vmem>>) semaphore(%arg9 : memref<!tpu.dma_semaphore, #tpu.memory_space<semaphore_mem>>)
        %mul3A_406 = arith.constant 8 : i32
        %mul3A_407 = arith.muli %add3A_348, %mul3A_406 : i32
        %mul3A_408 = arith.constant 32 : i32
        %mul3A_409 = arith.muli %rem3A_350, %mul3A_408 : i32
        %add3A_410 = arith.constant 24 : i32
        %add3A_411 = arith.addi %mul3A_409, %add3A_410 : i32
        %dma_start3A_412 = arith.constant 3 : i32
        %dma_start3A_413 = arith.constant 0 : i32
        %dma_start3A_414 = tpu.memref_slice %arg8[%add3A_411, %dma_start3A_413] : memref<128x768xf32, #tpu.memory_space<vmem>> -> memref<8x768xf32, #tpu.memory_space<vmem>>
        %dma_start3A_415 = tpu.memref_slice %arg6[%dma_start3A_412, %mul3A_407] : memref<4x128xi32, #tpu.memory_space<vmem>> -> memref<1x8xi32, #tpu.memory_space<vmem>>
        %dma_start3A_416 = tpu.memref_squeeze %dma_start3A_415 : memref<1x8xi32, #tpu.memory_space<vmem>> -> memref<8xi32, #tpu.memory_space<vmem>>
        %dma_start3A_417 = arith.constant 0 : i32
        %dma_start3A_418 = arith.constant 0 : i32
        %dma_start3A_419 = tpu.memref_slice %arg4[%dma_start3A_417, %dma_start3A_418] : memref<100000x768xf32, #tpu.memory_space<hbm>> -> memref<100000x768xf32, #tpu.memory_space<hbm>>
        tpu.enqueue_indirect_dma source(%dma_start3A_419 : memref<100000x768xf32, #tpu.memory_space<hbm>>) target(%dma_start3A_414 : memref<8x768xf32, #tpu.memory_space<vmem>>) offsets(%dma_start3A_416 : memref<8xi32, #tpu.memory_space<vmem>>) semaphore(%arg9 : memref<!tpu.dma_semaphore, #tpu.memory_space<semaphore_mem>>)
      } else {
      }
      %parallel_loop3A = arith.constant 0 : i32
      %parallel_loop3A_285 = arith.constant 8 : i32
      %parallel_loop3A_286 = arith.constant 1 : i32
      scf.for %parallel_loop3A_347 = %parallel_loop3A to %parallel_loop3A_285 step %parallel_loop3A_286  : i32 {
        %parallel_loop3A_348 = arith.addi %mul3A_252, %parallel_loop3A_347 : i32
        %parallel_loop3A_349 = arith.index_cast %parallel_loop3A_348 : i32 to index
        %parallel_loop3A_350 = arith.constant 0 : index
        %parallel_loop3A_351 = tpu.vector_load %arg7[%parallel_loop3A_349, %parallel_loop3A_350] {strides = array<i32>} : memref<32x768xf32, #tpu.memory_space<vmem>>, vector<1x16xf32>,
        %parallel_loop3A_352 = vector.shape_cast %parallel_loop3A_351 : vector<1x16xf32> to vector<16xf32>
        %parallel_loop3A_353 = arith.addi %mul3A_252, %parallel_loop3A_347 : i32
        %parallel_loop3A_354 = arith.index_cast %parallel_loop3A_353 : i32 to index
        %parallel_loop3A_355 = arith.constant 16 : index
        %parallel_loop3A_356 = tpu.vector_load %arg7[%parallel_loop3A_354, %parallel_loop3A_355] {strides = array<i32>} : memref<32x768xf32, #tpu.memory_space<vmem>>, vector<1x16xf32>,
        %parallel_loop3A_357 = vector.shape_cast %parallel_loop3A_356 : vector<1x16xf32> to vector<16xf32>
        %parallel_loop3A_358 = arith.addi %mul3A_252, %parallel_loop3A_347 : i32
        %parallel_loop3A_359 = arith.index_cast %parallel_loop3A_358 : i32 to index
        %parallel_loop3A_360 = arith.constant 32 : index
        %parallel_loop3A_361 = tpu.vector_load %arg7[%parallel_loop3A_359, %parallel_loop3A_360] {strides = array<i32>} : memref<32x768xf32, #tpu.memory_space<vmem>>, vector<1x16xf32>,
        %parallel_loop3A_362 = vector.shape_cast %parallel_loop3A_361 : vector<1x16xf32> to vector<16xf32>
        %parallel_loop3A_363 = arith.addi %mul3A_252, %parallel_loop3A_347 : i32
        %parallel_loop3A_364 = arith.index_cast %parallel_loop3A_363 : i32 to index
        %parallel_loop3A_365 = arith.constant 48 : index
        %parallel_loop3A_366 = tpu.vector_load %arg7[%parallel_loop3A_364, %parallel_loop3A_365] {strides = array<i32>} : memref<32x768xf32, #tpu.memory_space<vmem>>, vector<1x16xf32>,
        %parallel_loop3A_367 = vector.shape_cast %parallel_loop3A_366 : vector<1x16xf32> to vector<16xf32>
        %parallel_loop3A_368 = arith.constant 0 : i32
        %parallel_loop3A_369 = arith.addi %mul3A_250, %parallel_loop3A_368 : i32
        %parallel_loop3A_370 = arith.addi %parallel_loop3A_369, %parallel_loop3A_347 : i32
        %parallel_loop3A_371 = arith.index_cast %parallel_loop3A_370 : i32 to index
        %parallel_loop3A_372 = arith.constant 0 : index
        %parallel_loop3A_373 = tpu.vector_load %arg8[%parallel_loop3A_371, %parallel_loop3A_372] {strides = array<i32>} : memref<128x768xf32, #tpu.memory_space<vmem>>, vector<1x16xf32>,
        %parallel_loop3A_374 = vector.shape_cast %parallel_loop3A_373 : vector<1x16xf32> to vector<16xf32>
        %parallel_loop3A_375 = vector.shape_cast %parallel_loop3A_352 : vector<16xf32> to vector<1x16xf32>
        tpu.vector_store %arg8[%parallel_loop3A_371, %parallel_loop3A_372], %parallel_loop3A_375 {add = true, strides = array<i32>} : memref<128x768xf32, #tpu.memory_space<vmem>>, vector<1x16xf32>,
        %parallel_loop3A_376 = arith.constant 8 : i32
        %parallel_loop3A_377 = arith.addi %mul3A_250, %parallel_loop3A_376 : i32
        %parallel_loop3A_378 = arith.addi %parallel_loop3A_377, %parallel_loop3A_347 : i32
        %parallel_loop3A_379 = arith.index_cast %parallel_loop3A_378 : i32 to index
        %parallel_loop3A_380 = arith.constant 0 : index
        %parallel_loop3A_381 = tpu.vector_load %arg8[%parallel_loop3A_379, %parallel_loop3A_380] {strides = array<i32>} : memref<128x768xf32, #tpu.memory_space<vmem>>, vector<1x16xf32>,
        %parallel_loop3A_382 = vector.shape_cast %parallel_loop3A_381 : vector<1x16xf32> to vector<16xf32>
        %parallel_loop3A_383 = vector.shape_cast %parallel_loop3A_352 : vector<16xf32> to vector<1x16xf32>
        tpu.vector_store %arg8[%parallel_loop3A_379, %parallel_loop3A_380], %parallel_loop3A_383 {add = true, strides = array<i32>} : memref<128x768xf32, #tpu.memory_space<vmem>>, vector<1x16xf32>,
        %parallel_loop3A_384 = arith.constant 16 : i32
        %parallel_loop3A_385 = arith.addi %mul3A_250, %parallel_loop3A_384 : i32
        %parallel_loop3A_386 = arith.addi %parallel_loop3A_385, %parallel_loop3A_347 : i32
        %parallel_loop3A_387 = arith.index_cast %parallel_loop3A_386 : i32 to index
        %parallel_loop3A_388 = arith.constant 0 : index
        %parallel_loop3A_389 = tpu.vector_load %arg8[%parallel_loop3A_387, %parallel_loop3A_388] {strides = array<i32>} : memref<128x768xf32, #tpu.memory_space<vmem>>, vector<1x16xf32>,
        %parallel_loop3A_390 = vector.shape_cast %parallel_loop3A_389 : vector<1x16xf32> to vector<16xf32>
        %parallel_loop3A_391 = vector.shape_cast %parallel_loop3A_352 : vector<16xf32> to vector<1x16xf32>
        tpu.vector_store %arg8[%parallel_loop3A_387, %parallel_loop3A_388], %parallel_loop3A_391 {add = true, strides = array<i32>} : memref<128x768xf32, #tpu.memory_space<vmem>>, vector<1x16xf32>,
        %parallel_loop3A_392 = arith.constant 24 : i32
        %parallel_loop3A_393 = arith.addi %mul3A_250, %parallel_loop3A_392 : i32
        %parallel_loop3A_394 = arith.addi %parallel_loop3A_393, %parallel_loop3A_347 : i32
        %parallel_loop3A_395 = arith.index_cast %parallel_loop3A_394 : i32 to index
        %parallel_loop3A_396 = arith.constant 0 : index
        %parallel_loop3A_397 = tpu.vector_load %arg8[%parallel_loop3A_395, %parallel_loop3A_396] {strides = array<i32>} : memref<128x768xf32, #tpu.memory_space<vmem>>, vector<1x16xf32>,
        %parallel_loop3A_398 = vector.shape_cast %parallel_loop3A_397 : vector<1x16xf32> to vector<16xf32>
        %parallel_loop3A_399 = vector.shape_cast %parallel_loop3A_352 : vector<16xf32> to vector<1x16xf32>
        tpu.vector_store %arg8[%parallel_loop3A_395, %parallel_loop3A_396], %parallel_loop3A_399 {add = true, strides = array<i32>} : memref<128x768xf32, #tpu.memory_space<vmem>>, vector<1x16xf32>,
        %parallel_loop3A_400 = arith.constant 0 : i32
        %parallel_loop3A_401 = arith.addi %mul3A_250, %parallel_loop3A_400 : i32
        %parallel_loop3A_402 = arith.addi %parallel_loop3A_401, %parallel_loop3A_347 : i32
        %parallel_loop3A_403 = arith.index_cast %parallel_loop3A_402 : i32 to index
        %parallel_loop3A_404 = arith.constant 16 : index
        %parallel_loop3A_405 = tpu.vector_load %arg8[%parallel_loop3A_403, %parallel_loop3A_404] {strides = array<i32>} : memref<128x768xf32, #tpu.memory_space<vmem>>, vector<1x16xf32>,
        %parallel_loop3A_406 = vector.shape_cast %parallel_loop3A_405 : vector<1x16xf32> to vector<16xf32>
        %parallel_loop3A_407 = vector.shape_cast %parallel_loop3A_357 : vector<16xf32> to vector<1x16xf32>
        tpu.vector_store %arg8[%parallel_loop3A_403, %parallel_loop3A_404], %parallel_loop3A_407 {add = true, strides = array<i32>} : memref<128x768xf32, #tpu.memory_space<vmem>>, vector<1x16xf32>,
        %parallel_loop3A_408 = arith.constant 8 : i32
        %parallel_loop3A_409 = arith.addi %mul3A_250, %parallel_loop3A_408 : i32
        %parallel_loop3A_410 = arith.addi %parallel_loop3A_409, %parallel_loop3A_347 : i32
        %parallel_loop3A_411 = arith.index_cast %parallel_loop3A_410 : i32 to index
        %parallel_loop3A_412 = arith.constant 16 : index
        %parallel_loop3A_413 = tpu.vector_load %arg8[%parallel_loop3A_411, %parallel_loop3A_412] {strides = array<i32>} : memref<128x768xf32, #tpu.memory_space<vmem>>, vector<1x16xf32>,
        %parallel_loop3A_414 = vector.shape_cast %parallel_loop3A_413 : vector<1x16xf32> to vector<16xf32>
        %parallel_loop3A_415 = vector.shape_cast %parallel_loop3A_357 : vector<16xf32> to vector<1x16xf32>
        tpu.vector_store %arg8[%parallel_loop3A_411, %parallel_loop3A_412], %parallel_loop3A_415 {add = true, strides = array<i32>} : memref<128x768xf32, #tpu.memory_space<vmem>>, vector<1x16xf32>,
        %parallel_loop3A_416 = arith.constant 16 : i32
        %parallel_loop3A_417 = arith.addi %mul3A_250, %parallel_loop3A_416 : i32
        %parallel_loop3A_418 = arith.addi %parallel_loop3A_417, %parallel_loop3A_347 : i32
        %parallel_loop3A_419 = arith.index_cast %parallel_loop3A_418 : i32 to index
        %parallel_loop3A_420 = arith.constant 16 : index
        %parallel_loop3A_421 = tpu.vector_load %arg8[%parallel_loop3A_419, %parallel_loop3A_420] {strides = array<i32>} : memref<128x768xf32, #tpu.memory_space<vmem>>, vector<1x16xf32>,
        %parallel_loop3A_422 = vector.shape_cast %parallel_loop3A_421 : vector<1x16xf32> to vector<16xf32>
        %parallel_loop3A_423 = vector.shape_cast %parallel_loop3A_357 : vector<16xf32> to vector<1x16xf32>
        tpu.vector_store %arg8[%parallel_loop3A_419, %parallel_loop3A_420], %parallel_loop3A_423 {add = true, strides = array<i32>} : memref<128x768xf32, #tpu.memory_space<vmem>>, vector<1x16xf32>,
        %parallel_loop3A_424 = arith.constant 24 : i32
        %parallel_loop3A_425 = arith.addi %mul3A_250, %parallel_loop3A_424 : i32
        %parallel_loop3A_426 = arith.addi %parallel_loop3A_425, %parallel_loop3A_347 : i32
        %parallel_loop3A_427 = arith.index_cast %parallel_loop3A_426 : i32 to index
        %parallel_loop3A_428 = arith.constant 16 : index
        %parallel_loop3A_429 = tpu.vector_load %arg8[%parallel_loop3A_427, %parallel_loop3A_428] {strides = array<i32>} : memref<128x768xf32, #tpu.memory_space<vmem>>, vector<1x16xf32>,
        %parallel_loop3A_430 = vector.shape_cast %parallel_loop3A_429 : vector<1x16xf32> to vector<16xf32>
        %parallel_loop3A_431 = vector.shape_cast %parallel_loop3A_357 : vector<16xf32> to vector<1x16xf32>
        tpu.vector_store %arg8[%parallel_loop3A_427, %parallel_loop3A_428], %parallel_loop3A_431 {add = true, strides = array<i32>} : memref<128x768xf32, #tpu.memory_space<vmem>>, vector<1x16xf32>,
        %parallel_loop3A_432 = arith.constant 0 : i32
        %parallel_loop3A_433 = arith.addi %mul3A_250, %parallel_loop3A_432 : i32
        %parallel_loop3A_434 = arith.addi %parallel_loop3A_433, %parallel_loop3A_347 : i32
        %parallel_loop3A_435 = arith.index_cast %parallel_loop3A_434 : i32 to index
        %parallel_loop3A_436 = arith.constant 32 : index
        %parallel_loop3A_437 = tpu.vector_load %arg8[%parallel_loop3A_435, %parallel_loop3A_436] {strides = array<i32>} : memref<128x768xf32, #tpu.memory_space<vmem>>, vector<1x16xf32>,
        %parallel_loop3A_438 = vector.shape_cast %parallel_loop3A_437 : vector<1x16xf32> to vector<16xf32>
        %parallel_loop3A_439 = vector.shape_cast %parallel_loop3A_362 : vector<16xf32> to vector<1x16xf32>
        tpu.vector_store %arg8[%parallel_loop3A_435, %parallel_loop3A_436], %parallel_loop3A_439 {add = true, strides = array<i32>} : memref<128x768xf32, #tpu.memory_space<vmem>>, vector<1x16xf32>,
        %parallel_loop3A_440 = arith.constant 8 : i32
        %parallel_loop3A_441 = arith.addi %mul3A_250, %parallel_loop3A_440 : i32
        %parallel_loop3A_442 = arith.addi %parallel_loop3A_441, %parallel_loop3A_347 : i32
        %parallel_loop3A_443 = arith.index_cast %parallel_loop3A_442 : i32 to index
        %parallel_loop3A_444 = arith.constant 32 : index
        %parallel_loop3A_445 = tpu.vector_load %arg8[%parallel_loop3A_443, %parallel_loop3A_444] {strides = array<i32>} : memref<128x768xf32, #tpu.memory_space<vmem>>, vector<1x16xf32>,
        %parallel_loop3A_446 = vector.shape_cast %parallel_loop3A_445 : vector<1x16xf32> to vector<16xf32>
        %parallel_loop3A_447 = vector.shape_cast %parallel_loop3A_362 : vector<16xf32> to vector<1x16xf32>
        tpu.vector_store %arg8[%parallel_loop3A_443, %parallel_loop3A_444], %parallel_loop3A_447 {add = true, strides = array<i32>} : memref<128x768xf32, #tpu.memory_space<vmem>>, vector<1x16xf32>,
        %parallel_loop3A_448 = arith.constant 16 : i32
        %parallel_loop3A_449 = arith.addi %mul3A_250, %parallel_loop3A_448 : i32
        %parallel_loop3A_450 = arith.addi %parallel_loop3A_449, %parallel_loop3A_347 : i32
        %parallel_loop3A_451 = arith.index_cast %parallel_loop3A_450 : i32 to index
        %parallel_loop3A_452 = arith.constant 32 : index
        %parallel_loop3A_453 = tpu.vector_load %arg8[%parallel_loop3A_451, %parallel_loop3A_452] {strides = array<i32>} : memref<128x768xf32, #tpu.memory_space<vmem>>, vector<1x16xf32>,
        %parallel_loop3A_454 = vector.shape_cast %parallel_loop3A_453 : vector<1x16xf32> to vector<16xf32>
        %parallel_loop3A_455 = vector.shape_cast %parallel_loop3A_362 : vector<16xf32> to vector<1x16xf32>
        tpu.vector_store %arg8[%parallel_loop3A_451, %parallel_loop3A_452], %parallel_loop3A_455 {add = true, strides = array<i32>} : memref<128x768xf32, #tpu.memory_space<vmem>>, vector<1x16xf32>,
        %parallel_loop3A_456 = arith.constant 24 : i32
        %parallel_loop3A_457 = arith.addi %mul3A_250, %parallel_loop3A_456 : i32
        %parallel_loop3A_458 = arith.addi %parallel_loop3A_457, %parallel_loop3A_347 : i32
        %parallel_loop3A_459 = arith.index_cast %parallel_loop3A_458 : i32 to index
        %parallel_loop3A_460 = arith.constant 32 : index
        %parallel_loop3A_461 = tpu.vector_load %arg8[%parallel_loop3A_459, %parallel_loop3A_460] {strides = array<i32>} : memref<128x768xf32, #tpu.memory_space<vmem>>, vector<1x16xf32>,
        %parallel_loop3A_462 = vector.shape_cast %parallel_loop3A_461 : vector<1x16xf32> to vector<16xf32>
        %parallel_loop3A_463 = vector.shape_cast %parallel_loop3A_362 : vector<16xf32> to vector<1x16xf32>
        tpu.vector_store %arg8[%parallel_loop3A_459, %parallel_loop3A_460], %parallel_loop3A_463 {add = true, strides = array<i32>} : memref<128x768xf32, #tpu.memory_space<vmem>>, vector<1x16xf32>,
        %parallel_loop3A_464 = arith.constant 0 : i32
        %parallel_loop3A_465 = arith.addi %mul3A_250, %parallel_loop3A_464 : i32
        %parallel_loop3A_466 = arith.addi %parallel_loop3A_465, %parallel_loop3A_347 : i32
        %parallel_loop3A_467 = arith.index_cast %parallel_loop3A_466 : i32 to index
        %parallel_loop3A_468 = arith.constant 48 : index
        %parallel_loop3A_469 = tpu.vector_load %arg8[%parallel_loop3A_467, %parallel_loop3A_468] {strides = array<i32>} : memref<128x768xf32, #tpu.memory_space<vmem>>, vector<1x16xf32>,
        %parallel_loop3A_470 = vector.shape_cast %parallel_loop3A_469 : vector<1x16xf32> to vector<16xf32>
        %parallel_loop3A_471 = vector.shape_cast %parallel_loop3A_367 : vector<16xf32> to vector<1x16xf32>
        tpu.vector_store %arg8[%parallel_loop3A_467, %parallel_loop3A_468], %parallel_loop3A_471 {add = true, strides = array<i32>} : memref<128x768xf32, #tpu.memory_space<vmem>>, vector<1x16xf32>,
        %parallel_loop3A_472 = arith.constant 8 : i32
        %parallel_loop3A_473 = arith.addi %mul3A_250, %parallel_loop3A_472 : i32
        %parallel_loop3A_474 = arith.addi %parallel_loop3A_473, %parallel_loop3A_347 : i32
        %parallel_loop3A_475 = arith.index_cast %parallel_loop3A_474 : i32 to index
        %parallel_loop3A_476 = arith.constant 48 : index
        %parallel_loop3A_477 = tpu.vector_load %arg8[%parallel_loop3A_475, %parallel_loop3A_476] {strides = array<i32>} : memref<128x768xf32, #tpu.memory_space<vmem>>, vector<1x16xf32>,
        %parallel_loop3A_478 = vector.shape_cast %parallel_loop3A_477 : vector<1x16xf32> to vector<16xf32>
        %parallel_loop3A_479 = vector.shape_cast %parallel_loop3A_367 : vector<16xf32> to vector<1x16xf32>
        tpu.vector_store %arg8[%parallel_loop3A_475, %parallel_loop3A_476], %parallel_loop3A_479 {add = true, strides = array<i32>} : memref<128x768xf32, #tpu.memory_space<vmem>>, vector<1x16xf32>,
        %parallel_loop3A_480 = arith.constant 16 : i32
        %parallel_loop3A_481 = arith.addi %mul3A_250, %parallel_loop3A_480 : i32
        %parallel_loop3A_482 = arith.addi %parallel_loop3A_481, %parallel_loop3A_347 : i32
        %parallel_loop3A_483 = arith.index_cast %parallel_loop3A_482 : i32 to index
        %parallel_loop3A_484 = arith.constant 48 : index
        %parallel_loop3A_485 = tpu.vector_load %arg8[%parallel_loop3A_483, %parallel_loop3A_484] {strides = array<i32>} : memref<128x768xf32, #tpu.memory_space<vmem>>, vector<1x16xf32>,
        %parallel_loop3A_486 = vector.shape_cast %parallel_loop3A_485 : vector<1x16xf32> to vector<16xf32>
        %parallel_loop3A_487 = vector.shape_cast %parallel_loop3A_367 : vector<16xf32> to vector<1x16xf32>
        tpu.vector_store %arg8[%parallel_loop3A_483, %parallel_loop3A_484], %parallel_loop3A_487 {add = true, strides = array<i32>} : memref<128x768xf32, #tpu.memory_space<vmem>>, vector<1x16xf32>,
        %parallel_loop3A_488 = arith.constant 24 : i32
        %parallel_loop3A_489 = arith.addi %mul3A_250, %parallel_loop3A_488 : i32
        %parallel_loop3A_490 = arith.addi %parallel_loop3A_489, %parallel_loop3A_347 : i32
        %parallel_loop3A_491 = arith.index_cast %parallel_loop3A_490 : i32 to index
        %parallel_loop3A_492 = arith.constant 48 : index
        %parallel_loop3A_493 = tpu.vector_load %arg8[%parallel_loop3A_491, %parallel_loop3A_492] {strides = array<i32>} : memref<128x768xf32, #tpu.memory_space<vmem>>, vector<1x16xf32>,
        %parallel_loop3A_494 = vector.shape_cast %parallel_loop3A_493 : vector<1x16xf32> to vector<16xf32>
        %parallel_loop3A_495 = vector.shape_cast %parallel_loop3A_367 : vector<16xf32> to vector<1x16xf32>
        tpu.vector_store %arg8[%parallel_loop3A_491, %parallel_loop3A_492], %parallel_loop3A_495 {add = true, strides = array<i32>} : memref<128x768xf32, #tpu.memory_space<vmem>>, vector<1x16xf32>,
        %parallel_loop3A_496 = arith.addi %mul3A_252, %parallel_loop3A_347 : i32
        %parallel_loop3A_497 = arith.index_cast %parallel_loop3A_496 : i32 to index
        %parallel_loop3A_498 = arith.constant 64 : index
        %parallel_loop3A_499 = tpu.vector_load %arg7[%parallel_loop3A_497, %parallel_loop3A_498] {strides = array<i32>} : memref<32x768xf32, #tpu.memory_space<vmem>>, vector<1x16xf32>,
        %parallel_loop3A_500 = vector.shape_cast %parallel_loop3A_499 : vector<1x16xf32> to vector<16xf32>
        %parallel_loop3A_501 = arith.addi %mul3A_252, %parallel_loop3A_347 : i32
        %parallel_loop3A_502 = arith.index_cast %parallel_loop3A_501 : i32 to index
        %parallel_loop3A_503 = arith.constant 80 : index
        %parallel_loop3A_504 = tpu.vector_load %arg7[%parallel_loop3A_502, %parallel_loop3A_503] {strides = array<i32>} : memref<32x768xf32, #tpu.memory_space<vmem>>, vector<1x16xf32>,
        %parallel_loop3A_505 = vector.shape_cast %parallel_loop3A_504 : vector<1x16xf32> to vector<16xf32>
        %parallel_loop3A_506 = arith.addi %mul3A_252, %parallel_loop3A_347 : i32
        %parallel_loop3A_507 = arith.index_cast %parallel_loop3A_506 : i32 to index
        %parallel_loop3A_508 = arith.constant 96 : index
        %parallel_loop3A_509 = tpu.vector_load %arg7[%parallel_loop3A_507, %parallel_loop3A_508] {strides = array<i32>} : memref<32x768xf32, #tpu.memory_space<vmem>>, vector<1x16xf32>,
        %parallel_loop3A_510 = vector.shape_cast %parallel_loop3A_509 : vector<1x16xf32> to vector<16xf32>
        %parallel_loop3A_511 = arith.addi %mul3A_252, %parallel_loop3A_347 : i32
        %parallel_loop3A_512 = arith.index_cast %parallel_loop3A_511 : i32 to index
        %parallel_loop3A_513 = arith.constant 112 : index
        %parallel_loop3A_514 = tpu.vector_load %arg7[%parallel_loop3A_512, %parallel_loop3A_513] {strides = array<i32>} : memref<32x768xf32, #tpu.memory_space<vmem>>, vector<1x16xf32>,
        %parallel_loop3A_515 = vector.shape_cast %parallel_loop3A_514 : vector<1x16xf32> to vector<16xf32>
        %parallel_loop3A_516 = arith.constant 0 : i32
        %parallel_loop3A_517 = arith.addi %mul3A_250, %parallel_loop3A_516 : i32
        %parallel_loop3A_518 = arith.addi %parallel_loop3A_517, %parallel_loop3A_347 : i32
        %parallel_loop3A_519 = arith.index_cast %parallel_loop3A_518 : i32 to index
        %parallel_loop3A_520 = arith.constant 64 : index
        %parallel_loop3A_521 = tpu.vector_load %arg8[%parallel_loop3A_519, %parallel_loop3A_520] {strides = array<i32>} : memref<128x768xf32, #tpu.memory_space<vmem>>, vector<1x16xf32>,
        %parallel_loop3A_522 = vector.shape_cast %parallel_loop3A_521 : vector<1x16xf32> to vector<16xf32>
        %parallel_loop3A_523 = vector.shape_cast %parallel_loop3A_500 : vector<16xf32> to vector<1x16xf32>
        tpu.vector_store %arg8[%parallel_loop3A_519, %parallel_loop3A_520], %parallel_loop3A_523 {add = true, strides = array<i32>} : memref<128x768xf32, #tpu.memory_space<vmem>>, vector<1x16xf32>,
        %parallel_loop3A_524 = arith.constant 8 : i32
        %parallel_loop3A_525 = arith.addi %mul3A_250, %parallel_loop3A_524 : i32
        %parallel_loop3A_526 = arith.addi %parallel_loop3A_525, %parallel_loop3A_347 : i32
        %parallel_loop3A_527 = arith.index_cast %parallel_loop3A_526 : i32 to index
        %parallel_loop3A_528 = arith.constant 64 : index
        %parallel_loop3A_529 = tpu.vector_load %arg8[%parallel_loop3A_527, %parallel_loop3A_528] {strides = array<i32>} : memref<128x768xf32, #tpu.memory_space<vmem>>, vector<1x16xf32>,
        %parallel_loop3A_530 = vector.shape_cast %parallel_loop3A_529 : vector<1x16xf32> to vector<16xf32>
        %parallel_loop3A_531 = vector.shape_cast %parallel_loop3A_500 : vector<16xf32> to vector<1x16xf32>
        tpu.vector_store %arg8[%parallel_loop3A_527, %parallel_loop3A_528], %parallel_loop3A_531 {add = true, strides = array<i32>} : memref<128x768xf32, #tpu.memory_space<vmem>>, vector<1x16xf32>,
        %parallel_loop3A_532 = arith.constant 16 : i32
        %parallel_loop3A_533 = arith.addi %mul3A_250, %parallel_loop3A_532 : i32
        %parallel_loop3A_534 = arith.addi %parallel_loop3A_533, %parallel_loop3A_347 : i32
        %parallel_loop3A_535 = arith.index_cast %parallel_loop3A_534 : i32 to index
        %parallel_loop3A_536 = arith.constant 64 : index
        %parallel_loop3A_537 = tpu.vector_load %arg8[%parallel_loop3A_535, %parallel_loop3A_536] {strides = array<i32>} : memref<128x768xf32, #tpu.memory_space<vmem>>, vector<1x16xf32>,
        %parallel_loop3A_538 = vector.shape_cast %parallel_loop3A_537 : vector<1x16xf32> to vector<16xf32>
        %parallel_loop3A_539 = vector.shape_cast %parallel_loop3A_500 : vector<16xf32> to vector<1x16xf32>
        tpu.vector_store %arg8[%parallel_loop3A_535, %parallel_loop3A_536], %parallel_loop3A_539 {add = true, strides = array<i32>} : memref<128x768xf32, #tpu.memory_space<vmem>>, vector<1x16xf32>,
        %parallel_loop3A_540 = arith.constant 24 : i32
        %parallel_loop3A_541 = arith.addi %mul3A_250, %parallel_loop3A_540 : i32
        %parallel_loop3A_542 = arith.addi %parallel_loop3A_541, %parallel_loop3A_347 : i32
        %parallel_loop3A_543 = arith.index_cast %parallel_loop3A_542 : i32 to index
        %parallel_loop3A_544 = arith.constant 64 : index
        %parallel_loop3A_545 = tpu.vector_load %arg8[%parallel_loop3A_543, %parallel_loop3A_544] {strides = array<i32>} : memref<128x768xf32, #tpu.memory_space<vmem>>, vector<1x16xf32>,
        %parallel_loop3A_546 = vector.shape_cast %parallel_loop3A_545 : vector<1x16xf32> to vector<16xf32>
        %parallel_loop3A_547 = vector.shape_cast %parallel_loop3A_500 : vector<16xf32> to vector<1x16xf32>
        tpu.vector_store %arg8[%parallel_loop3A_543, %parallel_loop3A_544], %parallel_loop3A_547 {add = true, strides = array<i32>} : memref<128x768xf32, #tpu.memory_space<vmem>>, vector<1x16xf32>,
        %parallel_loop3A_548 = arith.constant 0 : i32
        %parallel_loop3A_549 = arith.addi %mul3A_250, %parallel_loop3A_548 : i32
        %parallel_loop3A_550 = arith.addi %parallel_loop3A_549, %parallel_loop3A_347 : i32
        %parallel_loop3A_551 = arith.index_cast %parallel_loop3A_550 : i32 to index
        %parallel_loop3A_552 = arith.constant 80 : index
        %parallel_loop3A_553 = tpu.vector_load %arg8[%parallel_loop3A_551, %parallel_loop3A_552] {strides = array<i32>} : memref<128x768xf32, #tpu.memory_space<vmem>>, vector<1x16xf32>,
        %parallel_loop3A_554 = vector.shape_cast %parallel_loop3A_553 : vector<1x16xf32> to vector<16xf32>
        %parallel_loop3A_555 = vector.shape_cast %parallel_loop3A_505 : vector<16xf32> to vector<1x16xf32>
        tpu.vector_store %arg8[%parallel_loop3A_551, %parallel_loop3A_552], %parallel_loop3A_555 {add = true, strides = array<i32>} : memref<128x768xf32, #tpu.memory_space<vmem>>, vector<1x16xf32>,
        %parallel_loop3A_556 = arith.constant 8 : i32
        %parallel_loop3A_557 = arith.addi %mul3A_250, %parallel_loop3A_556 : i32
        %parallel_loop3A_558 = arith.addi %parallel_loop3A_557, %parallel_loop3A_347 : i32
        %parallel_loop3A_559 = arith.index_cast %parallel_loop3A_558 : i32 to index
        %parallel_loop3A_560 = arith.constant 80 : index
        %parallel_loop3A_561 = tpu.vector_load %arg8[%parallel_loop3A_559, %parallel_loop3A_560] {strides = array<i32>} : memref<128x768xf32, #tpu.memory_space<vmem>>, vector<1x16xf32>,
        %parallel_loop3A_562 = vector.shape_cast %parallel_loop3A_561 : vector<1x16xf32> to vector<16xf32>
        %parallel_loop3A_563 = vector.shape_cast %parallel_loop3A_505 : vector<16xf32> to vector<1x16xf32>
        tpu.vector_store %arg8[%parallel_loop3A_559, %parallel_loop3A_560], %parallel_loop3A_563 {add = true, strides = array<i32>} : memref<128x768xf32, #tpu.memory_space<vmem>>, vector<1x16xf32>,
        %parallel_loop3A_564 = arith.constant 16 : i32
        %parallel_loop3A_565 = arith.addi %mul3A_250, %parallel_loop3A_564 : i32
        %parallel_loop3A_566 = arith.addi %parallel_loop3A_565, %parallel_loop3A_347 : i32
        %parallel_loop3A_567 = arith.index_cast %parallel_loop3A_566 : i32 to index
        %parallel_loop3A_568 = arith.constant 80 : index
        %parallel_loop3A_569 = tpu.vector_load %arg8[%parallel_loop3A_567, %parallel_loop3A_568] {strides = array<i32>} : memref<128x768xf32, #tpu.memory_space<vmem>>, vector<1x16xf32>,
        %parallel_loop3A_570 = vector.shape_cast %parallel_loop3A_569 : vector<1x16xf32> to vector<16xf32>
        %parallel_loop3A_571 = vector.shape_cast %parallel_loop3A_505 : vector<16xf32> to vector<1x16xf32>
        tpu.vector_store %arg8[%parallel_loop3A_567, %parallel_loop3A_568], %parallel_loop3A_571 {add = true, strides = array<i32>} : memref<128x768xf32, #tpu.memory_space<vmem>>, vector<1x16xf32>,
        %parallel_loop3A_572 = arith.constant 24 : i32
        %parallel_loop3A_573 = arith.addi %mul3A_250, %parallel_loop3A_572 : i32
        %parallel_loop3A_574 = arith.addi %parallel_loop3A_573, %parallel_loop3A_347 : i32
        %parallel_loop3A_575 = arith.index_cast %parallel_loop3A_574 : i32 to index
        %parallel_loop3A_576 = arith.constant 80 : index
        %parallel_loop3A_577 = tpu.vector_load %arg8[%parallel_loop3A_575, %parallel_loop3A_576] {strides = array<i32>} : memref<128x768xf32, #tpu.memory_space<vmem>>, vector<1x16xf32>,
        %parallel_loop3A_578 = vector.shape_cast %parallel_loop3A_577 : vector<1x16xf32> to vector<16xf32>
        %parallel_loop3A_579 = vector.shape_cast %parallel_loop3A_505 : vector<16xf32> to vector<1x16xf32>
        tpu.vector_store %arg8[%parallel_loop3A_575, %parallel_loop3A_576], %parallel_loop3A_579 {add = true, strides = array<i32>} : memref<128x768xf32, #tpu.memory_space<vmem>>, vector<1x16xf32>,
        %parallel_loop3A_580 = arith.constant 0 : i32
        %parallel_loop3A_581 = arith.addi %mul3A_250, %parallel_loop3A_580 : i32
        %parallel_loop3A_582 = arith.addi %parallel_loop3A_581, %parallel_loop3A_347 : i32
        %parallel_loop3A_583 = arith.index_cast %parallel_loop3A_582 : i32 to index
        %parallel_loop3A_584 = arith.constant 96 : index
        %parallel_loop3A_585 = tpu.vector_load %arg8[%parallel_loop3A_583, %parallel_loop3A_584] {strides = array<i32>} : memref<128x768xf32, #tpu.memory_space<vmem>>, vector<1x16xf32>,
        %parallel_loop3A_586 = vector.shape_cast %parallel_loop3A_585 : vector<1x16xf32> to vector<16xf32>
        %parallel_loop3A_587 = vector.shape_cast %parallel_loop3A_510 : vector<16xf32> to vector<1x16xf32>
        tpu.vector_store %arg8[%parallel_loop3A_583, %parallel_loop3A_584], %parallel_loop3A_587 {add = true, strides = array<i32>} : memref<128x768xf32, #tpu.memory_space<vmem>>, vector<1x16xf32>,
        %parallel_loop3A_588 = arith.constant 8 : i32
        %parallel_loop3A_589 = arith.addi %mul3A_250, %parallel_loop3A_588 : i32
        %parallel_loop3A_590 = arith.addi %parallel_loop3A_589, %parallel_loop3A_347 : i32
        %parallel_loop3A_591 = arith.index_cast %parallel_loop3A_590 : i32 to index
        %parallel_loop3A_592 = arith.constant 96 : index
        %parallel_loop3A_593 = tpu.vector_load %arg8[%parallel_loop3A_591, %parallel_loop3A_592] {strides = array<i32>} : memref<128x768xf32, #tpu.memory_space<vmem>>, vector<1x16xf32>,
        %parallel_loop3A_594 = vector.shape_cast %parallel_loop3A_593 : vector<1x16xf32> to vector<16xf32>
        %parallel_loop3A_595 = vector.shape_cast %parallel_loop3A_510 : vector<16xf32> to vector<1x16xf32>
        tpu.vector_store %arg8[%parallel_loop3A_591, %parallel_loop3A_592], %parallel_loop3A_595 {add = true, strides = array<i32>} : memref<128x768xf32, #tpu.memory_space<vmem>>, vector<1x16xf32>,
        %parallel_loop3A_596 = arith.constant 16 : i32
        %parallel_loop3A_597 = arith.addi %mul3A_250, %parallel_loop3A_596 : i32
        %parallel_loop3A_598 = arith.addi %parallel_loop3A_597, %parallel_loop3A_347 : i32
        %parallel_loop3A_599 = arith.index_cast %parallel_loop3A_598 : i32 to index
        %parallel_loop3A_600 = arith.constant 96 : index
        %parallel_loop3A_601 = tpu.vector_load %arg8[%parallel_loop3A_599, %parallel_loop3A_600] {strides = array<i32>} : memref<128x768xf32, #tpu.memory_space<vmem>>, vector<1x16xf32>,
        %parallel_loop3A_602 = vector.shape_cast %parallel_loop3A_601 : vector<1x16xf32> to vector<16xf32>
        %parallel_loop3A_603 = vector.shape_cast %parallel_loop3A_510 : vector<16xf32> to vector<1x16xf32>
        tpu.vector_store %arg8[%parallel_loop3A_599, %parallel_loop3A_600], %parallel_loop3A_603 {add = true, strides = array<i32>} : memref<128x768xf32, #tpu.memory_space<vmem>>, vector<1x16xf32>,
        %parallel_loop3A_604 = arith.constant 24 : i32
        %parallel_loop3A_605 = arith.addi %mul3A_250, %parallel_loop3A_604 : i32
        %parallel_loop3A_606 = arith.addi %parallel_loop3A_605, %parallel_loop3A_347 : i32
        %parallel_loop3A_607 = arith.index_cast %parallel_loop3A_606 : i32 to index
        %parallel_loop3A_608 = arith.constant 96 : index
        %parallel_loop3A_609 = tpu.vector_load %arg8[%parallel_loop3A_607, %parallel_loop3A_608] {strides = array<i32>} : memref<128x768xf32, #tpu.memory_space<vmem>>, vector<1x16xf32>,
        %parallel_loop3A_610 = vector.shape_cast %parallel_loop3A_609 : vector<1x16xf32> to vector<16xf32>
        %parallel_loop3A_611 = vector.shape_cast %parallel_loop3A_510 : vector<16xf32> to vector<1x16xf32>
        tpu.vector_store %arg8[%parallel_loop3A_607, %parallel_loop3A_608], %parallel_loop3A_611 {add = true, strides = array<i32>} : memref<128x768xf32, #tpu.memory_space<vmem>>, vector<1x16xf32>,
        %parallel_loop3A_612 = arith.constant 0 : i32
        %parallel_loop3A_613 = arith.addi %mul3A_250, %parallel_loop3A_612 : i32
        %parallel_loop3A_614 = arith.addi %parallel_loop3A_613, %parallel_loop3A_347 : i32
        %parallel_loop3A_615 = arith.index_cast %parallel_loop3A_614 : i32 to index
        %parallel_loop3A_616 = arith.constant 112 : index
        %parallel_loop3A_617 = tpu.vector_load %arg8[%parallel_loop3A_615, %parallel_loop3A_616] {strides = array<i32>} : memref<128x768xf32, #tpu.memory_space<vmem>>, vector<1x16xf32>,
        %parallel_loop3A_618 = vector.shape_cast %parallel_loop3A_617 : vector<1x16xf32> to vector<16xf32>
        %parallel_loop3A_619 = vector.shape_cast %parallel_loop3A_515 : vector<16xf32> to vector<1x16xf32>
        tpu.vector_store %arg8[%parallel_loop3A_615, %parallel_loop3A_616], %parallel_loop3A_619 {add = true, strides = array<i32>} : memref<128x768xf32, #tpu.memory_space<vmem>>, vector<1x16xf32>,
        %parallel_loop3A_620 = arith.constant 8 : i32
        %parallel_loop3A_621 = arith.addi %mul3A_250, %parallel_loop3A_620 : i32
        %parallel_loop3A_622 = arith.addi %parallel_loop3A_621, %parallel_loop3A_347 : i32
        %parallel_loop3A_623 = arith.index_cast %parallel_loop3A_622 : i32 to index
        %parallel_loop3A_624 = arith.constant 112 : index
        %parallel_loop3A_625 = tpu.vector_load %arg8[%parallel_loop3A_623, %parallel_loop3A_624] {strides = array<i32>} : memref<128x768xf32, #tpu.memory_space<vmem>>, vector<1x16xf32>,
        %parallel_loop3A_626 = vector.shape_cast %parallel_loop3A_625 : vector<1x16xf32> to vector<16xf32>
        %parallel_loop3A_627 = vector.shape_cast %parallel_loop3A_515 : vector<16xf32> to vector<1x16xf32>
        tpu.vector_store %arg8[%parallel_loop3A_623, %parallel_loop3A_624], %parallel_loop3A_627 {add = true, strides = array<i32>} : memref<128x768xf32, #tpu.memory_space<vmem>>, vector<1x16xf32>,
        %parallel_loop3A_628 = arith.constant 16 : i32
        %parallel_loop3A_629 = arith.addi %mul3A_250, %parallel_loop3A_628 : i32
        %parallel_loop3A_630 = arith.addi %parallel_loop3A_629, %parallel_loop3A_347 : i32
        %parallel_loop3A_631 = arith.index_cast %parallel_loop3A_630 : i32 to index
        %parallel_loop3A_632 = arith.constant 112 : index
        %parallel_loop3A_633 = tpu.vector_load %arg8[%parallel_loop3A_631, %parallel_loop3A_632] {strides = array<i32>} : memref<128x768xf32, #tpu.memory_space<vmem>>, vector<1x16xf32>,
        %parallel_loop3A_634 = vector.shape_cast %parallel_loop3A_633 : vector<1x16xf32> to vector<16xf32>
        %parallel_loop3A_635 = vector.shape_cast %parallel_loop3A_515 : vector<16xf32> to vector<1x16xf32>
        tpu.vector_store %arg8[%parallel_loop3A_631, %parallel_loop3A_632], %parallel_loop3A_635 {add = true, strides = array<i32>} : memref<128x768xf32, #tpu.memory_space<vmem>>, vector<1x16xf32>,
        %parallel_loop3A_636 = arith.constant 24 : i32
        %parallel_loop3A_637 = arith.addi %mul3A_250, %parallel_loop3A_636 : i32
        %parallel_loop3A_638 = arith.addi %parallel_loop3A_637, %parallel_loop3A_347 : i32
        %parallel_loop3A_639 = arith.index_cast %parallel_loop3A_638 : i32 to index
        %parallel_loop3A_640 = arith.constant 112 : index
        %parallel_loop3A_641 = tpu.vector_load %arg8[%parallel_loop3A_639, %parallel_loop3A_640] {strides = array<i32>} : memref<128x768xf32, #tpu.memory_space<vmem>>, vector<1x16xf32>,
        %parallel_loop3A_642 = vector.shape_cast %parallel_loop3A_641 : vector<1x16xf32> to vector<16xf32>
        %parallel_loop3A_643 = vector.shape_cast %parallel_loop3A_515 : vector<16xf32> to vector<1x16xf32>
        tpu.vector_store %arg8[%parallel_loop3A_639, %parallel_loop3A_640], %parallel_loop3A_643 {add = true, strides = array<i32>} : memref<128x768xf32, #tpu.memory_space<vmem>>, vector<1x16xf32>,
        %parallel_loop3A_644 = arith.addi %mul3A_252, %parallel_loop3A_347 : i32
        %parallel_loop3A_645 = arith.index_cast %parallel_loop3A_644 : i32 to index
        %parallel_loop3A_646 = arith.constant 128 : index
        %parallel_loop3A_647 = tpu.vector_load %arg7[%parallel_loop3A_645, %parallel_loop3A_646] {strides = array<i32>} : memref<32x768xf32, #tpu.memory_space<vmem>>, vector<1x16xf32>,
        %parallel_loop3A_648 = vector.shape_cast %parallel_loop3A_647 : vector<1x16xf32> to vector<16xf32>
        %parallel_loop3A_649 = arith.addi %mul3A_252, %parallel_loop3A_347 : i32
        %parallel_loop3A_650 = arith.index_cast %parallel_loop3A_649 : i32 to index
        %parallel_loop3A_651 = arith.constant 144 : index
        %parallel_loop3A_652 = tpu.vector_load %arg7[%parallel_loop3A_650, %parallel_loop3A_651] {strides = array<i32>} : memref<32x768xf32, #tpu.memory_space<vmem>>, vector<1x16xf32>,
        %parallel_loop3A_653 = vector.shape_cast %parallel_loop3A_652 : vector<1x16xf32> to vector<16xf32>
        %parallel_loop3A_654 = arith.addi %mul3A_252, %parallel_loop3A_347 : i32
        %parallel_loop3A_655 = arith.index_cast %parallel_loop3A_654 : i32 to index
        %parallel_loop3A_656 = arith.constant 160 : index
        %parallel_loop3A_657 = tpu.vector_load %arg7[%parallel_loop3A_655, %parallel_loop3A_656] {strides = array<i32>} : memref<32x768xf32, #tpu.memory_space<vmem>>, vector<1x16xf32>,
        %parallel_loop3A_658 = vector.shape_cast %parallel_loop3A_657 : vector<1x16xf32> to vector<16xf32>
        %parallel_loop3A_659 = arith.addi %mul3A_252, %parallel_loop3A_347 : i32
        %parallel_loop3A_660 = arith.index_cast %parallel_loop3A_659 : i32 to index
        %parallel_loop3A_661 = arith.constant 176 : index
        %parallel_loop3A_662 = tpu.vector_load %arg7[%parallel_loop3A_660, %parallel_loop3A_661] {strides = array<i32>} : memref<32x768xf32, #tpu.memory_space<vmem>>, vector<1x16xf32>,
        %parallel_loop3A_663 = vector.shape_cast %parallel_loop3A_662 : vector<1x16xf32> to vector<16xf32>
        %parallel_loop3A_664 = arith.constant 0 : i32
        %parallel_loop3A_665 = arith.addi %mul3A_250, %parallel_loop3A_664 : i32
        %parallel_loop3A_666 = arith.addi %parallel_loop3A_665, %parallel_loop3A_347 : i32
        %parallel_loop3A_667 = arith.index_cast %parallel_loop3A_666 : i32 to index
        %parallel_loop3A_668 = arith.constant 128 : index
        %parallel_loop3A_669 = tpu.vector_load %arg8[%parallel_loop3A_667, %parallel_loop3A_668] {strides = array<i32>} : memref<128x768xf32, #tpu.memory_space<vmem>>, vector<1x16xf32>,
        %parallel_loop3A_670 = vector.shape_cast %parallel_loop3A_669 : vector<1x16xf32> to vector<16xf32>
        %parallel_loop3A_671 = vector.shape_cast %parallel_loop3A_648 : vector<16xf32> to vector<1x16xf32>
        tpu.vector_store %arg8[%parallel_loop3A_667, %parallel_loop3A_668], %parallel_loop3A_671 {add = true, strides = array<i32>} : memref<128x768xf32, #tpu.memory_space<vmem>>, vector<1x16xf32>,
        %parallel_loop3A_672 = arith.constant 8 : i32
        %parallel_loop3A_673 = arith.addi %mul3A_250, %parallel_loop3A_672 : i32
        %parallel_loop3A_674 = arith.addi %parallel_loop3A_673, %parallel_loop3A_347 : i32
        %parallel_loop3A_675 = arith.index_cast %parallel_loop3A_674 : i32 to index
        %parallel_loop3A_676 = arith.constant 128 : index
        %parallel_loop3A_677 = tpu.vector_load %arg8[%parallel_loop3A_675, %parallel_loop3A_676] {strides = array<i32>} : memref<128x768xf32, #tpu.memory_space<vmem>>, vector<1x16xf32>,
        %parallel_loop3A_678 = vector.shape_cast %parallel_loop3A_677 : vector<1x16xf32> to vector<16xf32>
        %parallel_loop3A_679 = vector.shape_cast %parallel_loop3A_648 : vector<16xf32> to vector<1x16xf32>
        tpu.vector_store %arg8[%parallel_loop3A_675, %parallel_loop3A_676], %parallel_loop3A_679 {add = true, strides = array<i32>} : memref<128x768xf32, #tpu.memory_space<vmem>>, vector<1x16xf32>,
        %parallel_loop3A_680 = arith.constant 16 : i32
        %parallel_loop3A_681 = arith.addi %mul3A_250, %parallel_loop3A_680 : i32
        %parallel_loop3A_682 = arith.addi %parallel_loop3A_681, %parallel_loop3A_347 : i32
        %parallel_loop3A_683 = arith.index_cast %parallel_loop3A_682 : i32 to index
        %parallel_loop3A_684 = arith.constant 128 : index
        %parallel_loop3A_685 = tpu.vector_load %arg8[%parallel_loop3A_683, %parallel_loop3A_684] {strides = array<i32>} : memref<128x768xf32, #tpu.memory_space<vmem>>, vector<1x16xf32>,
        %parallel_loop3A_686 = vector.shape_cast %parallel_loop3A_685 : vector<1x16xf32> to vector<16xf32>
        %parallel_loop3A_687 = vector.shape_cast %parallel_loop3A_648 : vector<16xf32> to vector<1x16xf32>
        tpu.vector_store %arg8[%parallel_loop3A_683, %parallel_loop3A_684], %parallel_loop3A_687 {add = true, strides = array<i32>} : memref<128x768xf32, #tpu.memory_space<vmem>>, vector<1x16xf32>,
        %parallel_loop3A_688 = arith.constant 24 : i32
        %parallel_loop3A_689 = arith.addi %mul3A_250, %parallel_loop3A_688 : i32
        %parallel_loop3A_690 = arith.addi %parallel_loop3A_689, %parallel_loop3A_347 : i32
        %parallel_loop3A_691 = arith.index_cast %parallel_loop3A_690 : i32 to index
        %parallel_loop3A_692 = arith.constant 128 : index
        %parallel_loop3A_693 = tpu.vector_load %arg8[%parallel_loop3A_691, %parallel_loop3A_692] {strides = array<i32>} : memref<128x768xf32, #tpu.memory_space<vmem>>, vector<1x16xf32>,
        %parallel_loop3A_694 = vector.shape_cast %parallel_loop3A_693 : vector<1x16xf32> to vector<16xf32>
        %parallel_loop3A_695 = vector.shape_cast %parallel_loop3A_648 : vector<16xf32> to vector<1x16xf32>
        tpu.vector_store %arg8[%parallel_loop3A_691, %parallel_loop3A_692], %parallel_loop3A_695 {add = true, strides = array<i32>} : memref<128x768xf32, #tpu.memory_space<vmem>>, vector<1x16xf32>,
        %parallel_loop3A_696 = arith.constant 0 : i32
        %parallel_loop3A_697 = arith.addi %mul3A_250, %parallel_loop3A_696 : i32
        %parallel_loop3A_698 = arith.addi %parallel_loop3A_697, %parallel_loop3A_347 : i32
        %parallel_loop3A_699 = arith.index_cast %parallel_loop3A_698 : i32 to index
        %parallel_loop3A_700 = arith.constant 144 : index
        %parallel_loop3A_701 = tpu.vector_load %arg8[%parallel_loop3A_699, %parallel_loop3A_700] {strides = array<i32>} : memref<128x768xf32, #tpu.memory_space<vmem>>, vector<1x16xf32>,
        %parallel_loop3A_702 = vector.shape_cast %parallel_loop3A_701 : vector<1x16xf32> to vector<16xf32>
        %parallel_loop3A_703 = vector.shape_cast %parallel_loop3A_653 : vector<16xf32> to vector<1x16xf32>
        tpu.vector_store %arg8[%parallel_loop3A_699, %parallel_loop3A_700], %parallel_loop3A_703 {add = true, strides = array<i32>} : memref<128x768xf32, #tpu.memory_space<vmem>>, vector<1x16xf32>,
        %parallel_loop3A_704 = arith.constant 8 : i32
        %parallel_loop3A_705 = arith.addi %mul3A_250, %parallel_loop3A_704 : i32
        %parallel_loop3A_706 = arith.addi %parallel_loop3A_705, %parallel_loop3A_347 : i32
        %parallel_loop3A_707 = arith.index_cast %parallel_loop3A_706 : i32 to index
        %parallel_loop3A_708 = arith.constant 144 : index
        %parallel_loop3A_709 = tpu.vector_load %arg8[%parallel_loop3A_707, %parallel_loop3A_708] {strides = array<i32>} : memref<128x768xf32, #tpu.memory_space<vmem>>, vector<1x16xf32>,
        %parallel_loop3A_710 = vector.shape_cast %parallel_loop3A_709 : vector<1x16xf32> to vector<16xf32>
        %parallel_loop3A_711 = vector.shape_cast %parallel_loop3A_653 : vector<16xf32> to vector<1x16xf32>
        tpu.vector_store %arg8[%parallel_loop3A_707, %parallel_loop3A_708], %parallel_loop3A_711 {add = true, strides = array<i32>} : memref<128x768xf32, #tpu.memory_space<vmem>>, vector<1x16xf32>,
        %parallel_loop3A_712 = arith.constant 16 : i32
        %parallel_loop3A_713 = arith.addi %mul3A_250, %parallel_loop3A_712 : i32
        %parallel_loop3A_714 = arith.addi %parallel_loop3A_713, %parallel_loop3A_347 : i32
        %parallel_loop3A_715 = arith.index_cast %parallel_loop3A_714 : i32 to index
        %parallel_loop3A_716 = arith.constant 144 : index
        %parallel_loop3A_717 = tpu.vector_load %arg8[%parallel_loop3A_715, %parallel_loop3A_716] {strides = array<i32>} : memref<128x768xf32, #tpu.memory_space<vmem>>, vector<1x16xf32>,
        %parallel_loop3A_718 = vector.shape_cast %parallel_loop3A_717 : vector<1x16xf32> to vector<16xf32>
        %parallel_loop3A_719 = vector.shape_cast %parallel_loop3A_653 : vector<16xf32> to vector<1x16xf32>
        tpu.vector_store %arg8[%parallel_loop3A_715, %parallel_loop3A_716], %parallel_loop3A_719 {add = true, strides = array<i32>} : memref<128x768xf32, #tpu.memory_space<vmem>>, vector<1x16xf32>,
        %parallel_loop3A_720 = arith.constant 24 : i32
        %parallel_loop3A_721 = arith.addi %mul3A_250, %parallel_loop3A_720 : i32
        %parallel_loop3A_722 = arith.addi %parallel_loop3A_721, %parallel_loop3A_347 : i32
        %parallel_loop3A_723 = arith.index_cast %parallel_loop3A_722 : i32 to index
        %parallel_loop3A_724 = arith.constant 144 : index
        %parallel_loop3A_725 = tpu.vector_load %arg8[%parallel_loop3A_723, %parallel_loop3A_724] {strides = array<i32>} : memref<128x768xf32, #tpu.memory_space<vmem>>, vector<1x16xf32>,
        %parallel_loop3A_726 = vector.shape_cast %parallel_loop3A_725 : vector<1x16xf32> to vector<16xf32>
        %parallel_loop3A_727 = vector.shape_cast %parallel_loop3A_653 : vector<16xf32> to vector<1x16xf32>
        tpu.vector_store %arg8[%parallel_loop3A_723, %parallel_loop3A_724], %parallel_loop3A_727 {add = true, strides = array<i32>} : memref<128x768xf32, #tpu.memory_space<vmem>>, vector<1x16xf32>,
        %parallel_loop3A_728 = arith.constant 0 : i32
        %parallel_loop3A_729 = arith.addi %mul3A_250, %parallel_loop3A_728 : i32
        %parallel_loop3A_730 = arith.addi %parallel_loop3A_729, %parallel_loop3A_347 : i32
        %parallel_loop3A_731 = arith.index_cast %parallel_loop3A_730 : i32 to index
        %parallel_loop3A_732 = arith.constant 160 : index
        %parallel_loop3A_733 = tpu.vector_load %arg8[%parallel_loop3A_731, %parallel_loop3A_732] {strides = array<i32>} : memref<128x768xf32, #tpu.memory_space<vmem>>, vector<1x16xf32>,
        %parallel_loop3A_734 = vector.shape_cast %parallel_loop3A_733 : vector<1x16xf32> to vector<16xf32>
        %parallel_loop3A_735 = vector.shape_cast %parallel_loop3A_658 : vector<16xf32> to vector<1x16xf32>
        tpu.vector_store %arg8[%parallel_loop3A_731, %parallel_loop3A_732], %parallel_loop3A_735 {add = true, strides = array<i32>} : memref<128x768xf32, #tpu.memory_space<vmem>>, vector<1x16xf32>,
        %parallel_loop3A_736 = arith.constant 8 : i32
        %parallel_loop3A_737 = arith.addi %mul3A_250, %parallel_loop3A_736 : i32
        %parallel_loop3A_738 = arith.addi %parallel_loop3A_737, %parallel_loop3A_347 : i32
        %parallel_loop3A_739 = arith.index_cast %parallel_loop3A_738 : i32 to index
        %parallel_loop3A_740 = arith.constant 160 : index
        %parallel_loop3A_741 = tpu.vector_load %arg8[%parallel_loop3A_739, %parallel_loop3A_740] {strides = array<i32>} : memref<128x768xf32, #tpu.memory_space<vmem>>, vector<1x16xf32>,
        %parallel_loop3A_742 = vector.shape_cast %parallel_loop3A_741 : vector<1x16xf32> to vector<16xf32>
        %parallel_loop3A_743 = vector.shape_cast %parallel_loop3A_658 : vector<16xf32> to vector<1x16xf32>
        tpu.vector_store %arg8[%parallel_loop3A_739, %parallel_loop3A_740], %parallel_loop3A_743 {add = true, strides = array<i32>} : memref<128x768xf32, #tpu.memory_space<vmem>>, vector<1x16xf32>,
        %parallel_loop3A_744 = arith.constant 16 : i32
        %parallel_loop3A_745 = arith.addi %mul3A_250, %parallel_loop3A_744 : i32
        %parallel_loop3A_746 = arith.addi %parallel_loop3A_745, %parallel_loop3A_347 : i32
        %parallel_loop3A_747 = arith.index_cast %parallel_loop3A_746 : i32 to index
        %parallel_loop3A_748 = arith.constant 160 : index
        %parallel_loop3A_749 = tpu.vector_load %arg8[%parallel_loop3A_747, %parallel_loop3A_748] {strides = array<i32>} : memref<128x768xf32, #tpu.memory_space<vmem>>, vector<1x16xf32>,
        %parallel_loop3A_750 = vector.shape_cast %parallel_loop3A_749 : vector<1x16xf32> to vector<16xf32>
        %parallel_loop3A_751 = vector.shape_cast %parallel_loop3A_658 : vector<16xf32> to vector<1x16xf32>
        tpu.vector_store %arg8[%parallel_loop3A_747, %parallel_loop3A_748], %parallel_loop3A_751 {add = true, strides = array<i32>} : memref<128x768xf32, #tpu.memory_space<vmem>>, vector<1x16xf32>,
        %parallel_loop3A_752 = arith.constant 24 : i32
        %parallel_loop3A_753 = arith.addi %mul3A_250, %parallel_loop3A_752 : i32
        %parallel_loop3A_754 = arith.addi %parallel_loop3A_753, %parallel_loop3A_347 : i32
        %parallel_loop3A_755 = arith.index_cast %parallel_loop3A_754 : i32 to index
        %parallel_loop3A_756 = arith.constant 160 : index
        %parallel_loop3A_757 = tpu.vector_load %arg8[%parallel_loop3A_755, %parallel_loop3A_756] {strides = array<i32>} : memref<128x768xf32, #tpu.memory_space<vmem>>, vector<1x16xf32>,
        %parallel_loop3A_758 = vector.shape_cast %parallel_loop3A_757 : vector<1x16xf32> to vector<16xf32>
        %parallel_loop3A_759 = vector.shape_cast %parallel_loop3A_658 : vector<16xf32> to vector<1x16xf32>
        tpu.vector_store %arg8[%parallel_loop3A_755, %parallel_loop3A_756], %parallel_loop3A_759 {add = true, strides = array<i32>} : memref<128x768xf32, #tpu.memory_space<vmem>>, vector<1x16xf32>,
        %parallel_loop3A_760 = arith.constant 0 : i32
        %parallel_loop3A_761 = arith.addi %mul3A_250, %parallel_loop3A_760 : i32
        %parallel_loop3A_762 = arith.addi %parallel_loop3A_761, %parallel_loop3A_347 : i32
        %parallel_loop3A_763 = arith.index_cast %parallel_loop3A_762 : i32 to index
        %parallel_loop3A_764 = arith.constant 176 : index
        %parallel_loop3A_765 = tpu.vector_load %arg8[%parallel_loop3A_763, %parallel_loop3A_764] {strides = array<i32>} : memref<128x768xf32, #tpu.memory_space<vmem>>, vector<1x16xf32>,
        %parallel_loop3A_766 = vector.shape_cast %parallel_loop3A_765 : vector<1x16xf32> to vector<16xf32>
        %parallel_loop3A_767 = vector.shape_cast %parallel_loop3A_663 : vector<16xf32> to vector<1x16xf32>
        tpu.vector_store %arg8[%parallel_loop3A_763, %parallel_loop3A_764], %parallel_loop3A_767 {add = true, strides = array<i32>} : memref<128x768xf32, #tpu.memory_space<vmem>>, vector<1x16xf32>,
        %parallel_loop3A_768 = arith.constant 8 : i32
        %parallel_loop3A_769 = arith.addi %mul3A_250, %parallel_loop3A_768 : i32
        %parallel_loop3A_770 = arith.addi %parallel_loop3A_769, %parallel_loop3A_347 : i32
        %parallel_loop3A_771 = arith.index_cast %parallel_loop3A_770 : i32 to index
        %parallel_loop3A_772 = arith.constant 176 : index
        %parallel_loop3A_773 = tpu.vector_load %arg8[%parallel_loop3A_771, %parallel_loop3A_772] {strides = array<i32>} : memref<128x768xf32, #tpu.memory_space<vmem>>, vector<1x16xf32>,
        %parallel_loop3A_774 = vector.shape_cast %parallel_loop3A_773 : vector<1x16xf32> to vector<16xf32>
        %parallel_loop3A_775 = vector.shape_cast %parallel_loop3A_663 : vector<16xf32> to vector<1x16xf32>
        tpu.vector_store %arg8[%parallel_loop3A_771, %parallel_loop3A_772], %parallel_loop3A_775 {add = true, strides = array<i32>} : memref<128x768xf32, #tpu.memory_space<vmem>>, vector<1x16xf32>,
        %parallel_loop3A_776 = arith.constant 16 : i32
        %parallel_loop3A_777 = arith.addi %mul3A_250, %parallel_loop3A_776 : i32
        %parallel_loop3A_778 = arith.addi %parallel_loop3A_777, %parallel_loop3A_347 : i32
        %parallel_loop3A_779 = arith.index_cast %parallel_loop3A_778 : i32 to index
        %parallel_loop3A_780 = arith.constant 176 : index
        %parallel_loop3A_781 = tpu.vector_load %arg8[%parallel_loop3A_779, %parallel_loop3A_780] {strides = array<i32>} : memref<128x768xf32, #tpu.memory_space<vmem>>, vector<1x16xf32>,
        %parallel_loop3A_782 = vector.shape_cast %parallel_loop3A_781 : vector<1x16xf32> to vector<16xf32>
        %parallel_loop3A_783 = vector.shape_cast %parallel_loop3A_663 : vector<16xf32> to vector<1x16xf32>
        tpu.vector_store %arg8[%parallel_loop3A_779, %parallel_loop3A_780], %parallel_loop3A_783 {add = true, strides = array<i32>} : memref<128x768xf32, #tpu.memory_space<vmem>>, vector<1x16xf32>,
        %parallel_loop3A_784 = arith.constant 24 : i32
        %parallel_loop3A_785 = arith.addi %mul3A_250, %parallel_loop3A_784 : i32
        %parallel_loop3A_786 = arith.addi %parallel_loop3A_785, %parallel_loop3A_347 : i32
        %parallel_loop3A_787 = arith.index_cast %parallel_loop3A_786 : i32 to index
        %parallel_loop3A_788 = arith.constant 176 : index
        %parallel_loop3A_789 = tpu.vector_load %arg8[%parallel_loop3A_787, %parallel_loop3A_788] {strides = array<i32>} : memref<128x768xf32, #tpu.memory_space<vmem>>, vector<1x16xf32>,
        %parallel_loop3A_790 = vector.shape_cast %parallel_loop3A_789 : vector<1x16xf32> to vector<16xf32>
        %parallel_loop3A_791 = vector.shape_cast %parallel_loop3A_663 : vector<16xf32> to vector<1x16xf32>
        tpu.vector_store %arg8[%parallel_loop3A_787, %parallel_loop3A_788], %parallel_loop3A_791 {add = true, strides = array<i32>} : memref<128x768xf32, #tpu.memory_space<vmem>>, vector<1x16xf32>,
        %parallel_loop3A_792 = arith.addi %mul3A_252, %parallel_loop3A_347 : i32
        %parallel_loop3A_793 = arith.index_cast %parallel_loop3A_792 : i32 to index
        %parallel_loop3A_794 = arith.constant 192 : index
        %parallel_loop3A_795 = tpu.vector_load %arg7[%parallel_loop3A_793, %parallel_loop3A_794] {strides = array<i32>} : memref<32x768xf32, #tpu.memory_space<vmem>>, vector<1x16xf32>,
        %parallel_loop3A_796 = vector.shape_cast %parallel_loop3A_795 : vector<1x16xf32> to vector<16xf32>
        %parallel_loop3A_797 = arith.addi %mul3A_252, %parallel_loop3A_347 : i32
        %parallel_loop3A_798 = arith.index_cast %parallel_loop3A_797 : i32 to index
        %parallel_loop3A_799 = arith.constant 208 : index
        %parallel_loop3A_800 = tpu.vector_load %arg7[%parallel_loop3A_798, %parallel_loop3A_799] {strides = array<i32>} : memref<32x768xf32, #tpu.memory_space<vmem>>, vector<1x16xf32>,
        %parallel_loop3A_801 = vector.shape_cast %parallel_loop3A_800 : vector<1x16xf32> to vector<16xf32>
        %parallel_loop3A_802 = arith.addi %mul3A_252, %parallel_loop3A_347 : i32
        %parallel_loop3A_803 = arith.index_cast %parallel_loop3A_802 : i32 to index
        %parallel_loop3A_804 = arith.constant 224 : index
        %parallel_loop3A_805 = tpu.vector_load %arg7[%parallel_loop3A_803, %parallel_loop3A_804] {strides = array<i32>} : memref<32x768xf32, #tpu.memory_space<vmem>>, vector<1x16xf32>,
        %parallel_loop3A_806 = vector.shape_cast %parallel_loop3A_805 : vector<1x16xf32> to vector<16xf32>
        %parallel_loop3A_807 = arith.addi %mul3A_252, %parallel_loop3A_347 : i32
        %parallel_loop3A_808 = arith.index_cast %parallel_loop3A_807 : i32 to index
        %parallel_loop3A_809 = arith.constant 240 : index
        %parallel_loop3A_810 = tpu.vector_load %arg7[%parallel_loop3A_808, %parallel_loop3A_809] {strides = array<i32>} : memref<32x768xf32, #tpu.memory_space<vmem>>, vector<1x16xf32>,
        %parallel_loop3A_811 = vector.shape_cast %parallel_loop3A_810 : vector<1x16xf32> to vector<16xf32>
        %parallel_loop3A_812 = arith.constant 0 : i32
        %parallel_loop3A_813 = arith.addi %mul3A_250, %parallel_loop3A_812 : i32
        %parallel_loop3A_814 = arith.addi %parallel_loop3A_813, %parallel_loop3A_347 : i32
        %parallel_loop3A_815 = arith.index_cast %parallel_loop3A_814 : i32 to index
        %parallel_loop3A_816 = arith.constant 192 : index
        %parallel_loop3A_817 = tpu.vector_load %arg8[%parallel_loop3A_815, %parallel_loop3A_816] {strides = array<i32>} : memref<128x768xf32, #tpu.memory_space<vmem>>, vector<1x16xf32>,
        %parallel_loop3A_818 = vector.shape_cast %parallel_loop3A_817 : vector<1x16xf32> to vector<16xf32>
        %parallel_loop3A_819 = vector.shape_cast %parallel_loop3A_796 : vector<16xf32> to vector<1x16xf32>
        tpu.vector_store %arg8[%parallel_loop3A_815, %parallel_loop3A_816], %parallel_loop3A_819 {add = true, strides = array<i32>} : memref<128x768xf32, #tpu.memory_space<vmem>>, vector<1x16xf32>,
        %parallel_loop3A_820 = arith.constant 8 : i32
        %parallel_loop3A_821 = arith.addi %mul3A_250, %parallel_loop3A_820 : i32
        %parallel_loop3A_822 = arith.addi %parallel_loop3A_821, %parallel_loop3A_347 : i32
        %parallel_loop3A_823 = arith.index_cast %parallel_loop3A_822 : i32 to index
        %parallel_loop3A_824 = arith.constant 192 : index
        %parallel_loop3A_825 = tpu.vector_load %arg8[%parallel_loop3A_823, %parallel_loop3A_824] {strides = array<i32>} : memref<128x768xf32, #tpu.memory_space<vmem>>, vector<1x16xf32>,
        %parallel_loop3A_826 = vector.shape_cast %parallel_loop3A_825 : vector<1x16xf32> to vector<16xf32>
        %parallel_loop3A_827 = vector.shape_cast %parallel_loop3A_796 : vector<16xf32> to vector<1x16xf32>
        tpu.vector_store %arg8[%parallel_loop3A_823, %parallel_loop3A_824], %parallel_loop3A_827 {add = true, strides = array<i32>} : memref<128x768xf32, #tpu.memory_space<vmem>>, vector<1x16xf32>,
        %parallel_loop3A_828 = arith.constant 16 : i32
        %parallel_loop3A_829 = arith.addi %mul3A_250, %parallel_loop3A_828 : i32
        %parallel_loop3A_830 = arith.addi %parallel_loop3A_829, %parallel_loop3A_347 : i32
        %parallel_loop3A_831 = arith.index_cast %parallel_loop3A_830 : i32 to index
        %parallel_loop3A_832 = arith.constant 192 : index
        %parallel_loop3A_833 = tpu.vector_load %arg8[%parallel_loop3A_831, %parallel_loop3A_832] {strides = array<i32>} : memref<128x768xf32, #tpu.memory_space<vmem>>, vector<1x16xf32>,
        %parallel_loop3A_834 = vector.shape_cast %parallel_loop3A_833 : vector<1x16xf32> to vector<16xf32>
        %parallel_loop3A_835 = vector.shape_cast %parallel_loop3A_796 : vector<16xf32> to vector<1x16xf32>
        tpu.vector_store %arg8[%parallel_loop3A_831, %parallel_loop3A_832], %parallel_loop3A_835 {add = true, strides = array<i32>} : memref<128x768xf32, #tpu.memory_space<vmem>>, vector<1x16xf32>,
        %parallel_loop3A_836 = arith.constant 24 : i32
        %parallel_loop3A_837 = arith.addi %mul3A_250, %parallel_loop3A_836 : i32
        %parallel_loop3A_838 = arith.addi %parallel_loop3A_837, %parallel_loop3A_347 : i32
        %parallel_loop3A_839 = arith.index_cast %parallel_loop3A_838 : i32 to index
        %parallel_loop3A_840 = arith.constant 192 : index
        %parallel_loop3A_841 = tpu.vector_load %arg8[%parallel_loop3A_839, %parallel_loop3A_840] {strides = array<i32>} : memref<128x768xf32, #tpu.memory_space<vmem>>, vector<1x16xf32>,
        %parallel_loop3A_842 = vector.shape_cast %parallel_loop3A_841 : vector<1x16xf32> to vector<16xf32>
        %parallel_loop3A_843 = vector.shape_cast %parallel_loop3A_796 : vector<16xf32> to vector<1x16xf32>
        tpu.vector_store %arg8[%parallel_loop3A_839, %parallel_loop3A_840], %parallel_loop3A_843 {add = true, strides = array<i32>} : memref<128x768xf32, #tpu.memory_space<vmem>>, vector<1x16xf32>,
        %parallel_loop3A_844 = arith.constant 0 : i32
        %parallel_loop3A_845 = arith.addi %mul3A_250, %parallel_loop3A_844 : i32
        %parallel_loop3A_846 = arith.addi %parallel_loop3A_845, %parallel_loop3A_347 : i32
        %parallel_loop3A_847 = arith.index_cast %parallel_loop3A_846 : i32 to index
        %parallel_loop3A_848 = arith.constant 208 : index
        %parallel_loop3A_849 = tpu.vector_load %arg8[%parallel_loop3A_847, %parallel_loop3A_848] {strides = array<i32>} : memref<128x768xf32, #tpu.memory_space<vmem>>, vector<1x16xf32>,
        %parallel_loop3A_850 = vector.shape_cast %parallel_loop3A_849 : vector<1x16xf32> to vector<16xf32>
        %parallel_loop3A_851 = vector.shape_cast %parallel_loop3A_801 : vector<16xf32> to vector<1x16xf32>
        tpu.vector_store %arg8[%parallel_loop3A_847, %parallel_loop3A_848], %parallel_loop3A_851 {add = true, strides = array<i32>} : memref<128x768xf32, #tpu.memory_space<vmem>>, vector<1x16xf32>,
        %parallel_loop3A_852 = arith.constant 8 : i32
        %parallel_loop3A_853 = arith.addi %mul3A_250, %parallel_loop3A_852 : i32
        %parallel_loop3A_854 = arith.addi %parallel_loop3A_853, %parallel_loop3A_347 : i32
        %parallel_loop3A_855 = arith.index_cast %parallel_loop3A_854 : i32 to index
        %parallel_loop3A_856 = arith.constant 208 : index
        %parallel_loop3A_857 = tpu.vector_load %arg8[%parallel_loop3A_855, %parallel_loop3A_856] {strides = array<i32>} : memref<128x768xf32, #tpu.memory_space<vmem>>, vector<1x16xf32>,
        %parallel_loop3A_858 = vector.shape_cast %parallel_loop3A_857 : vector<1x16xf32> to vector<16xf32>
        %parallel_loop3A_859 = vector.shape_cast %parallel_loop3A_801 : vector<16xf32> to vector<1x16xf32>
        tpu.vector_store %arg8[%parallel_loop3A_855, %parallel_loop3A_856], %parallel_loop3A_859 {add = true, strides = array<i32>} : memref<128x768xf32, #tpu.memory_space<vmem>>, vector<1x16xf32>,
        %parallel_loop3A_860 = arith.constant 16 : i32
        %parallel_loop3A_861 = arith.addi %mul3A_250, %parallel_loop3A_860 : i32
        %parallel_loop3A_862 = arith.addi %parallel_loop3A_861, %parallel_loop3A_347 : i32
        %parallel_loop3A_863 = arith.index_cast %parallel_loop3A_862 : i32 to index
        %parallel_loop3A_864 = arith.constant 208 : index
        %parallel_loop3A_865 = tpu.vector_load %arg8[%parallel_loop3A_863, %parallel_loop3A_864] {strides = array<i32>} : memref<128x768xf32, #tpu.memory_space<vmem>>, vector<1x16xf32>,
        %parallel_loop3A_866 = vector.shape_cast %parallel_loop3A_865 : vector<1x16xf32> to vector<16xf32>
        %parallel_loop3A_867 = vector.shape_cast %parallel_loop3A_801 : vector<16xf32> to vector<1x16xf32>
        tpu.vector_store %arg8[%parallel_loop3A_863, %parallel_loop3A_864], %parallel_loop3A_867 {add = true, strides = array<i32>} : memref<128x768xf32, #tpu.memory_space<vmem>>, vector<1x16xf32>,
        %parallel_loop3A_868 = arith.constant 24 : i32
        %parallel_loop3A_869 = arith.addi %mul3A_250, %parallel_loop3A_868 : i32
        %parallel_loop3A_870 = arith.addi %parallel_loop3A_869, %parallel_loop3A_347 : i32
        %parallel_loop3A_871 = arith.index_cast %parallel_loop3A_870 : i32 to index
        %parallel_loop3A_872 = arith.constant 208 : index
        %parallel_loop3A_873 = tpu.vector_load %arg8[%parallel_loop3A_871, %parallel_loop3A_872] {strides = array<i32>} : memref<128x768xf32, #tpu.memory_space<vmem>>, vector<1x16xf32>,
        %parallel_loop3A_874 = vector.shape_cast %parallel_loop3A_873 : vector<1x16xf32> to vector<16xf32>
        %parallel_loop3A_875 = vector.shape_cast %parallel_loop3A_801 : vector<16xf32> to vector<1x16xf32>
        tpu.vector_store %arg8[%parallel_loop3A_871, %parallel_loop3A_872], %parallel_loop3A_875 {add = true, strides = array<i32>} : memref<128x768xf32, #tpu.memory_space<vmem>>, vector<1x16xf32>,
        %parallel_loop3A_876 = arith.constant 0 : i32
        %parallel_loop3A_877 = arith.addi %mul3A_250, %parallel_loop3A_876 : i32
        %parallel_loop3A_878 = arith.addi %parallel_loop3A_877, %parallel_loop3A_347 : i32
        %parallel_loop3A_879 = arith.index_cast %parallel_loop3A_878 : i32 to index
        %parallel_loop3A_880 = arith.constant 224 : index
        %parallel_loop3A_881 = tpu.vector_load %arg8[%parallel_loop3A_879, %parallel_loop3A_880] {strides = array<i32>} : memref<128x768xf32, #tpu.memory_space<vmem>>, vector<1x16xf32>,
        %parallel_loop3A_882 = vector.shape_cast %parallel_loop3A_881 : vector<1x16xf32> to vector<16xf32>
        %parallel_loop3A_883 = vector.shape_cast %parallel_loop3A_806 : vector<16xf32> to vector<1x16xf32>
        tpu.vector_store %arg8[%parallel_loop3A_879, %parallel_loop3A_880], %parallel_loop3A_883 {add = true, strides = array<i32>} : memref<128x768xf32, #tpu.memory_space<vmem>>, vector<1x16xf32>,
        %parallel_loop3A_884 = arith.constant 8 : i32
        %parallel_loop3A_885 = arith.addi %mul3A_250, %parallel_loop3A_884 : i32
        %parallel_loop3A_886 = arith.addi %parallel_loop3A_885, %parallel_loop3A_347 : i32
        %parallel_loop3A_887 = arith.index_cast %parallel_loop3A_886 : i32 to index
        %parallel_loop3A_888 = arith.constant 224 : index
        %parallel_loop3A_889 = tpu.vector_load %arg8[%parallel_loop3A_887, %parallel_loop3A_888] {strides = array<i32>} : memref<128x768xf32, #tpu.memory_space<vmem>>, vector<1x16xf32>,
        %parallel_loop3A_890 = vector.shape_cast %parallel_loop3A_889 : vector<1x16xf32> to vector<16xf32>
        %parallel_loop3A_891 = vector.shape_cast %parallel_loop3A_806 : vector<16xf32> to vector<1x16xf32>
        tpu.vector_store %arg8[%parallel_loop3A_887, %parallel_loop3A_888], %parallel_loop3A_891 {add = true, strides = array<i32>} : memref<128x768xf32, #tpu.memory_space<vmem>>, vector<1x16xf32>,
        %parallel_loop3A_892 = arith.constant 16 : i32
        %parallel_loop3A_893 = arith.addi %mul3A_250, %parallel_loop3A_892 : i32
        %parallel_loop3A_894 = arith.addi %parallel_loop3A_893, %parallel_loop3A_347 : i32
        %parallel_loop3A_895 = arith.index_cast %parallel_loop3A_894 : i32 to index
        %parallel_loop3A_896 = arith.constant 224 : index
        %parallel_loop3A_897 = tpu.vector_load %arg8[%parallel_loop3A_895, %parallel_loop3A_896] {strides = array<i32>} : memref<128x768xf32, #tpu.memory_space<vmem>>, vector<1x16xf32>,
        %parallel_loop3A_898 = vector.shape_cast %parallel_loop3A_897 : vector<1x16xf32> to vector<16xf32>
        %parallel_loop3A_899 = vector.shape_cast %parallel_loop3A_806 : vector<16xf32> to vector<1x16xf32>
        tpu.vector_store %arg8[%parallel_loop3A_895, %parallel_loop3A_896], %parallel_loop3A_899 {add = true, strides = array<i32>} : memref<128x768xf32, #tpu.memory_space<vmem>>, vector<1x16xf32>,
        %parallel_loop3A_900 = arith.constant 24 : i32
        %parallel_loop3A_901 = arith.addi %mul3A_250, %parallel_loop3A_900 : i32
        %parallel_loop3A_902 = arith.addi %parallel_loop3A_901, %parallel_loop3A_347 : i32
        %parallel_loop3A_903 = arith.index_cast %parallel_loop3A_902 : i32 to index
        %parallel_loop3A_904 = arith.constant 224 : index
        %parallel_loop3A_905 = tpu.vector_load %arg8[%parallel_loop3A_903, %parallel_loop3A_904] {strides = array<i32>} : memref<128x768xf32, #tpu.memory_space<vmem>>, vector<1x16xf32>,
        %parallel_loop3A_906 = vector.shape_cast %parallel_loop3A_905 : vector<1x16xf32> to vector<16xf32>
        %parallel_loop3A_907 = vector.shape_cast %parallel_loop3A_806 : vector<16xf32> to vector<1x16xf32>
        tpu.vector_store %arg8[%parallel_loop3A_903, %parallel_loop3A_904], %parallel_loop3A_907 {add = true, strides = array<i32>} : memref<128x768xf32, #tpu.memory_space<vmem>>, vector<1x16xf32>,
        %parallel_loop3A_908 = arith.constant 0 : i32
        %parallel_loop3A_909 = arith.addi %mul3A_250, %parallel_loop3A_908 : i32
        %parallel_loop3A_910 = arith.addi %parallel_loop3A_909, %parallel_loop3A_347 : i32
        %parallel_loop3A_911 = arith.index_cast %parallel_loop3A_910 : i32 to index
        %parallel_loop3A_912 = arith.constant 240 : index
        %parallel_loop3A_913 = tpu.vector_load %arg8[%parallel_loop3A_911, %parallel_loop3A_912] {strides = array<i32>} : memref<128x768xf32, #tpu.memory_space<vmem>>, vector<1x16xf32>,
        %parallel_loop3A_914 = vector.shape_cast %parallel_loop3A_913 : vector<1x16xf32> to vector<16xf32>
        %parallel_loop3A_915 = vector.shape_cast %parallel_loop3A_811 : vector<16xf32> to vector<1x16xf32>
        tpu.vector_store %arg8[%parallel_loop3A_911, %parallel_loop3A_912], %parallel_loop3A_915 {add = true, strides = array<i32>} : memref<128x768xf32, #tpu.memory_space<vmem>>, vector<1x16xf32>,
        %parallel_loop3A_916 = arith.constant 8 : i32
        %parallel_loop3A_917 = arith.addi %mul3A_250, %parallel_loop3A_916 : i32
        %parallel_loop3A_918 = arith.addi %parallel_loop3A_917, %parallel_loop3A_347 : i32
        %parallel_loop3A_919 = arith.index_cast %parallel_loop3A_918 : i32 to index
        %parallel_loop3A_920 = arith.constant 240 : index
        %parallel_loop3A_921 = tpu.vector_load %arg8[%parallel_loop3A_919, %parallel_loop3A_920] {strides = array<i32>} : memref<128x768xf32, #tpu.memory_space<vmem>>, vector<1x16xf32>,
        %parallel_loop3A_922 = vector.shape_cast %parallel_loop3A_921 : vector<1x16xf32> to vector<16xf32>
        %parallel_loop3A_923 = vector.shape_cast %parallel_loop3A_811 : vector<16xf32> to vector<1x16xf32>
        tpu.vector_store %arg8[%parallel_loop3A_919, %parallel_loop3A_920], %parallel_loop3A_923 {add = true, strides = array<i32>} : memref<128x768xf32, #tpu.memory_space<vmem>>, vector<1x16xf32>,
        %parallel_loop3A_924 = arith.constant 16 : i32
        %parallel_loop3A_925 = arith.addi %mul3A_250, %parallel_loop3A_924 : i32
        %parallel_loop3A_926 = arith.addi %parallel_loop3A_925, %parallel_loop3A_347 : i32
        %parallel_loop3A_927 = arith.index_cast %parallel_loop3A_926 : i32 to index
        %parallel_loop3A_928 = arith.constant 240 : index
        %parallel_loop3A_929 = tpu.vector_load %arg8[%parallel_loop3A_927, %parallel_loop3A_928] {strides = array<i32>} : memref<128x768xf32, #tpu.memory_space<vmem>>, vector<1x16xf32>,
        %parallel_loop3A_930 = vector.shape_cast %parallel_loop3A_929 : vector<1x16xf32> to vector<16xf32>
        %parallel_loop3A_931 = vector.shape_cast %parallel_loop3A_811 : vector<16xf32> to vector<1x16xf32>
        tpu.vector_store %arg8[%parallel_loop3A_927, %parallel_loop3A_928], %parallel_loop3A_931 {add = true, strides = array<i32>} : memref<128x768xf32, #tpu.memory_space<vmem>>, vector<1x16xf32>,
        %parallel_loop3A_932 = arith.constant 24 : i32
        %parallel_loop3A_933 = arith.addi %mul3A_250, %parallel_loop3A_932 : i32
        %parallel_loop3A_934 = arith.addi %parallel_loop3A_933, %parallel_loop3A_347 : i32
        %parallel_loop3A_935 = arith.index_cast %parallel_loop3A_934 : i32 to index
        %parallel_loop3A_936 = arith.constant 240 : index
        %parallel_loop3A_937 = tpu.vector_load %arg8[%parallel_loop3A_935, %parallel_loop3A_936] {strides = array<i32>} : memref<128x768xf32, #tpu.memory_space<vmem>>, vector<1x16xf32>,
        %parallel_loop3A_938 = vector.shape_cast %parallel_loop3A_937 : vector<1x16xf32> to vector<16xf32>
        %parallel_loop3A_939 = vector.shape_cast %parallel_loop3A_811 : vector<16xf32> to vector<1x16xf32>
        tpu.vector_store %arg8[%parallel_loop3A_935, %parallel_loop3A_936], %parallel_loop3A_939 {add = true, strides = array<i32>} : memref<128x768xf32, #tpu.memory_space<vmem>>, vector<1x16xf32>,
        %parallel_loop3A_940 = arith.addi %mul3A_252, %parallel_loop3A_347 : i32
        %parallel_loop3A_941 = arith.index_cast %parallel_loop3A_940 : i32 to index
        %parallel_loop3A_942 = arith.constant 256 : index
        %parallel_loop3A_943 = tpu.vector_load %arg7[%parallel_loop3A_941, %parallel_loop3A_942] {strides = array<i32>} : memref<32x768xf32, #tpu.memory_space<vmem>>, vector<1x16xf32>,
        %parallel_loop3A_944 = vector.shape_cast %parallel_loop3A_943 : vector<1x16xf32> to vector<16xf32>
        %parallel_loop3A_945 = arith.addi %mul3A_252, %parallel_loop3A_347 : i32
        %parallel_loop3A_946 = arith.index_cast %parallel_loop3A_945 : i32 to index
        %parallel_loop3A_947 = arith.constant 272 : index
        %parallel_loop3A_948 = tpu.vector_load %arg7[%parallel_loop3A_946, %parallel_loop3A_947] {strides = array<i32>} : memref<32x768xf32, #tpu.memory_space<vmem>>, vector<1x16xf32>,
        %parallel_loop3A_949 = vector.shape_cast %parallel_loop3A_948 : vector<1x16xf32> to vector<16xf32>
        %parallel_loop3A_950 = arith.addi %mul3A_252, %parallel_loop3A_347 : i32
        %parallel_loop3A_951 = arith.index_cast %parallel_loop3A_950 : i32 to index
        %parallel_loop3A_952 = arith.constant 288 : index
        %parallel_loop3A_953 = tpu.vector_load %arg7[%parallel_loop3A_951, %parallel_loop3A_952] {strides = array<i32>} : memref<32x768xf32, #tpu.memory_space<vmem>>, vector<1x16xf32>,
        %parallel_loop3A_954 = vector.shape_cast %parallel_loop3A_953 : vector<1x16xf32> to vector<16xf32>
        %parallel_loop3A_955 = arith.addi %mul3A_252, %parallel_loop3A_347 : i32
        %parallel_loop3A_956 = arith.index_cast %parallel_loop3A_955 : i32 to index
        %parallel_loop3A_957 = arith.constant 304 : index
        %parallel_loop3A_958 = tpu.vector_load %arg7[%parallel_loop3A_956, %parallel_loop3A_957] {strides = array<i32>} : memref<32x768xf32, #tpu.memory_space<vmem>>, vector<1x16xf32>,
        %parallel_loop3A_959 = vector.shape_cast %parallel_loop3A_958 : vector<1x16xf32> to vector<16xf32>
        %parallel_loop3A_960 = arith.constant 0 : i32
        %parallel_loop3A_961 = arith.addi %mul3A_250, %parallel_loop3A_960 : i32
        %parallel_loop3A_962 = arith.addi %parallel_loop3A_961, %parallel_loop3A_347 : i32
        %parallel_loop3A_963 = arith.index_cast %parallel_loop3A_962 : i32 to index
        %parallel_loop3A_964 = arith.constant 256 : index
        %parallel_loop3A_965 = tpu.vector_load %arg8[%parallel_loop3A_963, %parallel_loop3A_964] {strides = array<i32>} : memref<128x768xf32, #tpu.memory_space<vmem>>, vector<1x16xf32>,
        %parallel_loop3A_966 = vector.shape_cast %parallel_loop3A_965 : vector<1x16xf32> to vector<16xf32>
        %parallel_loop3A_967 = vector.shape_cast %parallel_loop3A_944 : vector<16xf32> to vector<1x16xf32>
        tpu.vector_store %arg8[%parallel_loop3A_963, %parallel_loop3A_964], %parallel_loop3A_967 {add = true, strides = array<i32>} : memref<128x768xf32, #tpu.memory_space<vmem>>, vector<1x16xf32>,
        %parallel_loop3A_968 = arith.constant 8 : i32
        %parallel_loop3A_969 = arith.addi %mul3A_250, %parallel_loop3A_968 : i32
        %parallel_loop3A_970 = arith.addi %parallel_loop3A_969, %parallel_loop3A_347 : i32
        %parallel_loop3A_971 = arith.index_cast %parallel_loop3A_970 : i32 to index
        %parallel_loop3A_972 = arith.constant 256 : index
        %parallel_loop3A_973 = tpu.vector_load %arg8[%parallel_loop3A_971, %parallel_loop3A_972] {strides = array<i32>} : memref<128x768xf32, #tpu.memory_space<vmem>>, vector<1x16xf32>,
        %parallel_loop3A_974 = vector.shape_cast %parallel_loop3A_973 : vector<1x16xf32> to vector<16xf32>
        %parallel_loop3A_975 = vector.shape_cast %parallel_loop3A_944 : vector<16xf32> to vector<1x16xf32>
        tpu.vector_store %arg8[%parallel_loop3A_971, %parallel_loop3A_972], %parallel_loop3A_975 {add = true, strides = array<i32>} : memref<128x768xf32, #tpu.memory_space<vmem>>, vector<1x16xf32>,
        %parallel_loop3A_976 = arith.constant 16 : i32
        %parallel_loop3A_977 = arith.addi %mul3A_250, %parallel_loop3A_976 : i32
        %parallel_loop3A_978 = arith.addi %parallel_loop3A_977, %parallel_loop3A_347 : i32
        %parallel_loop3A_979 = arith.index_cast %parallel_loop3A_978 : i32 to index
        %parallel_loop3A_980 = arith.constant 256 : index
        %parallel_loop3A_981 = tpu.vector_load %arg8[%parallel_loop3A_979, %parallel_loop3A_980] {strides = array<i32>} : memref<128x768xf32, #tpu.memory_space<vmem>>, vector<1x16xf32>,
        %parallel_loop3A_982 = vector.shape_cast %parallel_loop3A_981 : vector<1x16xf32> to vector<16xf32>
        %parallel_loop3A_983 = vector.shape_cast %parallel_loop3A_944 : vector<16xf32> to vector<1x16xf32>
        tpu.vector_store %arg8[%parallel_loop3A_979, %parallel_loop3A_980], %parallel_loop3A_983 {add = true, strides = array<i32>} : memref<128x768xf32, #tpu.memory_space<vmem>>, vector<1x16xf32>,
        %parallel_loop3A_984 = arith.constant 24 : i32
        %parallel_loop3A_985 = arith.addi %mul3A_250, %parallel_loop3A_984 : i32
        %parallel_loop3A_986 = arith.addi %parallel_loop3A_985, %parallel_loop3A_347 : i32
        %parallel_loop3A_987 = arith.index_cast %parallel_loop3A_986 : i32 to index
        %parallel_loop3A_988 = arith.constant 256 : index
        %parallel_loop3A_989 = tpu.vector_load %arg8[%parallel_loop3A_987, %parallel_loop3A_988] {strides = array<i32>} : memref<128x768xf32, #tpu.memory_space<vmem>>, vector<1x16xf32>,
        %parallel_loop3A_990 = vector.shape_cast %parallel_loop3A_989 : vector<1x16xf32> to vector<16xf32>
        %parallel_loop3A_991 = vector.shape_cast %parallel_loop3A_944 : vector<16xf32> to vector<1x16xf32>
        tpu.vector_store %arg8[%parallel_loop3A_987, %parallel_loop3A_988], %parallel_loop3A_991 {add = true, strides = array<i32>} : memref<128x768xf32, #tpu.memory_space<vmem>>, vector<1x16xf32>,
        %parallel_loop3A_992 = arith.constant 0 : i32
        %parallel_loop3A_993 = arith.addi %mul3A_250, %parallel_loop3A_992 : i32
        %parallel_loop3A_994 = arith.addi %parallel_loop3A_993, %parallel_loop3A_347 : i32
        %parallel_loop3A_995 = arith.index_cast %parallel_loop3A_994 : i32 to index
        %parallel_loop3A_996 = arith.constant 272 : index
        %parallel_loop3A_997 = tpu.vector_load %arg8[%parallel_loop3A_995, %parallel_loop3A_996] {strides = array<i32>} : memref<128x768xf32, #tpu.memory_space<vmem>>, vector<1x16xf32>,
        %parallel_loop3A_998 = vector.shape_cast %parallel_loop3A_997 : vector<1x16xf32> to vector<16xf32>
        %parallel_loop3A_999 = vector.shape_cast %parallel_loop3A_949 : vector<16xf32> to vector<1x16xf32>
        tpu.vector_store %arg8[%parallel_loop3A_995, %parallel_loop3A_996], %parallel_loop3A_999 {add = true, strides = array<i32>} : memref<128x768xf32, #tpu.memory_space<vmem>>, vector<1x16xf32>,
        %parallel_loop3A_1000 = arith.constant 8 : i32
        %parallel_loop3A_1001 = arith.addi %mul3A_250, %parallel_loop3A_1000 : i32
        %parallel_loop3A_1002 = arith.addi %parallel_loop3A_1001, %parallel_loop3A_347 : i32
        %parallel_loop3A_1003 = arith.index_cast %parallel_loop3A_1002 : i32 to index
        %parallel_loop3A_1004 = arith.constant 272 : index
        %parallel_loop3A_1005 = tpu.vector_load %arg8[%parallel_loop3A_1003, %parallel_loop3A_1004] {strides = array<i32>} : memref<128x768xf32, #tpu.memory_space<vmem>>, vector<1x16xf32>,
        %parallel_loop3A_1006 = vector.shape_cast %parallel_loop3A_1005 : vector<1x16xf32> to vector<16xf32>
        %parallel_loop3A_1007 = vector.shape_cast %parallel_loop3A_949 : vector<16xf32> to vector<1x16xf32>
        tpu.vector_store %arg8[%parallel_loop3A_1003, %parallel_loop3A_1004], %parallel_loop3A_1007 {add = true, strides = array<i32>} : memref<128x768xf32, #tpu.memory_space<vmem>>, vector<1x16xf32>,
        %parallel_loop3A_1008 = arith.constant 16 : i32
        %parallel_loop3A_1009 = arith.addi %mul3A_250, %parallel_loop3A_1008 : i32
        %parallel_loop3A_1010 = arith.addi %parallel_loop3A_1009, %parallel_loop3A_347 : i32
        %parallel_loop3A_1011 = arith.index_cast %parallel_loop3A_1010 : i32 to index
        %parallel_loop3A_1012 = arith.constant 272 : index
        %parallel_loop3A_1013 = tpu.vector_load %arg8[%parallel_loop3A_1011, %parallel_loop3A_1012] {strides = array<i32>} : memref<128x768xf32, #tpu.memory_space<vmem>>, vector<1x16xf32>,
        %parallel_loop3A_1014 = vector.shape_cast %parallel_loop3A_1013 : vector<1x16xf32> to vector<16xf32>
        %parallel_loop3A_1015 = vector.shape_cast %parallel_loop3A_949 : vector<16xf32> to vector<1x16xf32>
        tpu.vector_store %arg8[%parallel_loop3A_1011, %parallel_loop3A_1012], %parallel_loop3A_1015 {add = true, strides = array<i32>} : memref<128x768xf32, #tpu.memory_space<vmem>>, vector<1x16xf32>,
        %parallel_loop3A_1016 = arith.constant 24 : i32
        %parallel_loop3A_1017 = arith.addi %mul3A_250, %parallel_loop3A_1016 : i32
        %parallel_loop3A_1018 = arith.addi %parallel_loop3A_1017, %parallel_loop3A_347 : i32
        %parallel_loop3A_1019 = arith.index_cast %parallel_loop3A_1018 : i32 to index
        %parallel_loop3A_1020 = arith.constant 272 : index
        %parallel_loop3A_1021 = tpu.vector_load %arg8[%parallel_loop3A_1019, %parallel_loop3A_1020] {strides = array<i32>} : memref<128x768xf32, #tpu.memory_space<vmem>>, vector<1x16xf32>,
        %parallel_loop3A_1022 = vector.shape_cast %parallel_loop3A_1021 : vector<1x16xf32> to vector<16xf32>
        %parallel_loop3A_1023 = vector.shape_cast %parallel_loop3A_949 : vector<16xf32> to vector<1x16xf32>
        tpu.vector_store %arg8[%parallel_loop3A_1019, %parallel_loop3A_1020], %parallel_loop3A_1023 {add = true, strides = array<i32>} : memref<128x768xf32, #tpu.memory_space<vmem>>, vector<1x16xf32>,
        %parallel_loop3A_1024 = arith.constant 0 : i32
        %parallel_loop3A_1025 = arith.addi %mul3A_250, %parallel_loop3A_1024 : i32
        %parallel_loop3A_1026 = arith.addi %parallel_loop3A_1025, %parallel_loop3A_347 : i32
        %parallel_loop3A_1027 = arith.index_cast %parallel_loop3A_1026 : i32 to index
        %parallel_loop3A_1028 = arith.constant 288 : index
        %parallel_loop3A_1029 = tpu.vector_load %arg8[%parallel_loop3A_1027, %parallel_loop3A_1028] {strides = array<i32>} : memref<128x768xf32, #tpu.memory_space<vmem>>, vector<1x16xf32>,
        %parallel_loop3A_1030 = vector.shape_cast %parallel_loop3A_1029 : vector<1x16xf32> to vector<16xf32>
        %parallel_loop3A_1031 = vector.shape_cast %parallel_loop3A_954 : vector<16xf32> to vector<1x16xf32>
        tpu.vector_store %arg8[%parallel_loop3A_1027, %parallel_loop3A_1028], %parallel_loop3A_1031 {add = true, strides = array<i32>} : memref<128x768xf32, #tpu.memory_space<vmem>>, vector<1x16xf32>,
        %parallel_loop3A_1032 = arith.constant 8 : i32
        %parallel_loop3A_1033 = arith.addi %mul3A_250, %parallel_loop3A_1032 : i32
        %parallel_loop3A_1034 = arith.addi %parallel_loop3A_1033, %parallel_loop3A_347 : i32
        %parallel_loop3A_1035 = arith.index_cast %parallel_loop3A_1034 : i32 to index
        %parallel_loop3A_1036 = arith.constant 288 : index
        %parallel_loop3A_1037 = tpu.vector_load %arg8[%parallel_loop3A_1035, %parallel_loop3A_1036] {strides = array<i32>} : memref<128x768xf32, #tpu.memory_space<vmem>>, vector<1x16xf32>,
        %parallel_loop3A_1038 = vector.shape_cast %parallel_loop3A_1037 : vector<1x16xf32> to vector<16xf32>
        %parallel_loop3A_1039 = vector.shape_cast %parallel_loop3A_954 : vector<16xf32> to vector<1x16xf32>
        tpu.vector_store %arg8[%parallel_loop3A_1035, %parallel_loop3A_1036], %parallel_loop3A_1039 {add = true, strides = array<i32>} : memref<128x768xf32, #tpu.memory_space<vmem>>, vector<1x16xf32>,
        %parallel_loop3A_1040 = arith.constant 16 : i32
        %parallel_loop3A_1041 = arith.addi %mul3A_250, %parallel_loop3A_1040 : i32
        %parallel_loop3A_1042 = arith.addi %parallel_loop3A_1041, %parallel_loop3A_347 : i32
        %parallel_loop3A_1043 = arith.index_cast %parallel_loop3A_1042 : i32 to index
        %parallel_loop3A_1044 = arith.constant 288 : index
        %parallel_loop3A_1045 = tpu.vector_load %arg8[%parallel_loop3A_1043, %parallel_loop3A_1044] {strides = array<i32>} : memref<128x768xf32, #tpu.memory_space<vmem>>, vector<1x16xf32>,
        %parallel_loop3A_1046 = vector.shape_cast %parallel_loop3A_1045 : vector<1x16xf32> to vector<16xf32>
        %parallel_loop3A_1047 = vector.shape_cast %parallel_loop3A_954 : vector<16xf32> to vector<1x16xf32>
        tpu.vector_store %arg8[%parallel_loop3A_1043, %parallel_loop3A_1044], %parallel_loop3A_1047 {add = true, strides = array<i32>} : memref<128x768xf32, #tpu.memory_space<vmem>>, vector<1x16xf32>,
        %parallel_loop3A_1048 = arith.constant 24 : i32
        %parallel_loop3A_1049 = arith.addi %mul3A_250, %parallel_loop3A_1048 : i32
        %parallel_loop3A_1050 = arith.addi %parallel_loop3A_1049, %parallel_loop3A_347 : i32
        %parallel_loop3A_1051 = arith.index_cast %parallel_loop3A_1050 : i32 to index
        %parallel_loop3A_1052 = arith.constant 288 : index
        %parallel_loop3A_1053 = tpu.vector_load %arg8[%parallel_loop3A_1051, %parallel_loop3A_1052] {strides = array<i32>} : memref<128x768xf32, #tpu.memory_space<vmem>>, vector<1x16xf32>,
        %parallel_loop3A_1054 = vector.shape_cast %parallel_loop3A_1053 : vector<1x16xf32> to vector<16xf32>
        %parallel_loop3A_1055 = vector.shape_cast %parallel_loop3A_954 : vector<16xf32> to vector<1x16xf32>
        tpu.vector_store %arg8[%parallel_loop3A_1051, %parallel_loop3A_1052], %parallel_loop3A_1055 {add = true, strides = array<i32>} : memref<128x768xf32, #tpu.memory_space<vmem>>, vector<1x16xf32>,
        %parallel_loop3A_1056 = arith.constant 0 : i32
        %parallel_loop3A_1057 = arith.addi %mul3A_250, %parallel_loop3A_1056 : i32
        %parallel_loop3A_1058 = arith.addi %parallel_loop3A_1057, %parallel_loop3A_347 : i32
        %parallel_loop3A_1059 = arith.index_cast %parallel_loop3A_1058 : i32 to index
        %parallel_loop3A_1060 = arith.constant 304 : index
        %parallel_loop3A_1061 = tpu.vector_load %arg8[%parallel_loop3A_1059, %parallel_loop3A_1060] {strides = array<i32>} : memref<128x768xf32, #tpu.memory_space<vmem>>, vector<1x16xf32>,
        %parallel_loop3A_1062 = vector.shape_cast %parallel_loop3A_1061 : vector<1x16xf32> to vector<16xf32>
        %parallel_loop3A_1063 = vector.shape_cast %parallel_loop3A_959 : vector<16xf32> to vector<1x16xf32>
        tpu.vector_store %arg8[%parallel_loop3A_1059, %parallel_loop3A_1060], %parallel_loop3A_1063 {add = true, strides = array<i32>} : memref<128x768xf32, #tpu.memory_space<vmem>>, vector<1x16xf32>,
        %parallel_loop3A_1064 = arith.constant 8 : i32
        %parallel_loop3A_1065 = arith.addi %mul3A_250, %parallel_loop3A_1064 : i32
        %parallel_loop3A_1066 = arith.addi %parallel_loop3A_1065, %parallel_loop3A_347 : i32
        %parallel_loop3A_1067 = arith.index_cast %parallel_loop3A_1066 : i32 to index
        %parallel_loop3A_1068 = arith.constant 304 : index
        %parallel_loop3A_1069 = tpu.vector_load %arg8[%parallel_loop3A_1067, %parallel_loop3A_1068] {strides = array<i32>} : memref<128x768xf32, #tpu.memory_space<vmem>>, vector<1x16xf32>,
        %parallel_loop3A_1070 = vector.shape_cast %parallel_loop3A_1069 : vector<1x16xf32> to vector<16xf32>
        %parallel_loop3A_1071 = vector.shape_cast %parallel_loop3A_959 : vector<16xf32> to vector<1x16xf32>
        tpu.vector_store %arg8[%parallel_loop3A_1067, %parallel_loop3A_1068], %parallel_loop3A_1071 {add = true, strides = array<i32>} : memref<128x768xf32, #tpu.memory_space<vmem>>, vector<1x16xf32>,
        %parallel_loop3A_1072 = arith.constant 16 : i32
        %parallel_loop3A_1073 = arith.addi %mul3A_250, %parallel_loop3A_1072 : i32
        %parallel_loop3A_1074 = arith.addi %parallel_loop3A_1073, %parallel_loop3A_347 : i32
        %parallel_loop3A_1075 = arith.index_cast %parallel_loop3A_1074 : i32 to index
        %parallel_loop3A_1076 = arith.constant 304 : index
        %parallel_loop3A_1077 = tpu.vector_load %arg8[%parallel_loop3A_1075, %parallel_loop3A_1076] {strides = array<i32>} : memref<128x768xf32, #tpu.memory_space<vmem>>, vector<1x16xf32>,
        %parallel_loop3A_1078 = vector.shape_cast %parallel_loop3A_1077 : vector<1x16xf32> to vector<16xf32>
        %parallel_loop3A_1079 = vector.shape_cast %parallel_loop3A_959 : vector<16xf32> to vector<1x16xf32>
        tpu.vector_store %arg8[%parallel_loop3A_1075, %parallel_loop3A_1076], %parallel_loop3A_1079 {add = true, strides = array<i32>} : memref<128x768xf32, #tpu.memory_space<vmem>>, vector<1x16xf32>,
        %parallel_loop3A_1080 = arith.constant 24 : i32
        %parallel_loop3A_1081 = arith.addi %mul3A_250, %parallel_loop3A_1080 : i32
        %parallel_loop3A_1082 = arith.addi %parallel_loop3A_1081, %parallel_loop3A_347 : i32
        %parallel_loop3A_1083 = arith.index_cast %parallel_loop3A_1082 : i32 to index
        %parallel_loop3A_1084 = arith.constant 304 : index
        %parallel_loop3A_1085 = tpu.vector_load %arg8[%parallel_loop3A_1083, %parallel_loop3A_1084] {strides = array<i32>} : memref<128x768xf32, #tpu.memory_space<vmem>>, vector<1x16xf32>,
        %parallel_loop3A_1086 = vector.shape_cast %parallel_loop3A_1085 : vector<1x16xf32> to vector<16xf32>
        %parallel_loop3A_1087 = vector.shape_cast %parallel_loop3A_959 : vector<16xf32> to vector<1x16xf32>
        tpu.vector_store %arg8[%parallel_loop3A_1083, %parallel_loop3A_1084], %parallel_loop3A_1087 {add = true, strides = array<i32>} : memref<128x768xf32, #tpu.memory_space<vmem>>, vector<1x16xf32>,
        %parallel_loop3A_1088 = arith.addi %mul3A_252, %parallel_loop3A_347 : i32
        %parallel_loop3A_1089 = arith.index_cast %parallel_loop3A_1088 : i32 to index
        %parallel_loop3A_1090 = arith.constant 320 : index
        %parallel_loop3A_1091 = tpu.vector_load %arg7[%parallel_loop3A_1089, %parallel_loop3A_1090] {strides = array<i32>} : memref<32x768xf32, #tpu.memory_space<vmem>>, vector<1x16xf32>,
        %parallel_loop3A_1092 = vector.shape_cast %parallel_loop3A_1091 : vector<1x16xf32> to vector<16xf32>
        %parallel_loop3A_1093 = arith.addi %mul3A_252, %parallel_loop3A_347 : i32
        %parallel_loop3A_1094 = arith.index_cast %parallel_loop3A_1093 : i32 to index
        %parallel_loop3A_1095 = arith.constant 336 : index
        %parallel_loop3A_1096 = tpu.vector_load %arg7[%parallel_loop3A_1094, %parallel_loop3A_1095] {strides = array<i32>} : memref<32x768xf32, #tpu.memory_space<vmem>>, vector<1x16xf32>,
        %parallel_loop3A_1097 = vector.shape_cast %parallel_loop3A_1096 : vector<1x16xf32> to vector<16xf32>
        %parallel_loop3A_1098 = arith.addi %mul3A_252, %parallel_loop3A_347 : i32
        %parallel_loop3A_1099 = arith.index_cast %parallel_loop3A_1098 : i32 to index
        %parallel_loop3A_1100 = arith.constant 352 : index
        %parallel_loop3A_1101 = tpu.vector_load %arg7[%parallel_loop3A_1099, %parallel_loop3A_1100] {strides = array<i32>} : memref<32x768xf32, #tpu.memory_space<vmem>>, vector<1x16xf32>,
        %parallel_loop3A_1102 = vector.shape_cast %parallel_loop3A_1101 : vector<1x16xf32> to vector<16xf32>
        %parallel_loop3A_1103 = arith.addi %mul3A_252, %parallel_loop3A_347 : i32
        %parallel_loop3A_1104 = arith.index_cast %parallel_loop3A_1103 : i32 to index
        %parallel_loop3A_1105 = arith.constant 368 : index
        %parallel_loop3A_1106 = tpu.vector_load %arg7[%parallel_loop3A_1104, %parallel_loop3A_1105] {strides = array<i32>} : memref<32x768xf32, #tpu.memory_space<vmem>>, vector<1x16xf32>,
        %parallel_loop3A_1107 = vector.shape_cast %parallel_loop3A_1106 : vector<1x16xf32> to vector<16xf32>
        %parallel_loop3A_1108 = arith.constant 0 : i32
        %parallel_loop3A_1109 = arith.addi %mul3A_250, %parallel_loop3A_1108 : i32
        %parallel_loop3A_1110 = arith.addi %parallel_loop3A_1109, %parallel_loop3A_347 : i32
        %parallel_loop3A_1111 = arith.index_cast %parallel_loop3A_1110 : i32 to index
        %parallel_loop3A_1112 = arith.constant 320 : index
        %parallel_loop3A_1113 = tpu.vector_load %arg8[%parallel_loop3A_1111, %parallel_loop3A_1112] {strides = array<i32>} : memref<128x768xf32, #tpu.memory_space<vmem>>, vector<1x16xf32>,
        %parallel_loop3A_1114 = vector.shape_cast %parallel_loop3A_1113 : vector<1x16xf32> to vector<16xf32>
        %parallel_loop3A_1115 = vector.shape_cast %parallel_loop3A_1092 : vector<16xf32> to vector<1x16xf32>
        tpu.vector_store %arg8[%parallel_loop3A_1111, %parallel_loop3A_1112], %parallel_loop3A_1115 {add = true, strides = array<i32>} : memref<128x768xf32, #tpu.memory_space<vmem>>, vector<1x16xf32>,
        %parallel_loop3A_1116 = arith.constant 8 : i32
        %parallel_loop3A_1117 = arith.addi %mul3A_250, %parallel_loop3A_1116 : i32
        %parallel_loop3A_1118 = arith.addi %parallel_loop3A_1117, %parallel_loop3A_347 : i32
        %parallel_loop3A_1119 = arith.index_cast %parallel_loop3A_1118 : i32 to index
        %parallel_loop3A_1120 = arith.constant 320 : index
        %parallel_loop3A_1121 = tpu.vector_load %arg8[%parallel_loop3A_1119, %parallel_loop3A_1120] {strides = array<i32>} : memref<128x768xf32, #tpu.memory_space<vmem>>, vector<1x16xf32>,
        %parallel_loop3A_1122 = vector.shape_cast %parallel_loop3A_1121 : vector<1x16xf32> to vector<16xf32>
        %parallel_loop3A_1123 = vector.shape_cast %parallel_loop3A_1092 : vector<16xf32> to vector<1x16xf32>
        tpu.vector_store %arg8[%parallel_loop3A_1119, %parallel_loop3A_1120], %parallel_loop3A_1123 {add = true, strides = array<i32>} : memref<128x768xf32, #tpu.memory_space<vmem>>, vector<1x16xf32>,
        %parallel_loop3A_1124 = arith.constant 16 : i32
        %parallel_loop3A_1125 = arith.addi %mul3A_250, %parallel_loop3A_1124 : i32
        %parallel_loop3A_1126 = arith.addi %parallel_loop3A_1125, %parallel_loop3A_347 : i32
        %parallel_loop3A_1127 = arith.index_cast %parallel_loop3A_1126 : i32 to index
        %parallel_loop3A_1128 = arith.constant 320 : index
        %parallel_loop3A_1129 = tpu.vector_load %arg8[%parallel_loop3A_1127, %parallel_loop3A_1128] {strides = array<i32>} : memref<128x768xf32, #tpu.memory_space<vmem>>, vector<1x16xf32>,
        %parallel_loop3A_1130 = vector.shape_cast %parallel_loop3A_1129 : vector<1x16xf32> to vector<16xf32>
        %parallel_loop3A_1131 = vector.shape_cast %parallel_loop3A_1092 : vector<16xf32> to vector<1x16xf32>
        tpu.vector_store %arg8[%parallel_loop3A_1127, %parallel_loop3A_1128], %parallel_loop3A_1131 {add = true, strides = array<i32>} : memref<128x768xf32, #tpu.memory_space<vmem>>, vector<1x16xf32>,
        %parallel_loop3A_1132 = arith.constant 24 : i32
        %parallel_loop3A_1133 = arith.addi %mul3A_250, %parallel_loop3A_1132 : i32
        %parallel_loop3A_1134 = arith.addi %parallel_loop3A_1133, %parallel_loop3A_347 : i32
        %parallel_loop3A_1135 = arith.index_cast %parallel_loop3A_1134 : i32 to index
        %parallel_loop3A_1136 = arith.constant 320 : index
        %parallel_loop3A_1137 = tpu.vector_load %arg8[%parallel_loop3A_1135, %parallel_loop3A_1136] {strides = array<i32>} : memref<128x768xf32, #tpu.memory_space<vmem>>, vector<1x16xf32>,
        %parallel_loop3A_1138 = vector.shape_cast %parallel_loop3A_1137 : vector<1x16xf32> to vector<16xf32>
        %parallel_loop3A_1139 = vector.shape_cast %parallel_loop3A_1092 : vector<16xf32> to vector<1x16xf32>
        tpu.vector_store %arg8[%parallel_loop3A_1135, %parallel_loop3A_1136], %parallel_loop3A_1139 {add = true, strides = array<i32>} : memref<128x768xf32, #tpu.memory_space<vmem>>, vector<1x16xf32>,
        %parallel_loop3A_1140 = arith.constant 0 : i32
        %parallel_loop3A_1141 = arith.addi %mul3A_250, %parallel_loop3A_1140 : i32
        %parallel_loop3A_1142 = arith.addi %parallel_loop3A_1141, %parallel_loop3A_347 : i32
        %parallel_loop3A_1143 = arith.index_cast %parallel_loop3A_1142 : i32 to index
        %parallel_loop3A_1144 = arith.constant 336 : index
        %parallel_loop3A_1145 = tpu.vector_load %arg8[%parallel_loop3A_1143, %parallel_loop3A_1144] {strides = array<i32>} : memref<128x768xf32, #tpu.memory_space<vmem>>, vector<1x16xf32>,
        %parallel_loop3A_1146 = vector.shape_cast %parallel_loop3A_1145 : vector<1x16xf32> to vector<16xf32>
        %parallel_loop3A_1147 = vector.shape_cast %parallel_loop3A_1097 : vector<16xf32> to vector<1x16xf32>
        tpu.vector_store %arg8[%parallel_loop3A_1143, %parallel_loop3A_1144], %parallel_loop3A_1147 {add = true, strides = array<i32>} : memref<128x768xf32, #tpu.memory_space<vmem>>, vector<1x16xf32>,
        %parallel_loop3A_1148 = arith.constant 8 : i32
        %parallel_loop3A_1149 = arith.addi %mul3A_250, %parallel_loop3A_1148 : i32
        %parallel_loop3A_1150 = arith.addi %parallel_loop3A_1149, %parallel_loop3A_347 : i32
        %parallel_loop3A_1151 = arith.index_cast %parallel_loop3A_1150 : i32 to index
        %parallel_loop3A_1152 = arith.constant 336 : index
        %parallel_loop3A_1153 = tpu.vector_load %arg8[%parallel_loop3A_1151, %parallel_loop3A_1152] {strides = array<i32>} : memref<128x768xf32, #tpu.memory_space<vmem>>, vector<1x16xf32>,
        %parallel_loop3A_1154 = vector.shape_cast %parallel_loop3A_1153 : vector<1x16xf32> to vector<16xf32>
        %parallel_loop3A_1155 = vector.shape_cast %parallel_loop3A_1097 : vector<16xf32> to vector<1x16xf32>
        tpu.vector_store %arg8[%parallel_loop3A_1151, %parallel_loop3A_1152], %parallel_loop3A_1155 {add = true, strides = array<i32>} : memref<128x768xf32, #tpu.memory_space<vmem>>, vector<1x16xf32>,
        %parallel_loop3A_1156 = arith.constant 16 : i32
        %parallel_loop3A_1157 = arith.addi %mul3A_250, %parallel_loop3A_1156 : i32
        %parallel_loop3A_1158 = arith.addi %parallel_loop3A_1157, %parallel_loop3A_347 : i32
        %parallel_loop3A_1159 = arith.index_cast %parallel_loop3A_1158 : i32 to index
        %parallel_loop3A_1160 = arith.constant 336 : index
        %parallel_loop3A_1161 = tpu.vector_load %arg8[%parallel_loop3A_1159, %parallel_loop3A_1160] {strides = array<i32>} : memref<128x768xf32, #tpu.memory_space<vmem>>, vector<1x16xf32>,
        %parallel_loop3A_1162 = vector.shape_cast %parallel_loop3A_1161 : vector<1x16xf32> to vector<16xf32>
        %parallel_loop3A_1163 = vector.shape_cast %parallel_loop3A_1097 : vector<16xf32> to vector<1x16xf32>
        tpu.vector_store %arg8[%parallel_loop3A_1159, %parallel_loop3A_1160], %parallel_loop3A_1163 {add = true, strides = array<i32>} : memref<128x768xf32, #tpu.memory_space<vmem>>, vector<1x16xf32>,
        %parallel_loop3A_1164 = arith.constant 24 : i32
        %parallel_loop3A_1165 = arith.addi %mul3A_250, %parallel_loop3A_1164 : i32
        %parallel_loop3A_1166 = arith.addi %parallel_loop3A_1165, %parallel_loop3A_347 : i32
        %parallel_loop3A_1167 = arith.index_cast %parallel_loop3A_1166 : i32 to index
        %parallel_loop3A_1168 = arith.constant 336 : index
        %parallel_loop3A_1169 = tpu.vector_load %arg8[%parallel_loop3A_1167, %parallel_loop3A_1168] {strides = array<i32>} : memref<128x768xf32, #tpu.memory_space<vmem>>, vector<1x16xf32>,
        %parallel_loop3A_1170 = vector.shape_cast %parallel_loop3A_1169 : vector<1x16xf32> to vector<16xf32>
        %parallel_loop3A_1171 = vector.shape_cast %parallel_loop3A_1097 : vector<16xf32> to vector<1x16xf32>
        tpu.vector_store %arg8[%parallel_loop3A_1167, %parallel_loop3A_1168], %parallel_loop3A_1171 {add = true, strides = array<i32>} : memref<128x768xf32, #tpu.memory_space<vmem>>, vector<1x16xf32>,
        %parallel_loop3A_1172 = arith.constant 0 : i32
        %parallel_loop3A_1173 = arith.addi %mul3A_250, %parallel_loop3A_1172 : i32
        %parallel_loop3A_1174 = arith.addi %parallel_loop3A_1173, %parallel_loop3A_347 : i32
        %parallel_loop3A_1175 = arith.index_cast %parallel_loop3A_1174 : i32 to index
        %parallel_loop3A_1176 = arith.constant 352 : index
        %parallel_loop3A_1177 = tpu.vector_load %arg8[%parallel_loop3A_1175, %parallel_loop3A_1176] {strides = array<i32>} : memref<128x768xf32, #tpu.memory_space<vmem>>, vector<1x16xf32>,
        %parallel_loop3A_1178 = vector.shape_cast %parallel_loop3A_1177 : vector<1x16xf32> to vector<16xf32>
        %parallel_loop3A_1179 = vector.shape_cast %parallel_loop3A_1102 : vector<16xf32> to vector<1x16xf32>
        tpu.vector_store %arg8[%parallel_loop3A_1175, %parallel_loop3A_1176], %parallel_loop3A_1179 {add = true, strides = array<i32>} : memref<128x768xf32, #tpu.memory_space<vmem>>, vector<1x16xf32>,
        %parallel_loop3A_1180 = arith.constant 8 : i32
        %parallel_loop3A_1181 = arith.addi %mul3A_250, %parallel_loop3A_1180 : i32
        %parallel_loop3A_1182 = arith.addi %parallel_loop3A_1181, %parallel_loop3A_347 : i32
        %parallel_loop3A_1183 = arith.index_cast %parallel_loop3A_1182 : i32 to index
        %parallel_loop3A_1184 = arith.constant 352 : index
        %parallel_loop3A_1185 = tpu.vector_load %arg8[%parallel_loop3A_1183, %parallel_loop3A_1184] {strides = array<i32>} : memref<128x768xf32, #tpu.memory_space<vmem>>, vector<1x16xf32>,
        %parallel_loop3A_1186 = vector.shape_cast %parallel_loop3A_1185 : vector<1x16xf32> to vector<16xf32>
        %parallel_loop3A_1187 = vector.shape_cast %parallel_loop3A_1102 : vector<16xf32> to vector<1x16xf32>
        tpu.vector_store %arg8[%parallel_loop3A_1183, %parallel_loop3A_1184], %parallel_loop3A_1187 {add = true, strides = array<i32>} : memref<128x768xf32, #tpu.memory_space<vmem>>, vector<1x16xf32>,
        %parallel_loop3A_1188 = arith.constant 16 : i32
        %parallel_loop3A_1189 = arith.addi %mul3A_250, %parallel_loop3A_1188 : i32
        %parallel_loop3A_1190 = arith.addi %parallel_loop3A_1189, %parallel_loop3A_347 : i32
        %parallel_loop3A_1191 = arith.index_cast %parallel_loop3A_1190 : i32 to index
        %parallel_loop3A_1192 = arith.constant 352 : index
        %parallel_loop3A_1193 = tpu.vector_load %arg8[%parallel_loop3A_1191, %parallel_loop3A_1192] {strides = array<i32>} : memref<128x768xf32, #tpu.memory_space<vmem>>, vector<1x16xf32>,
        %parallel_loop3A_1194 = vector.shape_cast %parallel_loop3A_1193 : vector<1x16xf32> to vector<16xf32>
        %parallel_loop3A_1195 = vector.shape_cast %parallel_loop3A_1102 : vector<16xf32> to vector<1x16xf32>
        tpu.vector_store %arg8[%parallel_loop3A_1191, %parallel_loop3A_1192], %parallel_loop3A_1195 {add = true, strides = array<i32>} : memref<128x768xf32, #tpu.memory_space<vmem>>, vector<1x16xf32>,
        %parallel_loop3A_1196 = arith.constant 24 : i32
        %parallel_loop3A_1197 = arith.addi %mul3A_250, %parallel_loop3A_1196 : i32
        %parallel_loop3A_1198 = arith.addi %parallel_loop3A_1197, %parallel_loop3A_347 : i32
        %parallel_loop3A_1199 = arith.index_cast %parallel_loop3A_1198 : i32 to index
        %parallel_loop3A_1200 = arith.constant 352 : index
        %parallel_loop3A_1201 = tpu.vector_load %arg8[%parallel_loop3A_1199, %parallel_loop3A_1200] {strides = array<i32>} : memref<128x768xf32, #tpu.memory_space<vmem>>, vector<1x16xf32>,
        %parallel_loop3A_1202 = vector.shape_cast %parallel_loop3A_1201 : vector<1x16xf32> to vector<16xf32>
        %parallel_loop3A_1203 = vector.shape_cast %parallel_loop3A_1102 : vector<16xf32> to vector<1x16xf32>
        tpu.vector_store %arg8[%parallel_loop3A_1199, %parallel_loop3A_1200], %parallel_loop3A_1203 {add = true, strides = array<i32>} : memref<128x768xf32, #tpu.memory_space<vmem>>, vector<1x16xf32>,
        %parallel_loop3A_1204 = arith.constant 0 : i32
        %parallel_loop3A_1205 = arith.addi %mul3A_250, %parallel_loop3A_1204 : i32
        %parallel_loop3A_1206 = arith.addi %parallel_loop3A_1205, %parallel_loop3A_347 : i32
        %parallel_loop3A_1207 = arith.index_cast %parallel_loop3A_1206 : i32 to index
        %parallel_loop3A_1208 = arith.constant 368 : index
        %parallel_loop3A_1209 = tpu.vector_load %arg8[%parallel_loop3A_1207, %parallel_loop3A_1208] {strides = array<i32>} : memref<128x768xf32, #tpu.memory_space<vmem>>, vector<1x16xf32>,
        %parallel_loop3A_1210 = vector.shape_cast %parallel_loop3A_1209 : vector<1x16xf32> to vector<16xf32>
        %parallel_loop3A_1211 = vector.shape_cast %parallel_loop3A_1107 : vector<16xf32> to vector<1x16xf32>
        tpu.vector_store %arg8[%parallel_loop3A_1207, %parallel_loop3A_1208], %parallel_loop3A_1211 {add = true, strides = array<i32>} : memref<128x768xf32, #tpu.memory_space<vmem>>, vector<1x16xf32>,
        %parallel_loop3A_1212 = arith.constant 8 : i32
        %parallel_loop3A_1213 = arith.addi %mul3A_250, %parallel_loop3A_1212 : i32
        %parallel_loop3A_1214 = arith.addi %parallel_loop3A_1213, %parallel_loop3A_347 : i32
        %parallel_loop3A_1215 = arith.index_cast %parallel_loop3A_1214 : i32 to index
        %parallel_loop3A_1216 = arith.constant 368 : index
        %parallel_loop3A_1217 = tpu.vector_load %arg8[%parallel_loop3A_1215, %parallel_loop3A_1216] {strides = array<i32>} : memref<128x768xf32, #tpu.memory_space<vmem>>, vector<1x16xf32>,
        %parallel_loop3A_1218 = vector.shape_cast %parallel_loop3A_1217 : vector<1x16xf32> to vector<16xf32>
        %parallel_loop3A_1219 = vector.shape_cast %parallel_loop3A_1107 : vector<16xf32> to vector<1x16xf32>
        tpu.vector_store %arg8[%parallel_loop3A_1215, %parallel_loop3A_1216], %parallel_loop3A_1219 {add = true, strides = array<i32>} : memref<128x768xf32, #tpu.memory_space<vmem>>, vector<1x16xf32>,
        %parallel_loop3A_1220 = arith.constant 16 : i32
        %parallel_loop3A_1221 = arith.addi %mul3A_250, %parallel_loop3A_1220 : i32
        %parallel_loop3A_1222 = arith.addi %parallel_loop3A_1221, %parallel_loop3A_347 : i32
        %parallel_loop3A_1223 = arith.index_cast %parallel_loop3A_1222 : i32 to index
        %parallel_loop3A_1224 = arith.constant 368 : index
        %parallel_loop3A_1225 = tpu.vector_load %arg8[%parallel_loop3A_1223, %parallel_loop3A_1224] {strides = array<i32>} : memref<128x768xf32, #tpu.memory_space<vmem>>, vector<1x16xf32>,
        %parallel_loop3A_1226 = vector.shape_cast %parallel_loop3A_1225 : vector<1x16xf32> to vector<16xf32>
        %parallel_loop3A_1227 = vector.shape_cast %parallel_loop3A_1107 : vector<16xf32> to vector<1x16xf32>
        tpu.vector_store %arg8[%parallel_loop3A_1223, %parallel_loop3A_1224], %parallel_loop3A_1227 {add = true, strides = array<i32>} : memref<128x768xf32, #tpu.memory_space<vmem>>, vector<1x16xf32>,
        %parallel_loop3A_1228 = arith.constant 24 : i32
        %parallel_loop3A_1229 = arith.addi %mul3A_250, %parallel_loop3A_1228 : i32
        %parallel_loop3A_1230 = arith.addi %parallel_loop3A_1229, %parallel_loop3A_347 : i32
        %parallel_loop3A_1231 = arith.index_cast %parallel_loop3A_1230 : i32 to index
        %parallel_loop3A_1232 = arith.constant 368 : index
        %parallel_loop3A_1233 = tpu.vector_load %arg8[%parallel_loop3A_1231, %parallel_loop3A_1232] {strides = array<i32>} : memref<128x768xf32, #tpu.memory_space<vmem>>, vector<1x16xf32>,
        %parallel_loop3A_1234 = vector.shape_cast %parallel_loop3A_1233 : vector<1x16xf32> to vector<16xf32>
        %parallel_loop3A_1235 = vector.shape_cast %parallel_loop3A_1107 : vector<16xf32> to vector<1x16xf32>
        tpu.vector_store %arg8[%parallel_loop3A_1231, %parallel_loop3A_1232], %parallel_loop3A_1235 {add = true, strides = array<i32>} : memref<128x768xf32, #tpu.memory_space<vmem>>, vector<1x16xf32>,
        %parallel_loop3A_1236 = arith.addi %mul3A_252, %parallel_loop3A_347 : i32
        %parallel_loop3A_1237 = arith.index_cast %parallel_loop3A_1236 : i32 to index
        %parallel_loop3A_1238 = arith.constant 384 : index
        %parallel_loop3A_1239 = tpu.vector_load %arg7[%parallel_loop3A_1237, %parallel_loop3A_1238] {strides = array<i32>} : memref<32x768xf32, #tpu.memory_space<vmem>>, vector<1x16xf32>,
        %parallel_loop3A_1240 = vector.shape_cast %parallel_loop3A_1239 : vector<1x16xf32> to vector<16xf32>
        %parallel_loop3A_1241 = arith.addi %mul3A_252, %parallel_loop3A_347 : i32
        %parallel_loop3A_1242 = arith.index_cast %parallel_loop3A_1241 : i32 to index
        %parallel_loop3A_1243 = arith.constant 400 : index
        %parallel_loop3A_1244 = tpu.vector_load %arg7[%parallel_loop3A_1242, %parallel_loop3A_1243] {strides = array<i32>} : memref<32x768xf32, #tpu.memory_space<vmem>>, vector<1x16xf32>,
        %parallel_loop3A_1245 = vector.shape_cast %parallel_loop3A_1244 : vector<1x16xf32> to vector<16xf32>
        %parallel_loop3A_1246 = arith.addi %mul3A_252, %parallel_loop3A_347 : i32
        %parallel_loop3A_1247 = arith.index_cast %parallel_loop3A_1246 : i32 to index
        %parallel_loop3A_1248 = arith.constant 416 : index
        %parallel_loop3A_1249 = tpu.vector_load %arg7[%parallel_loop3A_1247, %parallel_loop3A_1248] {strides = array<i32>} : memref<32x768xf32, #tpu.memory_space<vmem>>, vector<1x16xf32>,
        %parallel_loop3A_1250 = vector.shape_cast %parallel_loop3A_1249 : vector<1x16xf32> to vector<16xf32>
        %parallel_loop3A_1251 = arith.addi %mul3A_252, %parallel_loop3A_347 : i32
        %parallel_loop3A_1252 = arith.index_cast %parallel_loop3A_1251 : i32 to index
        %parallel_loop3A_1253 = arith.constant 432 : index
        %parallel_loop3A_1254 = tpu.vector_load %arg7[%parallel_loop3A_1252, %parallel_loop3A_1253] {strides = array<i32>} : memref<32x768xf32, #tpu.memory_space<vmem>>, vector<1x16xf32>,
        %parallel_loop3A_1255 = vector.shape_cast %parallel_loop3A_1254 : vector<1x16xf32> to vector<16xf32>
        %parallel_loop3A_1256 = arith.constant 0 : i32
        %parallel_loop3A_1257 = arith.addi %mul3A_250, %parallel_loop3A_1256 : i32
        %parallel_loop3A_1258 = arith.addi %parallel_loop3A_1257, %parallel_loop3A_347 : i32
        %parallel_loop3A_1259 = arith.index_cast %parallel_loop3A_1258 : i32 to index
        %parallel_loop3A_1260 = arith.constant 384 : index
        %parallel_loop3A_1261 = tpu.vector_load %arg8[%parallel_loop3A_1259, %parallel_loop3A_1260] {strides = array<i32>} : memref<128x768xf32, #tpu.memory_space<vmem>>, vector<1x16xf32>,
        %parallel_loop3A_1262 = vector.shape_cast %parallel_loop3A_1261 : vector<1x16xf32> to vector<16xf32>
        %parallel_loop3A_1263 = vector.shape_cast %parallel_loop3A_1240 : vector<16xf32> to vector<1x16xf32>
        tpu.vector_store %arg8[%parallel_loop3A_1259, %parallel_loop3A_1260], %parallel_loop3A_1263 {add = true, strides = array<i32>} : memref<128x768xf32, #tpu.memory_space<vmem>>, vector<1x16xf32>,
        %parallel_loop3A_1264 = arith.constant 8 : i32
        %parallel_loop3A_1265 = arith.addi %mul3A_250, %parallel_loop3A_1264 : i32
        %parallel_loop3A_1266 = arith.addi %parallel_loop3A_1265, %parallel_loop3A_347 : i32
        %parallel_loop3A_1267 = arith.index_cast %parallel_loop3A_1266 : i32 to index
        %parallel_loop3A_1268 = arith.constant 384 : index
        %parallel_loop3A_1269 = tpu.vector_load %arg8[%parallel_loop3A_1267, %parallel_loop3A_1268] {strides = array<i32>} : memref<128x768xf32, #tpu.memory_space<vmem>>, vector<1x16xf32>,
        %parallel_loop3A_1270 = vector.shape_cast %parallel_loop3A_1269 : vector<1x16xf32> to vector<16xf32>
        %parallel_loop3A_1271 = vector.shape_cast %parallel_loop3A_1240 : vector<16xf32> to vector<1x16xf32>
        tpu.vector_store %arg8[%parallel_loop3A_1267, %parallel_loop3A_1268], %parallel_loop3A_1271 {add = true, strides = array<i32>} : memref<128x768xf32, #tpu.memory_space<vmem>>, vector<1x16xf32>,
        %parallel_loop3A_1272 = arith.constant 16 : i32
        %parallel_loop3A_1273 = arith.addi %mul3A_250, %parallel_loop3A_1272 : i32
        %parallel_loop3A_1274 = arith.addi %parallel_loop3A_1273, %parallel_loop3A_347 : i32
        %parallel_loop3A_1275 = arith.index_cast %parallel_loop3A_1274 : i32 to index
        %parallel_loop3A_1276 = arith.constant 384 : index
        %parallel_loop3A_1277 = tpu.vector_load %arg8[%parallel_loop3A_1275, %parallel_loop3A_1276] {strides = array<i32>} : memref<128x768xf32, #tpu.memory_space<vmem>>, vector<1x16xf32>,
        %parallel_loop3A_1278 = vector.shape_cast %parallel_loop3A_1277 : vector<1x16xf32> to vector<16xf32>
        %parallel_loop3A_1279 = vector.shape_cast %parallel_loop3A_1240 : vector<16xf32> to vector<1x16xf32>
        tpu.vector_store %arg8[%parallel_loop3A_1275, %parallel_loop3A_1276], %parallel_loop3A_1279 {add = true, strides = array<i32>} : memref<128x768xf32, #tpu.memory_space<vmem>>, vector<1x16xf32>,
        %parallel_loop3A_1280 = arith.constant 24 : i32
        %parallel_loop3A_1281 = arith.addi %mul3A_250, %parallel_loop3A_1280 : i32
        %parallel_loop3A_1282 = arith.addi %parallel_loop3A_1281, %parallel_loop3A_347 : i32
        %parallel_loop3A_1283 = arith.index_cast %parallel_loop3A_1282 : i32 to index
        %parallel_loop3A_1284 = arith.constant 384 : index
        %parallel_loop3A_1285 = tpu.vector_load %arg8[%parallel_loop3A_1283, %parallel_loop3A_1284] {strides = array<i32>} : memref<128x768xf32, #tpu.memory_space<vmem>>, vector<1x16xf32>,
        %parallel_loop3A_1286 = vector.shape_cast %parallel_loop3A_1285 : vector<1x16xf32> to vector<16xf32>
        %parallel_loop3A_1287 = vector.shape_cast %parallel_loop3A_1240 : vector<16xf32> to vector<1x16xf32>
        tpu.vector_store %arg8[%parallel_loop3A_1283, %parallel_loop3A_1284], %parallel_loop3A_1287 {add = true, strides = array<i32>} : memref<128x768xf32, #tpu.memory_space<vmem>>, vector<1x16xf32>,
        %parallel_loop3A_1288 = arith.constant 0 : i32
        %parallel_loop3A_1289 = arith.addi %mul3A_250, %parallel_loop3A_1288 : i32
        %parallel_loop3A_1290 = arith.addi %parallel_loop3A_1289, %parallel_loop3A_347 : i32
        %parallel_loop3A_1291 = arith.index_cast %parallel_loop3A_1290 : i32 to index
        %parallel_loop3A_1292 = arith.constant 400 : index
        %parallel_loop3A_1293 = tpu.vector_load %arg8[%parallel_loop3A_1291, %parallel_loop3A_1292] {strides = array<i32>} : memref<128x768xf32, #tpu.memory_space<vmem>>, vector<1x16xf32>,
        %parallel_loop3A_1294 = vector.shape_cast %parallel_loop3A_1293 : vector<1x16xf32> to vector<16xf32>
        %parallel_loop3A_1295 = vector.shape_cast %parallel_loop3A_1245 : vector<16xf32> to vector<1x16xf32>
        tpu.vector_store %arg8[%parallel_loop3A_1291, %parallel_loop3A_1292], %parallel_loop3A_1295 {add = true, strides = array<i32>} : memref<128x768xf32, #tpu.memory_space<vmem>>, vector<1x16xf32>,
        %parallel_loop3A_1296 = arith.constant 8 : i32
        %parallel_loop3A_1297 = arith.addi %mul3A_250, %parallel_loop3A_1296 : i32
        %parallel_loop3A_1298 = arith.addi %parallel_loop3A_1297, %parallel_loop3A_347 : i32
        %parallel_loop3A_1299 = arith.index_cast %parallel_loop3A_1298 : i32 to index
        %parallel_loop3A_1300 = arith.constant 400 : index
        %parallel_loop3A_1301 = tpu.vector_load %arg8[%parallel_loop3A_1299, %parallel_loop3A_1300] {strides = array<i32>} : memref<128x768xf32, #tpu.memory_space<vmem>>, vector<1x16xf32>,
        %parallel_loop3A_1302 = vector.shape_cast %parallel_loop3A_1301 : vector<1x16xf32> to vector<16xf32>
        %parallel_loop3A_1303 = vector.shape_cast %parallel_loop3A_1245 : vector<16xf32> to vector<1x16xf32>
        tpu.vector_store %arg8[%parallel_loop3A_1299, %parallel_loop3A_1300], %parallel_loop3A_1303 {add = true, strides = array<i32>} : memref<128x768xf32, #tpu.memory_space<vmem>>, vector<1x16xf32>,
        %parallel_loop3A_1304 = arith.constant 16 : i32
        %parallel_loop3A_1305 = arith.addi %mul3A_250, %parallel_loop3A_1304 : i32
        %parallel_loop3A_1306 = arith.addi %parallel_loop3A_1305, %parallel_loop3A_347 : i32
        %parallel_loop3A_1307 = arith.index_cast %parallel_loop3A_1306 : i32 to index
        %parallel_loop3A_1308 = arith.constant 400 : index
        %parallel_loop3A_1309 = tpu.vector_load %arg8[%parallel_loop3A_1307, %parallel_loop3A_1308] {strides = array<i32>} : memref<128x768xf32, #tpu.memory_space<vmem>>, vector<1x16xf32>,
        %parallel_loop3A_1310 = vector.shape_cast %parallel_loop3A_1309 : vector<1x16xf32> to vector<16xf32>
        %parallel_loop3A_1311 = vector.shape_cast %parallel_loop3A_1245 : vector<16xf32> to vector<1x16xf32>
        tpu.vector_store %arg8[%parallel_loop3A_1307, %parallel_loop3A_1308], %parallel_loop3A_1311 {add = true, strides = array<i32>} : memref<128x768xf32, #tpu.memory_space<vmem>>, vector<1x16xf32>,
        %parallel_loop3A_1312 = arith.constant 24 : i32
        %parallel_loop3A_1313 = arith.addi %mul3A_250, %parallel_loop3A_1312 : i32
        %parallel_loop3A_1314 = arith.addi %parallel_loop3A_1313, %parallel_loop3A_347 : i32
        %parallel_loop3A_1315 = arith.index_cast %parallel_loop3A_1314 : i32 to index
        %parallel_loop3A_1316 = arith.constant 400 : index
        %parallel_loop3A_1317 = tpu.vector_load %arg8[%parallel_loop3A_1315, %parallel_loop3A_1316] {strides = array<i32>} : memref<128x768xf32, #tpu.memory_space<vmem>>, vector<1x16xf32>,
        %parallel_loop3A_1318 = vector.shape_cast %parallel_loop3A_1317 : vector<1x16xf32> to vector<16xf32>
        %parallel_loop3A_1319 = vector.shape_cast %parallel_loop3A_1245 : vector<16xf32> to vector<1x16xf32>
        tpu.vector_store %arg8[%parallel_loop3A_1315, %parallel_loop3A_1316], %parallel_loop3A_1319 {add = true, strides = array<i32>} : memref<128x768xf32, #tpu.memory_space<vmem>>, vector<1x16xf32>,
        %parallel_loop3A_1320 = arith.constant 0 : i32
        %parallel_loop3A_1321 = arith.addi %mul3A_250, %parallel_loop3A_1320 : i32
        %parallel_loop3A_1322 = arith.addi %parallel_loop3A_1321, %parallel_loop3A_347 : i32
        %parallel_loop3A_1323 = arith.index_cast %parallel_loop3A_1322 : i32 to index
        %parallel_loop3A_1324 = arith.constant 416 : index
        %parallel_loop3A_1325 = tpu.vector_load %arg8[%parallel_loop3A_1323, %parallel_loop3A_1324] {strides = array<i32>} : memref<128x768xf32, #tpu.memory_space<vmem>>, vector<1x16xf32>,
        %parallel_loop3A_1326 = vector.shape_cast %parallel_loop3A_1325 : vector<1x16xf32> to vector<16xf32>
        %parallel_loop3A_1327 = vector.shape_cast %parallel_loop3A_1250 : vector<16xf32> to vector<1x16xf32>
        tpu.vector_store %arg8[%parallel_loop3A_1323, %parallel_loop3A_1324], %parallel_loop3A_1327 {add = true, strides = array<i32>} : memref<128x768xf32, #tpu.memory_space<vmem>>, vector<1x16xf32>,
        %parallel_loop3A_1328 = arith.constant 8 : i32
        %parallel_loop3A_1329 = arith.addi %mul3A_250, %parallel_loop3A_1328 : i32
        %parallel_loop3A_1330 = arith.addi %parallel_loop3A_1329, %parallel_loop3A_347 : i32
        %parallel_loop3A_1331 = arith.index_cast %parallel_loop3A_1330 : i32 to index
        %parallel_loop3A_1332 = arith.constant 416 : index
        %parallel_loop3A_1333 = tpu.vector_load %arg8[%parallel_loop3A_1331, %parallel_loop3A_1332] {strides = array<i32>} : memref<128x768xf32, #tpu.memory_space<vmem>>, vector<1x16xf32>,
        %parallel_loop3A_1334 = vector.shape_cast %parallel_loop3A_1333 : vector<1x16xf32> to vector<16xf32>
        %parallel_loop3A_1335 = vector.shape_cast %parallel_loop3A_1250 : vector<16xf32> to vector<1x16xf32>
        tpu.vector_store %arg8[%parallel_loop3A_1331, %parallel_loop3A_1332], %parallel_loop3A_1335 {add = true, strides = array<i32>} : memref<128x768xf32, #tpu.memory_space<vmem>>, vector<1x16xf32>,
        %parallel_loop3A_1336 = arith.constant 16 : i32
        %parallel_loop3A_1337 = arith.addi %mul3A_250, %parallel_loop3A_1336 : i32
        %parallel_loop3A_1338 = arith.addi %parallel_loop3A_1337, %parallel_loop3A_347 : i32
        %parallel_loop3A_1339 = arith.index_cast %parallel_loop3A_1338 : i32 to index
        %parallel_loop3A_1340 = arith.constant 416 : index
        %parallel_loop3A_1341 = tpu.vector_load %arg8[%parallel_loop3A_1339, %parallel_loop3A_1340] {strides = array<i32>} : memref<128x768xf32, #tpu.memory_space<vmem>>, vector<1x16xf32>,
        %parallel_loop3A_1342 = vector.shape_cast %parallel_loop3A_1341 : vector<1x16xf32> to vector<16xf32>
        %parallel_loop3A_1343 = vector.shape_cast %parallel_loop3A_1250 : vector<16xf32> to vector<1x16xf32>
        tpu.vector_store %arg8[%parallel_loop3A_1339, %parallel_loop3A_1340], %parallel_loop3A_1343 {add = true, strides = array<i32>} : memref<128x768xf32, #tpu.memory_space<vmem>>, vector<1x16xf32>,
        %parallel_loop3A_1344 = arith.constant 24 : i32
        %parallel_loop3A_1345 = arith.addi %mul3A_250, %parallel_loop3A_1344 : i32
        %parallel_loop3A_1346 = arith.addi %parallel_loop3A_1345, %parallel_loop3A_347 : i32
        %parallel_loop3A_1347 = arith.index_cast %parallel_loop3A_1346 : i32 to index
        %parallel_loop3A_1348 = arith.constant 416 : index
        %parallel_loop3A_1349 = tpu.vector_load %arg8[%parallel_loop3A_1347, %parallel_loop3A_1348] {strides = array<i32>} : memref<128x768xf32, #tpu.memory_space<vmem>>, vector<1x16xf32>,
        %parallel_loop3A_1350 = vector.shape_cast %parallel_loop3A_1349 : vector<1x16xf32> to vector<16xf32>
        %parallel_loop3A_1351 = vector.shape_cast %parallel_loop3A_1250 : vector<16xf32> to vector<1x16xf32>
        tpu.vector_store %arg8[%parallel_loop3A_1347, %parallel_loop3A_1348], %parallel_loop3A_1351 {add = true, strides = array<i32>} : memref<128x768xf32, #tpu.memory_space<vmem>>, vector<1x16xf32>,
        %parallel_loop3A_1352 = arith.constant 0 : i32
        %parallel_loop3A_1353 = arith.addi %mul3A_250, %parallel_loop3A_1352 : i32
        %parallel_loop3A_1354 = arith.addi %parallel_loop3A_1353, %parallel_loop3A_347 : i32
        %parallel_loop3A_1355 = arith.index_cast %parallel_loop3A_1354 : i32 to index
        %parallel_loop3A_1356 = arith.constant 432 : index
        %parallel_loop3A_1357 = tpu.vector_load %arg8[%parallel_loop3A_1355, %parallel_loop3A_1356] {strides = array<i32>} : memref<128x768xf32, #tpu.memory_space<vmem>>, vector<1x16xf32>,
        %parallel_loop3A_1358 = vector.shape_cast %parallel_loop3A_1357 : vector<1x16xf32> to vector<16xf32>
        %parallel_loop3A_1359 = vector.shape_cast %parallel_loop3A_1255 : vector<16xf32> to vector<1x16xf32>
        tpu.vector_store %arg8[%parallel_loop3A_1355, %parallel_loop3A_1356], %parallel_loop3A_1359 {add = true, strides = array<i32>} : memref<128x768xf32, #tpu.memory_space<vmem>>, vector<1x16xf32>,
        %parallel_loop3A_1360 = arith.constant 8 : i32
        %parallel_loop3A_1361 = arith.addi %mul3A_250, %parallel_loop3A_1360 : i32
        %parallel_loop3A_1362 = arith.addi %parallel_loop3A_1361, %parallel_loop3A_347 : i32
        %parallel_loop3A_1363 = arith.index_cast %parallel_loop3A_1362 : i32 to index
        %parallel_loop3A_1364 = arith.constant 432 : index
        %parallel_loop3A_1365 = tpu.vector_load %arg8[%parallel_loop3A_1363, %parallel_loop3A_1364] {strides = array<i32>} : memref<128x768xf32, #tpu.memory_space<vmem>>, vector<1x16xf32>,
        %parallel_loop3A_1366 = vector.shape_cast %parallel_loop3A_1365 : vector<1x16xf32> to vector<16xf32>
        %parallel_loop3A_1367 = vector.shape_cast %parallel_loop3A_1255 : vector<16xf32> to vector<1x16xf32>
        tpu.vector_store %arg8[%parallel_loop3A_1363, %parallel_loop3A_1364], %parallel_loop3A_1367 {add = true, strides = array<i32>} : memref<128x768xf32, #tpu.memory_space<vmem>>, vector<1x16xf32>,
        %parallel_loop3A_1368 = arith.constant 16 : i32
        %parallel_loop3A_1369 = arith.addi %mul3A_250, %parallel_loop3A_1368 : i32
        %parallel_loop3A_1370 = arith.addi %parallel_loop3A_1369, %parallel_loop3A_347 : i32
        %parallel_loop3A_1371 = arith.index_cast %parallel_loop3A_1370 : i32 to index
        %parallel_loop3A_1372 = arith.constant 432 : index
        %parallel_loop3A_1373 = tpu.vector_load %arg8[%parallel_loop3A_1371, %parallel_loop3A_1372] {strides = array<i32>} : memref<128x768xf32, #tpu.memory_space<vmem>>, vector<1x16xf32>,
        %parallel_loop3A_1374 = vector.shape_cast %parallel_loop3A_1373 : vector<1x16xf32> to vector<16xf32>
        %parallel_loop3A_1375 = vector.shape_cast %parallel_loop3A_1255 : vector<16xf32> to vector<1x16xf32>
        tpu.vector_store %arg8[%parallel_loop3A_1371, %parallel_loop3A_1372], %parallel_loop3A_1375 {add = true, strides = array<i32>} : memref<128x768xf32, #tpu.memory_space<vmem>>, vector<1x16xf32>,
        %parallel_loop3A_1376 = arith.constant 24 : i32
        %parallel_loop3A_1377 = arith.addi %mul3A_250, %parallel_loop3A_1376 : i32
        %parallel_loop3A_1378 = arith.addi %parallel_loop3A_1377, %parallel_loop3A_347 : i32
        %parallel_loop3A_1379 = arith.index_cast %parallel_loop3A_1378 : i32 to index
        %parallel_loop3A_1380 = arith.constant 432 : index
        %parallel_loop3A_1381 = tpu.vector_load %arg8[%parallel_loop3A_1379, %parallel_loop3A_1380] {strides = array<i32>} : memref<128x768xf32, #tpu.memory_space<vmem>>, vector<1x16xf32>,
        %parallel_loop3A_1382 = vector.shape_cast %parallel_loop3A_1381 : vector<1x16xf32> to vector<16xf32>
        %parallel_loop3A_1383 = vector.shape_cast %parallel_loop3A_1255 : vector<16xf32> to vector<1x16xf32>
        tpu.vector_store %arg8[%parallel_loop3A_1379, %parallel_loop3A_1380], %parallel_loop3A_1383 {add = true, strides = array<i32>} : memref<128x768xf32, #tpu.memory_space<vmem>>, vector<1x16xf32>,
        %parallel_loop3A_1384 = arith.addi %mul3A_252, %parallel_loop3A_347 : i32
        %parallel_loop3A_1385 = arith.index_cast %parallel_loop3A_1384 : i32 to index
        %parallel_loop3A_1386 = arith.constant 448 : index
        %parallel_loop3A_1387 = tpu.vector_load %arg7[%parallel_loop3A_1385, %parallel_loop3A_1386] {strides = array<i32>} : memref<32x768xf32, #tpu.memory_space<vmem>>, vector<1x16xf32>,
        %parallel_loop3A_1388 = vector.shape_cast %parallel_loop3A_1387 : vector<1x16xf32> to vector<16xf32>
        %parallel_loop3A_1389 = arith.addi %mul3A_252, %parallel_loop3A_347 : i32
        %parallel_loop3A_1390 = arith.index_cast %parallel_loop3A_1389 : i32 to index
        %parallel_loop3A_1391 = arith.constant 464 : index
        %parallel_loop3A_1392 = tpu.vector_load %arg7[%parallel_loop3A_1390, %parallel_loop3A_1391] {strides = array<i32>} : memref<32x768xf32, #tpu.memory_space<vmem>>, vector<1x16xf32>,
        %parallel_loop3A_1393 = vector.shape_cast %parallel_loop3A_1392 : vector<1x16xf32> to vector<16xf32>
        %parallel_loop3A_1394 = arith.addi %mul3A_252, %parallel_loop3A_347 : i32
        %parallel_loop3A_1395 = arith.index_cast %parallel_loop3A_1394 : i32 to index
        %parallel_loop3A_1396 = arith.constant 480 : index
        %parallel_loop3A_1397 = tpu.vector_load %arg7[%parallel_loop3A_1395, %parallel_loop3A_1396] {strides = array<i32>} : memref<32x768xf32, #tpu.memory_space<vmem>>, vector<1x16xf32>,
        %parallel_loop3A_1398 = vector.shape_cast %parallel_loop3A_1397 : vector<1x16xf32> to vector<16xf32>
        %parallel_loop3A_1399 = arith.addi %mul3A_252, %parallel_loop3A_347 : i32
        %parallel_loop3A_1400 = arith.index_cast %parallel_loop3A_1399 : i32 to index
        %parallel_loop3A_1401 = arith.constant 496 : index
        %parallel_loop3A_1402 = tpu.vector_load %arg7[%parallel_loop3A_1400, %parallel_loop3A_1401] {strides = array<i32>} : memref<32x768xf32, #tpu.memory_space<vmem>>, vector<1x16xf32>,
        %parallel_loop3A_1403 = vector.shape_cast %parallel_loop3A_1402 : vector<1x16xf32> to vector<16xf32>
        %parallel_loop3A_1404 = arith.constant 0 : i32
        %parallel_loop3A_1405 = arith.addi %mul3A_250, %parallel_loop3A_1404 : i32
        %parallel_loop3A_1406 = arith.addi %parallel_loop3A_1405, %parallel_loop3A_347 : i32
        %parallel_loop3A_1407 = arith.index_cast %parallel_loop3A_1406 : i32 to index
        %parallel_loop3A_1408 = arith.constant 448 : index
        %parallel_loop3A_1409 = tpu.vector_load %arg8[%parallel_loop3A_1407, %parallel_loop3A_1408] {strides = array<i32>} : memref<128x768xf32, #tpu.memory_space<vmem>>, vector<1x16xf32>,
        %parallel_loop3A_1410 = vector.shape_cast %parallel_loop3A_1409 : vector<1x16xf32> to vector<16xf32>
        %parallel_loop3A_1411 = vector.shape_cast %parallel_loop3A_1388 : vector<16xf32> to vector<1x16xf32>
        tpu.vector_store %arg8[%parallel_loop3A_1407, %parallel_loop3A_1408], %parallel_loop3A_1411 {add = true, strides = array<i32>} : memref<128x768xf32, #tpu.memory_space<vmem>>, vector<1x16xf32>,
        %parallel_loop3A_1412 = arith.constant 8 : i32
        %parallel_loop3A_1413 = arith.addi %mul3A_250, %parallel_loop3A_1412 : i32
        %parallel_loop3A_1414 = arith.addi %parallel_loop3A_1413, %parallel_loop3A_347 : i32
        %parallel_loop3A_1415 = arith.index_cast %parallel_loop3A_1414 : i32 to index
        %parallel_loop3A_1416 = arith.constant 448 : index
        %parallel_loop3A_1417 = tpu.vector_load %arg8[%parallel_loop3A_1415, %parallel_loop3A_1416] {strides = array<i32>} : memref<128x768xf32, #tpu.memory_space<vmem>>, vector<1x16xf32>,
        %parallel_loop3A_1418 = vector.shape_cast %parallel_loop3A_1417 : vector<1x16xf32> to vector<16xf32>
        %parallel_loop3A_1419 = vector.shape_cast %parallel_loop3A_1388 : vector<16xf32> to vector<1x16xf32>
        tpu.vector_store %arg8[%parallel_loop3A_1415, %parallel_loop3A_1416], %parallel_loop3A_1419 {add = true, strides = array<i32>} : memref<128x768xf32, #tpu.memory_space<vmem>>, vector<1x16xf32>,
        %parallel_loop3A_1420 = arith.constant 16 : i32
        %parallel_loop3A_1421 = arith.addi %mul3A_250, %parallel_loop3A_1420 : i32
        %parallel_loop3A_1422 = arith.addi %parallel_loop3A_1421, %parallel_loop3A_347 : i32
        %parallel_loop3A_1423 = arith.index_cast %parallel_loop3A_1422 : i32 to index
        %parallel_loop3A_1424 = arith.constant 448 : index
        %parallel_loop3A_1425 = tpu.vector_load %arg8[%parallel_loop3A_1423, %parallel_loop3A_1424] {strides = array<i32>} : memref<128x768xf32, #tpu.memory_space<vmem>>, vector<1x16xf32>,
        %parallel_loop3A_1426 = vector.shape_cast %parallel_loop3A_1425 : vector<1x16xf32> to vector<16xf32>
        %parallel_loop3A_1427 = vector.shape_cast %parallel_loop3A_1388 : vector<16xf32> to vector<1x16xf32>
        tpu.vector_store %arg8[%parallel_loop3A_1423, %parallel_loop3A_1424], %parallel_loop3A_1427 {add = true, strides = array<i32>} : memref<128x768xf32, #tpu.memory_space<vmem>>, vector<1x16xf32>,
        %parallel_loop3A_1428 = arith.constant 24 : i32
        %parallel_loop3A_1429 = arith.addi %mul3A_250, %parallel_loop3A_1428 : i32
        %parallel_loop3A_1430 = arith.addi %parallel_loop3A_1429, %parallel_loop3A_347 : i32
        %parallel_loop3A_1431 = arith.index_cast %parallel_loop3A_1430 : i32 to index
        %parallel_loop3A_1432 = arith.constant 448 : index
        %parallel_loop3A_1433 = tpu.vector_load %arg8[%parallel_loop3A_1431, %parallel_loop3A_1432] {strides = array<i32>} : memref<128x768xf32, #tpu.memory_space<vmem>>, vector<1x16xf32>,
        %parallel_loop3A_1434 = vector.shape_cast %parallel_loop3A_1433 : vector<1x16xf32> to vector<16xf32>
        %parallel_loop3A_1435 = vector.shape_cast %parallel_loop3A_1388 : vector<16xf32> to vector<1x16xf32>
        tpu.vector_store %arg8[%parallel_loop3A_1431, %parallel_loop3A_1432], %parallel_loop3A_1435 {add = true, strides = array<i32>} : memref<128x768xf32, #tpu.memory_space<vmem>>, vector<1x16xf32>,
        %parallel_loop3A_1436 = arith.constant 0 : i32
        %parallel_loop3A_1437 = arith.addi %mul3A_250, %parallel_loop3A_1436 : i32
        %parallel_loop3A_1438 = arith.addi %parallel_loop3A_1437, %parallel_loop3A_347 : i32
        %parallel_loop3A_1439 = arith.index_cast %parallel_loop3A_1438 : i32 to index
        %parallel_loop3A_1440 = arith.constant 464 : index
        %parallel_loop3A_1441 = tpu.vector_load %arg8[%parallel_loop3A_1439, %parallel_loop3A_1440] {strides = array<i32>} : memref<128x768xf32, #tpu.memory_space<vmem>>, vector<1x16xf32>,
        %parallel_loop3A_1442 = vector.shape_cast %parallel_loop3A_1441 : vector<1x16xf32> to vector<16xf32>
        %parallel_loop3A_1443 = vector.shape_cast %parallel_loop3A_1393 : vector<16xf32> to vector<1x16xf32>
        tpu.vector_store %arg8[%parallel_loop3A_1439, %parallel_loop3A_1440], %parallel_loop3A_1443 {add = true, strides = array<i32>} : memref<128x768xf32, #tpu.memory_space<vmem>>, vector<1x16xf32>,
        %parallel_loop3A_1444 = arith.constant 8 : i32
        %parallel_loop3A_1445 = arith.addi %mul3A_250, %parallel_loop3A_1444 : i32
        %parallel_loop3A_1446 = arith.addi %parallel_loop3A_1445, %parallel_loop3A_347 : i32
        %parallel_loop3A_1447 = arith.index_cast %parallel_loop3A_1446 : i32 to index
        %parallel_loop3A_1448 = arith.constant 464 : index
        %parallel_loop3A_1449 = tpu.vector_load %arg8[%parallel_loop3A_1447, %parallel_loop3A_1448] {strides = array<i32>} : memref<128x768xf32, #tpu.memory_space<vmem>>, vector<1x16xf32>,
        %parallel_loop3A_1450 = vector.shape_cast %parallel_loop3A_1449 : vector<1x16xf32> to vector<16xf32>
        %parallel_loop3A_1451 = vector.shape_cast %parallel_loop3A_1393 : vector<16xf32> to vector<1x16xf32>
        tpu.vector_store %arg8[%parallel_loop3A_1447, %parallel_loop3A_1448], %parallel_loop3A_1451 {add = true, strides = array<i32>} : memref<128x768xf32, #tpu.memory_space<vmem>>, vector<1x16xf32>,
        %parallel_loop3A_1452 = arith.constant 16 : i32
        %parallel_loop3A_1453 = arith.addi %mul3A_250, %parallel_loop3A_1452 : i32
        %parallel_loop3A_1454 = arith.addi %parallel_loop3A_1453, %parallel_loop3A_347 : i32
        %parallel_loop3A_1455 = arith.index_cast %parallel_loop3A_1454 : i32 to index
        %parallel_loop3A_1456 = arith.constant 464 : index
        %parallel_loop3A_1457 = tpu.vector_load %arg8[%parallel_loop3A_1455, %parallel_loop3A_1456] {strides = array<i32>} : memref<128x768xf32, #tpu.memory_space<vmem>>, vector<1x16xf32>,
        %parallel_loop3A_1458 = vector.shape_cast %parallel_loop3A_1457 : vector<1x16xf32> to vector<16xf32>
        %parallel_loop3A_1459 = vector.shape_cast %parallel_loop3A_1393 : vector<16xf32> to vector<1x16xf32>
        tpu.vector_store %arg8[%parallel_loop3A_1455, %parallel_loop3A_1456], %parallel_loop3A_1459 {add = true, strides = array<i32>} : memref<128x768xf32, #tpu.memory_space<vmem>>, vector<1x16xf32>,
        %parallel_loop3A_1460 = arith.constant 24 : i32
        %parallel_loop3A_1461 = arith.addi %mul3A_250, %parallel_loop3A_1460 : i32
        %parallel_loop3A_1462 = arith.addi %parallel_loop3A_1461, %parallel_loop3A_347 : i32
        %parallel_loop3A_1463 = arith.index_cast %parallel_loop3A_1462 : i32 to index
        %parallel_loop3A_1464 = arith.constant 464 : index
        %parallel_loop3A_1465 = tpu.vector_load %arg8[%parallel_loop3A_1463, %parallel_loop3A_1464] {strides = array<i32>} : memref<128x768xf32, #tpu.memory_space<vmem>>, vector<1x16xf32>,
        %parallel_loop3A_1466 = vector.shape_cast %parallel_loop3A_1465 : vector<1x16xf32> to vector<16xf32>
        %parallel_loop3A_1467 = vector.shape_cast %parallel_loop3A_1393 : vector<16xf32> to vector<1x16xf32>
        tpu.vector_store %arg8[%parallel_loop3A_1463, %parallel_loop3A_1464], %parallel_loop3A_1467 {add = true, strides = array<i32>} : memref<128x768xf32, #tpu.memory_space<vmem>>, vector<1x16xf32>,
        %parallel_loop3A_1468 = arith.constant 0 : i32
        %parallel_loop3A_1469 = arith.addi %mul3A_250, %parallel_loop3A_1468 : i32
        %parallel_loop3A_1470 = arith.addi %parallel_loop3A_1469, %parallel_loop3A_347 : i32
        %parallel_loop3A_1471 = arith.index_cast %parallel_loop3A_1470 : i32 to index
        %parallel_loop3A_1472 = arith.constant 480 : index
        %parallel_loop3A_1473 = tpu.vector_load %arg8[%parallel_loop3A_1471, %parallel_loop3A_1472] {strides = array<i32>} : memref<128x768xf32, #tpu.memory_space<vmem>>, vector<1x16xf32>,
        %parallel_loop3A_1474 = vector.shape_cast %parallel_loop3A_1473 : vector<1x16xf32> to vector<16xf32>
        %parallel_loop3A_1475 = vector.shape_cast %parallel_loop3A_1398 : vector<16xf32> to vector<1x16xf32>
        tpu.vector_store %arg8[%parallel_loop3A_1471, %parallel_loop3A_1472], %parallel_loop3A_1475 {add = true, strides = array<i32>} : memref<128x768xf32, #tpu.memory_space<vmem>>, vector<1x16xf32>,
        %parallel_loop3A_1476 = arith.constant 8 : i32
        %parallel_loop3A_1477 = arith.addi %mul3A_250, %parallel_loop3A_1476 : i32
        %parallel_loop3A_1478 = arith.addi %parallel_loop3A_1477, %parallel_loop3A_347 : i32
        %parallel_loop3A_1479 = arith.index_cast %parallel_loop3A_1478 : i32 to index
        %parallel_loop3A_1480 = arith.constant 480 : index
        %parallel_loop3A_1481 = tpu.vector_load %arg8[%parallel_loop3A_1479, %parallel_loop3A_1480] {strides = array<i32>} : memref<128x768xf32, #tpu.memory_space<vmem>>, vector<1x16xf32>,
        %parallel_loop3A_1482 = vector.shape_cast %parallel_loop3A_1481 : vector<1x16xf32> to vector<16xf32>
        %parallel_loop3A_1483 = vector.shape_cast %parallel_loop3A_1398 : vector<16xf32> to vector<1x16xf32>
        tpu.vector_store %arg8[%parallel_loop3A_1479, %parallel_loop3A_1480], %parallel_loop3A_1483 {add = true, strides = array<i32>} : memref<128x768xf32, #tpu.memory_space<vmem>>, vector<1x16xf32>,
        %parallel_loop3A_1484 = arith.constant 16 : i32
        %parallel_loop3A_1485 = arith.addi %mul3A_250, %parallel_loop3A_1484 : i32
        %parallel_loop3A_1486 = arith.addi %parallel_loop3A_1485, %parallel_loop3A_347 : i32
        %parallel_loop3A_1487 = arith.index_cast %parallel_loop3A_1486 : i32 to index
        %parallel_loop3A_1488 = arith.constant 480 : index
        %parallel_loop3A_1489 = tpu.vector_load %arg8[%parallel_loop3A_1487, %parallel_loop3A_1488] {strides = array<i32>} : memref<128x768xf32, #tpu.memory_space<vmem>>, vector<1x16xf32>,
        %parallel_loop3A_1490 = vector.shape_cast %parallel_loop3A_1489 : vector<1x16xf32> to vector<16xf32>
        %parallel_loop3A_1491 = vector.shape_cast %parallel_loop3A_1398 : vector<16xf32> to vector<1x16xf32>
        tpu.vector_store %arg8[%parallel_loop3A_1487, %parallel_loop3A_1488], %parallel_loop3A_1491 {add = true, strides = array<i32>} : memref<128x768xf32, #tpu.memory_space<vmem>>, vector<1x16xf32>,
        %parallel_loop3A_1492 = arith.constant 24 : i32
        %parallel_loop3A_1493 = arith.addi %mul3A_250, %parallel_loop3A_1492 : i32
        %parallel_loop3A_1494 = arith.addi %parallel_loop3A_1493, %parallel_loop3A_347 : i32
        %parallel_loop3A_1495 = arith.index_cast %parallel_loop3A_1494 : i32 to index
        %parallel_loop3A_1496 = arith.constant 480 : index
        %parallel_loop3A_1497 = tpu.vector_load %arg8[%parallel_loop3A_1495, %parallel_loop3A_1496] {strides = array<i32>} : memref<128x768xf32, #tpu.memory_space<vmem>>, vector<1x16xf32>,
        %parallel_loop3A_1498 = vector.shape_cast %parallel_loop3A_1497 : vector<1x16xf32> to vector<16xf32>
        %parallel_loop3A_1499 = vector.shape_cast %parallel_loop3A_1398 : vector<16xf32> to vector<1x16xf32>
        tpu.vector_store %arg8[%parallel_loop3A_1495, %parallel_loop3A_1496], %parallel_loop3A_1499 {add = true, strides = array<i32>} : memref<128x768xf32, #tpu.memory_space<vmem>>, vector<1x16xf32>,
        %parallel_loop3A_1500 = arith.constant 0 : i32
        %parallel_loop3A_1501 = arith.addi %mul3A_250, %parallel_loop3A_1500 : i32
        %parallel_loop3A_1502 = arith.addi %parallel_loop3A_1501, %parallel_loop3A_347 : i32
        %parallel_loop3A_1503 = arith.index_cast %parallel_loop3A_1502 : i32 to index
        %parallel_loop3A_1504 = arith.constant 496 : index
        %parallel_loop3A_1505 = tpu.vector_load %arg8[%parallel_loop3A_1503, %parallel_loop3A_1504] {strides = array<i32>} : memref<128x768xf32, #tpu.memory_space<vmem>>, vector<1x16xf32>,
        %parallel_loop3A_1506 = vector.shape_cast %parallel_loop3A_1505 : vector<1x16xf32> to vector<16xf32>
        %parallel_loop3A_1507 = vector.shape_cast %parallel_loop3A_1403 : vector<16xf32> to vector<1x16xf32>
        tpu.vector_store %arg8[%parallel_loop3A_1503, %parallel_loop3A_1504], %parallel_loop3A_1507 {add = true, strides = array<i32>} : memref<128x768xf32, #tpu.memory_space<vmem>>, vector<1x16xf32>,
        %parallel_loop3A_1508 = arith.constant 8 : i32
        %parallel_loop3A_1509 = arith.addi %mul3A_250, %parallel_loop3A_1508 : i32
        %parallel_loop3A_1510 = arith.addi %parallel_loop3A_1509, %parallel_loop3A_347 : i32
        %parallel_loop3A_1511 = arith.index_cast %parallel_loop3A_1510 : i32 to index
        %parallel_loop3A_1512 = arith.constant 496 : index
        %parallel_loop3A_1513 = tpu.vector_load %arg8[%parallel_loop3A_1511, %parallel_loop3A_1512] {strides = array<i32>} : memref<128x768xf32, #tpu.memory_space<vmem>>, vector<1x16xf32>,
        %parallel_loop3A_1514 = vector.shape_cast %parallel_loop3A_1513 : vector<1x16xf32> to vector<16xf32>
        %parallel_loop3A_1515 = vector.shape_cast %parallel_loop3A_1403 : vector<16xf32> to vector<1x16xf32>
        tpu.vector_store %arg8[%parallel_loop3A_1511, %parallel_loop3A_1512], %parallel_loop3A_1515 {add = true, strides = array<i32>} : memref<128x768xf32, #tpu.memory_space<vmem>>, vector<1x16xf32>,
        %parallel_loop3A_1516 = arith.constant 16 : i32
        %parallel_loop3A_1517 = arith.addi %mul3A_250, %parallel_loop3A_1516 : i32
        %parallel_loop3A_1518 = arith.addi %parallel_loop3A_1517, %parallel_loop3A_347 : i32
        %parallel_loop3A_1519 = arith.index_cast %parallel_loop3A_1518 : i32 to index
        %parallel_loop3A_1520 = arith.constant 496 : index
        %parallel_loop3A_1521 = tpu.vector_load %arg8[%parallel_loop3A_1519, %parallel_loop3A_1520] {strides = array<i32>} : memref<128x768xf32, #tpu.memory_space<vmem>>, vector<1x16xf32>,
        %parallel_loop3A_1522 = vector.shape_cast %parallel_loop3A_1521 : vector<1x16xf32> to vector<16xf32>
        %parallel_loop3A_1523 = vector.shape_cast %parallel_loop3A_1403 : vector<16xf32> to vector<1x16xf32>
        tpu.vector_store %arg8[%parallel_loop3A_1519, %parallel_loop3A_1520], %parallel_loop3A_1523 {add = true, strides = array<i32>} : memref<128x768xf32, #tpu.memory_space<vmem>>, vector<1x16xf32>,
        %parallel_loop3A_1524 = arith.constant 24 : i32
        %parallel_loop3A_1525 = arith.addi %mul3A_250, %parallel_loop3A_1524 : i32
        %parallel_loop3A_1526 = arith.addi %parallel_loop3A_1525, %parallel_loop3A_347 : i32
        %parallel_loop3A_1527 = arith.index_cast %parallel_loop3A_1526 : i32 to index
        %parallel_loop3A_1528 = arith.constant 496 : index
        %parallel_loop3A_1529 = tpu.vector_load %arg8[%parallel_loop3A_1527, %parallel_loop3A_1528] {strides = array<i32>} : memref<128x768xf32, #tpu.memory_space<vmem>>, vector<1x16xf32>,
        %parallel_loop3A_1530 = vector.shape_cast %parallel_loop3A_1529 : vector<1x16xf32> to vector<16xf32>
        %parallel_loop3A_1531 = vector.shape_cast %parallel_loop3A_1403 : vector<16xf32> to vector<1x16xf32>
        tpu.vector_store %arg8[%parallel_loop3A_1527, %parallel_loop3A_1528], %parallel_loop3A_1531 {add = true, strides = array<i32>} : memref<128x768xf32, #tpu.memory_space<vmem>>, vector<1x16xf32>,
        %parallel_loop3A_1532 = arith.addi %mul3A_252, %parallel_loop3A_347 : i32
        %parallel_loop3A_1533 = arith.index_cast %parallel_loop3A_1532 : i32 to index
        %parallel_loop3A_1534 = arith.constant 512 : index
        %parallel_loop3A_1535 = tpu.vector_load %arg7[%parallel_loop3A_1533, %parallel_loop3A_1534] {strides = array<i32>} : memref<32x768xf32, #tpu.memory_space<vmem>>, vector<1x16xf32>,
        %parallel_loop3A_1536 = vector.shape_cast %parallel_loop3A_1535 : vector<1x16xf32> to vector<16xf32>
        %parallel_loop3A_1537 = arith.addi %mul3A_252, %parallel_loop3A_347 : i32
        %parallel_loop3A_1538 = arith.index_cast %parallel_loop3A_1537 : i32 to index
        %parallel_loop3A_1539 = arith.constant 528 : index
        %parallel_loop3A_1540 = tpu.vector_load %arg7[%parallel_loop3A_1538, %parallel_loop3A_1539] {strides = array<i32>} : memref<32x768xf32, #tpu.memory_space<vmem>>, vector<1x16xf32>,
        %parallel_loop3A_1541 = vector.shape_cast %parallel_loop3A_1540 : vector<1x16xf32> to vector<16xf32>
        %parallel_loop3A_1542 = arith.addi %mul3A_252, %parallel_loop3A_347 : i32
        %parallel_loop3A_1543 = arith.index_cast %parallel_loop3A_1542 : i32 to index
        %parallel_loop3A_1544 = arith.constant 544 : index
        %parallel_loop3A_1545 = tpu.vector_load %arg7[%parallel_loop3A_1543, %parallel_loop3A_1544] {strides = array<i32>} : memref<32x768xf32, #tpu.memory_space<vmem>>, vector<1x16xf32>,
        %parallel_loop3A_1546 = vector.shape_cast %parallel_loop3A_1545 : vector<1x16xf32> to vector<16xf32>
        %parallel_loop3A_1547 = arith.addi %mul3A_252, %parallel_loop3A_347 : i32
        %parallel_loop3A_1548 = arith.index_cast %parallel_loop3A_1547 : i32 to index
        %parallel_loop3A_1549 = arith.constant 560 : index
        %parallel_loop3A_1550 = tpu.vector_load %arg7[%parallel_loop3A_1548, %parallel_loop3A_1549] {strides = array<i32>} : memref<32x768xf32, #tpu.memory_space<vmem>>, vector<1x16xf32>,
        %parallel_loop3A_1551 = vector.shape_cast %parallel_loop3A_1550 : vector<1x16xf32> to vector<16xf32>
        %parallel_loop3A_1552 = arith.constant 0 : i32
        %parallel_loop3A_1553 = arith.addi %mul3A_250, %parallel_loop3A_1552 : i32
        %parallel_loop3A_1554 = arith.addi %parallel_loop3A_1553, %parallel_loop3A_347 : i32
        %parallel_loop3A_1555 = arith.index_cast %parallel_loop3A_1554 : i32 to index
        %parallel_loop3A_1556 = arith.constant 512 : index
        %parallel_loop3A_1557 = tpu.vector_load %arg8[%parallel_loop3A_1555, %parallel_loop3A_1556] {strides = array<i32>} : memref<128x768xf32, #tpu.memory_space<vmem>>, vector<1x16xf32>,
        %parallel_loop3A_1558 = vector.shape_cast %parallel_loop3A_1557 : vector<1x16xf32> to vector<16xf32>
        %parallel_loop3A_1559 = vector.shape_cast %parallel_loop3A_1536 : vector<16xf32> to vector<1x16xf32>
        tpu.vector_store %arg8[%parallel_loop3A_1555, %parallel_loop3A_1556], %parallel_loop3A_1559 {add = true, strides = array<i32>} : memref<128x768xf32, #tpu.memory_space<vmem>>, vector<1x16xf32>,
        %parallel_loop3A_1560 = arith.constant 8 : i32
        %parallel_loop3A_1561 = arith.addi %mul3A_250, %parallel_loop3A_1560 : i32
        %parallel_loop3A_1562 = arith.addi %parallel_loop3A_1561, %parallel_loop3A_347 : i32
        %parallel_loop3A_1563 = arith.index_cast %parallel_loop3A_1562 : i32 to index
        %parallel_loop3A_1564 = arith.constant 512 : index
        %parallel_loop3A_1565 = tpu.vector_load %arg8[%parallel_loop3A_1563, %parallel_loop3A_1564] {strides = array<i32>} : memref<128x768xf32, #tpu.memory_space<vmem>>, vector<1x16xf32>,
        %parallel_loop3A_1566 = vector.shape_cast %parallel_loop3A_1565 : vector<1x16xf32> to vector<16xf32>
        %parallel_loop3A_1567 = vector.shape_cast %parallel_loop3A_1536 : vector<16xf32> to vector<1x16xf32>
        tpu.vector_store %arg8[%parallel_loop3A_1563, %parallel_loop3A_1564], %parallel_loop3A_1567 {add = true, strides = array<i32>} : memref<128x768xf32, #tpu.memory_space<vmem>>, vector<1x16xf32>,
        %parallel_loop3A_1568 = arith.constant 16 : i32
        %parallel_loop3A_1569 = arith.addi %mul3A_250, %parallel_loop3A_1568 : i32
        %parallel_loop3A_1570 = arith.addi %parallel_loop3A_1569, %parallel_loop3A_347 : i32
        %parallel_loop3A_1571 = arith.index_cast %parallel_loop3A_1570 : i32 to index
        %parallel_loop3A_1572 = arith.constant 512 : index
        %parallel_loop3A_1573 = tpu.vector_load %arg8[%parallel_loop3A_1571, %parallel_loop3A_1572] {strides = array<i32>} : memref<128x768xf32, #tpu.memory_space<vmem>>, vector<1x16xf32>,
        %parallel_loop3A_1574 = vector.shape_cast %parallel_loop3A_1573 : vector<1x16xf32> to vector<16xf32>
        %parallel_loop3A_1575 = vector.shape_cast %parallel_loop3A_1536 : vector<16xf32> to vector<1x16xf32>
        tpu.vector_store %arg8[%parallel_loop3A_1571, %parallel_loop3A_1572], %parallel_loop3A_1575 {add = true, strides = array<i32>} : memref<128x768xf32, #tpu.memory_space<vmem>>, vector<1x16xf32>,
        %parallel_loop3A_1576 = arith.constant 24 : i32
        %parallel_loop3A_1577 = arith.addi %mul3A_250, %parallel_loop3A_1576 : i32
        %parallel_loop3A_1578 = arith.addi %parallel_loop3A_1577, %parallel_loop3A_347 : i32
        %parallel_loop3A_1579 = arith.index_cast %parallel_loop3A_1578 : i32 to index
        %parallel_loop3A_1580 = arith.constant 512 : index
        %parallel_loop3A_1581 = tpu.vector_load %arg8[%parallel_loop3A_1579, %parallel_loop3A_1580] {strides = array<i32>} : memref<128x768xf32, #tpu.memory_space<vmem>>, vector<1x16xf32>,
        %parallel_loop3A_1582 = vector.shape_cast %parallel_loop3A_1581 : vector<1x16xf32> to vector<16xf32>
        %parallel_loop3A_1583 = vector.shape_cast %parallel_loop3A_1536 : vector<16xf32> to vector<1x16xf32>
        tpu.vector_store %arg8[%parallel_loop3A_1579, %parallel_loop3A_1580], %parallel_loop3A_1583 {add = true, strides = array<i32>} : memref<128x768xf32, #tpu.memory_space<vmem>>, vector<1x16xf32>,
        %parallel_loop3A_1584 = arith.constant 0 : i32
        %parallel_loop3A_1585 = arith.addi %mul3A_250, %parallel_loop3A_1584 : i32
        %parallel_loop3A_1586 = arith.addi %parallel_loop3A_1585, %parallel_loop3A_347 : i32
        %parallel_loop3A_1587 = arith.index_cast %parallel_loop3A_1586 : i32 to index
        %parallel_loop3A_1588 = arith.constant 528 : index
        %parallel_loop3A_1589 = tpu.vector_load %arg8[%parallel_loop3A_1587, %parallel_loop3A_1588] {strides = array<i32>} : memref<128x768xf32, #tpu.memory_space<vmem>>, vector<1x16xf32>,
        %parallel_loop3A_1590 = vector.shape_cast %parallel_loop3A_1589 : vector<1x16xf32> to vector<16xf32>
        %parallel_loop3A_1591 = vector.shape_cast %parallel_loop3A_1541 : vector<16xf32> to vector<1x16xf32>
        tpu.vector_store %arg8[%parallel_loop3A_1587, %parallel_loop3A_1588], %parallel_loop3A_1591 {add = true, strides = array<i32>} : memref<128x768xf32, #tpu.memory_space<vmem>>, vector<1x16xf32>,
        %parallel_loop3A_1592 = arith.constant 8 : i32
        %parallel_loop3A_1593 = arith.addi %mul3A_250, %parallel_loop3A_1592 : i32
        %parallel_loop3A_1594 = arith.addi %parallel_loop3A_1593, %parallel_loop3A_347 : i32
        %parallel_loop3A_1595 = arith.index_cast %parallel_loop3A_1594 : i32 to index
        %parallel_loop3A_1596 = arith.constant 528 : index
        %parallel_loop3A_1597 = tpu.vector_load %arg8[%parallel_loop3A_1595, %parallel_loop3A_1596] {strides = array<i32>} : memref<128x768xf32, #tpu.memory_space<vmem>>, vector<1x16xf32>,
        %parallel_loop3A_1598 = vector.shape_cast %parallel_loop3A_1597 : vector<1x16xf32> to vector<16xf32>
        %parallel_loop3A_1599 = vector.shape_cast %parallel_loop3A_1541 : vector<16xf32> to vector<1x16xf32>
        tpu.vector_store %arg8[%parallel_loop3A_1595, %parallel_loop3A_1596], %parallel_loop3A_1599 {add = true, strides = array<i32>} : memref<128x768xf32, #tpu.memory_space<vmem>>, vector<1x16xf32>,
        %parallel_loop3A_1600 = arith.constant 16 : i32
        %parallel_loop3A_1601 = arith.addi %mul3A_250, %parallel_loop3A_1600 : i32
        %parallel_loop3A_1602 = arith.addi %parallel_loop3A_1601, %parallel_loop3A_347 : i32
        %parallel_loop3A_1603 = arith.index_cast %parallel_loop3A_1602 : i32 to index
        %parallel_loop3A_1604 = arith.constant 528 : index
        %parallel_loop3A_1605 = tpu.vector_load %arg8[%parallel_loop3A_1603, %parallel_loop3A_1604] {strides = array<i32>} : memref<128x768xf32, #tpu.memory_space<vmem>>, vector<1x16xf32>,
        %parallel_loop3A_1606 = vector.shape_cast %parallel_loop3A_1605 : vector<1x16xf32> to vector<16xf32>
        %parallel_loop3A_1607 = vector.shape_cast %parallel_loop3A_1541 : vector<16xf32> to vector<1x16xf32>
        tpu.vector_store %arg8[%parallel_loop3A_1603, %parallel_loop3A_1604], %parallel_loop3A_1607 {add = true, strides = array<i32>} : memref<128x768xf32, #tpu.memory_space<vmem>>, vector<1x16xf32>,
        %parallel_loop3A_1608 = arith.constant 24 : i32
        %parallel_loop3A_1609 = arith.addi %mul3A_250, %parallel_loop3A_1608 : i32
        %parallel_loop3A_1610 = arith.addi %parallel_loop3A_1609, %parallel_loop3A_347 : i32
        %parallel_loop3A_1611 = arith.index_cast %parallel_loop3A_1610 : i32 to index
        %parallel_loop3A_1612 = arith.constant 528 : index
        %parallel_loop3A_1613 = tpu.vector_load %arg8[%parallel_loop3A_1611, %parallel_loop3A_1612] {strides = array<i32>} : memref<128x768xf32, #tpu.memory_space<vmem>>, vector<1x16xf32>,
        %parallel_loop3A_1614 = vector.shape_cast %parallel_loop3A_1613 : vector<1x16xf32> to vector<16xf32>
        %parallel_loop3A_1615 = vector.shape_cast %parallel_loop3A_1541 : vector<16xf32> to vector<1x16xf32>
        tpu.vector_store %arg8[%parallel_loop3A_1611, %parallel_loop3A_1612], %parallel_loop3A_1615 {add = true, strides = array<i32>} : memref<128x768xf32, #tpu.memory_space<vmem>>, vector<1x16xf32>,
        %parallel_loop3A_1616 = arith.constant 0 : i32
        %parallel_loop3A_1617 = arith.addi %mul3A_250, %parallel_loop3A_1616 : i32
        %parallel_loop3A_1618 = arith.addi %parallel_loop3A_1617, %parallel_loop3A_347 : i32
        %parallel_loop3A_1619 = arith.index_cast %parallel_loop3A_1618 : i32 to index
        %parallel_loop3A_1620 = arith.constant 544 : index
        %parallel_loop3A_1621 = tpu.vector_load %arg8[%parallel_loop3A_1619, %parallel_loop3A_1620] {strides = array<i32>} : memref<128x768xf32, #tpu.memory_space<vmem>>, vector<1x16xf32>,
        %parallel_loop3A_1622 = vector.shape_cast %parallel_loop3A_1621 : vector<1x16xf32> to vector<16xf32>
        %parallel_loop3A_1623 = vector.shape_cast %parallel_loop3A_1546 : vector<16xf32> to vector<1x16xf32>
        tpu.vector_store %arg8[%parallel_loop3A_1619, %parallel_loop3A_1620], %parallel_loop3A_1623 {add = true, strides = array<i32>} : memref<128x768xf32, #tpu.memory_space<vmem>>, vector<1x16xf32>,
        %parallel_loop3A_1624 = arith.constant 8 : i32
        %parallel_loop3A_1625 = arith.addi %mul3A_250, %parallel_loop3A_1624 : i32
        %parallel_loop3A_1626 = arith.addi %parallel_loop3A_1625, %parallel_loop3A_347 : i32
        %parallel_loop3A_1627 = arith.index_cast %parallel_loop3A_1626 : i32 to index
        %parallel_loop3A_1628 = arith.constant 544 : index
        %parallel_loop3A_1629 = tpu.vector_load %arg8[%parallel_loop3A_1627, %parallel_loop3A_1628] {strides = array<i32>} : memref<128x768xf32, #tpu.memory_space<vmem>>, vector<1x16xf32>,
        %parallel_loop3A_1630 = vector.shape_cast %parallel_loop3A_1629 : vector<1x16xf32> to vector<16xf32>
        %parallel_loop3A_1631 = vector.shape_cast %parallel_loop3A_1546 : vector<16xf32> to vector<1x16xf32>
        tpu.vector_store %arg8[%parallel_loop3A_1627, %parallel_loop3A_1628], %parallel_loop3A_1631 {add = true, strides = array<i32>} : memref<128x768xf32, #tpu.memory_space<vmem>>, vector<1x16xf32>,
        %parallel_loop3A_1632 = arith.constant 16 : i32
        %parallel_loop3A_1633 = arith.addi %mul3A_250, %parallel_loop3A_1632 : i32
        %parallel_loop3A_1634 = arith.addi %parallel_loop3A_1633, %parallel_loop3A_347 : i32
        %parallel_loop3A_1635 = arith.index_cast %parallel_loop3A_1634 : i32 to index
        %parallel_loop3A_1636 = arith.constant 544 : index
        %parallel_loop3A_1637 = tpu.vector_load %arg8[%parallel_loop3A_1635, %parallel_loop3A_1636] {strides = array<i32>} : memref<128x768xf32, #tpu.memory_space<vmem>>, vector<1x16xf32>,
        %parallel_loop3A_1638 = vector.shape_cast %parallel_loop3A_1637 : vector<1x16xf32> to vector<16xf32>
        %parallel_loop3A_1639 = vector.shape_cast %parallel_loop3A_1546 : vector<16xf32> to vector<1x16xf32>
        tpu.vector_store %arg8[%parallel_loop3A_1635, %parallel_loop3A_1636], %parallel_loop3A_1639 {add = true, strides = array<i32>} : memref<128x768xf32, #tpu.memory_space<vmem>>, vector<1x16xf32>,
        %parallel_loop3A_1640 = arith.constant 24 : i32
        %parallel_loop3A_1641 = arith.addi %mul3A_250, %parallel_loop3A_1640 : i32
        %parallel_loop3A_1642 = arith.addi %parallel_loop3A_1641, %parallel_loop3A_347 : i32
        %parallel_loop3A_1643 = arith.index_cast %parallel_loop3A_1642 : i32 to index
        %parallel_loop3A_1644 = arith.constant 544 : index
        %parallel_loop3A_1645 = tpu.vector_load %arg8[%parallel_loop3A_1643, %parallel_loop3A_1644] {strides = array<i32>} : memref<128x768xf32, #tpu.memory_space<vmem>>, vector<1x16xf32>,
        %parallel_loop3A_1646 = vector.shape_cast %parallel_loop3A_1645 : vector<1x16xf32> to vector<16xf32>
        %parallel_loop3A_1647 = vector.shape_cast %parallel_loop3A_1546 : vector<16xf32> to vector<1x16xf32>
        tpu.vector_store %arg8[%parallel_loop3A_1643, %parallel_loop3A_1644], %parallel_loop3A_1647 {add = true, strides = array<i32>} : memref<128x768xf32, #tpu.memory_space<vmem>>, vector<1x16xf32>,
        %parallel_loop3A_1648 = arith.constant 0 : i32
        %parallel_loop3A_1649 = arith.addi %mul3A_250, %parallel_loop3A_1648 : i32
        %parallel_loop3A_1650 = arith.addi %parallel_loop3A_1649, %parallel_loop3A_347 : i32
        %parallel_loop3A_1651 = arith.index_cast %parallel_loop3A_1650 : i32 to index
        %parallel_loop3A_1652 = arith.constant 560 : index
        %parallel_loop3A_1653 = tpu.vector_load %arg8[%parallel_loop3A_1651, %parallel_loop3A_1652] {strides = array<i32>} : memref<128x768xf32, #tpu.memory_space<vmem>>, vector<1x16xf32>,
        %parallel_loop3A_1654 = vector.shape_cast %parallel_loop3A_1653 : vector<1x16xf32> to vector<16xf32>
        %parallel_loop3A_1655 = vector.shape_cast %parallel_loop3A_1551 : vector<16xf32> to vector<1x16xf32>
        tpu.vector_store %arg8[%parallel_loop3A_1651, %parallel_loop3A_1652], %parallel_loop3A_1655 {add = true, strides = array<i32>} : memref<128x768xf32, #tpu.memory_space<vmem>>, vector<1x16xf32>,
        %parallel_loop3A_1656 = arith.constant 8 : i32
        %parallel_loop3A_1657 = arith.addi %mul3A_250, %parallel_loop3A_1656 : i32
        %parallel_loop3A_1658 = arith.addi %parallel_loop3A_1657, %parallel_loop3A_347 : i32
        %parallel_loop3A_1659 = arith.index_cast %parallel_loop3A_1658 : i32 to index
        %parallel_loop3A_1660 = arith.constant 560 : index
        %parallel_loop3A_1661 = tpu.vector_load %arg8[%parallel_loop3A_1659, %parallel_loop3A_1660] {strides = array<i32>} : memref<128x768xf32, #tpu.memory_space<vmem>>, vector<1x16xf32>,
        %parallel_loop3A_1662 = vector.shape_cast %parallel_loop3A_1661 : vector<1x16xf32> to vector<16xf32>
        %parallel_loop3A_1663 = vector.shape_cast %parallel_loop3A_1551 : vector<16xf32> to vector<1x16xf32>
        tpu.vector_store %arg8[%parallel_loop3A_1659, %parallel_loop3A_1660], %parallel_loop3A_1663 {add = true, strides = array<i32>} : memref<128x768xf32, #tpu.memory_space<vmem>>, vector<1x16xf32>,
        %parallel_loop3A_1664 = arith.constant 16 : i32
        %parallel_loop3A_1665 = arith.addi %mul3A_250, %parallel_loop3A_1664 : i32
        %parallel_loop3A_1666 = arith.addi %parallel_loop3A_1665, %parallel_loop3A_347 : i32
        %parallel_loop3A_1667 = arith.index_cast %parallel_loop3A_1666 : i32 to index
        %parallel_loop3A_1668 = arith.constant 560 : index
        %parallel_loop3A_1669 = tpu.vector_load %arg8[%parallel_loop3A_1667, %parallel_loop3A_1668] {strides = array<i32>} : memref<128x768xf32, #tpu.memory_space<vmem>>, vector<1x16xf32>,
        %parallel_loop3A_1670 = vector.shape_cast %parallel_loop3A_1669 : vector<1x16xf32> to vector<16xf32>
        %parallel_loop3A_1671 = vector.shape_cast %parallel_loop3A_1551 : vector<16xf32> to vector<1x16xf32>
        tpu.vector_store %arg8[%parallel_loop3A_1667, %parallel_loop3A_1668], %parallel_loop3A_1671 {add = true, strides = array<i32>} : memref<128x768xf32, #tpu.memory_space<vmem>>, vector<1x16xf32>,
        %parallel_loop3A_1672 = arith.constant 24 : i32
        %parallel_loop3A_1673 = arith.addi %mul3A_250, %parallel_loop3A_1672 : i32
        %parallel_loop3A_1674 = arith.addi %parallel_loop3A_1673, %parallel_loop3A_347 : i32
        %parallel_loop3A_1675 = arith.index_cast %parallel_loop3A_1674 : i32 to index
        %parallel_loop3A_1676 = arith.constant 560 : index
        %parallel_loop3A_1677 = tpu.vector_load %arg8[%parallel_loop3A_1675, %parallel_loop3A_1676] {strides = array<i32>} : memref<128x768xf32, #tpu.memory_space<vmem>>, vector<1x16xf32>,
        %parallel_loop3A_1678 = vector.shape_cast %parallel_loop3A_1677 : vector<1x16xf32> to vector<16xf32>
        %parallel_loop3A_1679 = vector.shape_cast %parallel_loop3A_1551 : vector<16xf32> to vector<1x16xf32>
        tpu.vector_store %arg8[%parallel_loop3A_1675, %parallel_loop3A_1676], %parallel_loop3A_1679 {add = true, strides = array<i32>} : memref<128x768xf32, #tpu.memory_space<vmem>>, vector<1x16xf32>,
        %parallel_loop3A_1680 = arith.addi %mul3A_252, %parallel_loop3A_347 : i32
        %parallel_loop3A_1681 = arith.index_cast %parallel_loop3A_1680 : i32 to index
        %parallel_loop3A_1682 = arith.constant 576 : index
        %parallel_loop3A_1683 = tpu.vector_load %arg7[%parallel_loop3A_1681, %parallel_loop3A_1682] {strides = array<i32>} : memref<32x768xf32, #tpu.memory_space<vmem>>, vector<1x16xf32>,
        %parallel_loop3A_1684 = vector.shape_cast %parallel_loop3A_1683 : vector<1x16xf32> to vector<16xf32>
        %parallel_loop3A_1685 = arith.addi %mul3A_252, %parallel_loop3A_347 : i32
        %parallel_loop3A_1686 = arith.index_cast %parallel_loop3A_1685 : i32 to index
        %parallel_loop3A_1687 = arith.constant 592 : index
        %parallel_loop3A_1688 = tpu.vector_load %arg7[%parallel_loop3A_1686, %parallel_loop3A_1687] {strides = array<i32>} : memref<32x768xf32, #tpu.memory_space<vmem>>, vector<1x16xf32>,
        %parallel_loop3A_1689 = vector.shape_cast %parallel_loop3A_1688 : vector<1x16xf32> to vector<16xf32>
        %parallel_loop3A_1690 = arith.addi %mul3A_252, %parallel_loop3A_347 : i32
        %parallel_loop3A_1691 = arith.index_cast %parallel_loop3A_1690 : i32 to index
        %parallel_loop3A_1692 = arith.constant 608 : index
        %parallel_loop3A_1693 = tpu.vector_load %arg7[%parallel_loop3A_1691, %parallel_loop3A_1692] {strides = array<i32>} : memref<32x768xf32, #tpu.memory_space<vmem>>, vector<1x16xf32>,
        %parallel_loop3A_1694 = vector.shape_cast %parallel_loop3A_1693 : vector<1x16xf32> to vector<16xf32>
        %parallel_loop3A_1695 = arith.addi %mul3A_252, %parallel_loop3A_347 : i32
        %parallel_loop3A_1696 = arith.index_cast %parallel_loop3A_1695 : i32 to index
        %parallel_loop3A_1697 = arith.constant 624 : index
        %parallel_loop3A_1698 = tpu.vector_load %arg7[%parallel_loop3A_1696, %parallel_loop3A_1697] {strides = array<i32>} : memref<32x768xf32, #tpu.memory_space<vmem>>, vector<1x16xf32>,
        %parallel_loop3A_1699 = vector.shape_cast %parallel_loop3A_1698 : vector<1x16xf32> to vector<16xf32>
        %parallel_loop3A_1700 = arith.constant 0 : i32
        %parallel_loop3A_1701 = arith.addi %mul3A_250, %parallel_loop3A_1700 : i32
        %parallel_loop3A_1702 = arith.addi %parallel_loop3A_1701, %parallel_loop3A_347 : i32
        %parallel_loop3A_1703 = arith.index_cast %parallel_loop3A_1702 : i32 to index
        %parallel_loop3A_1704 = arith.constant 576 : index
        %parallel_loop3A_1705 = tpu.vector_load %arg8[%parallel_loop3A_1703, %parallel_loop3A_1704] {strides = array<i32>} : memref<128x768xf32, #tpu.memory_space<vmem>>, vector<1x16xf32>,
        %parallel_loop3A_1706 = vector.shape_cast %parallel_loop3A_1705 : vector<1x16xf32> to vector<16xf32>
        %parallel_loop3A_1707 = vector.shape_cast %parallel_loop3A_1684 : vector<16xf32> to vector<1x16xf32>
        tpu.vector_store %arg8[%parallel_loop3A_1703, %parallel_loop3A_1704], %parallel_loop3A_1707 {add = true, strides = array<i32>} : memref<128x768xf32, #tpu.memory_space<vmem>>, vector<1x16xf32>,
        %parallel_loop3A_1708 = arith.constant 8 : i32
        %parallel_loop3A_1709 = arith.addi %mul3A_250, %parallel_loop3A_1708 : i32
        %parallel_loop3A_1710 = arith.addi %parallel_loop3A_1709, %parallel_loop3A_347 : i32
        %parallel_loop3A_1711 = arith.index_cast %parallel_loop3A_1710 : i32 to index
        %parallel_loop3A_1712 = arith.constant 576 : index
        %parallel_loop3A_1713 = tpu.vector_load %arg8[%parallel_loop3A_1711, %parallel_loop3A_1712] {strides = array<i32>} : memref<128x768xf32, #tpu.memory_space<vmem>>, vector<1x16xf32>,
        %parallel_loop3A_1714 = vector.shape_cast %parallel_loop3A_1713 : vector<1x16xf32> to vector<16xf32>
        %parallel_loop3A_1715 = vector.shape_cast %parallel_loop3A_1684 : vector<16xf32> to vector<1x16xf32>
        tpu.vector_store %arg8[%parallel_loop3A_1711, %parallel_loop3A_1712], %parallel_loop3A_1715 {add = true, strides = array<i32>} : memref<128x768xf32, #tpu.memory_space<vmem>>, vector<1x16xf32>,
        %parallel_loop3A_1716 = arith.constant 16 : i32
        %parallel_loop3A_1717 = arith.addi %mul3A_250, %parallel_loop3A_1716 : i32
        %parallel_loop3A_1718 = arith.addi %parallel_loop3A_1717, %parallel_loop3A_347 : i32
        %parallel_loop3A_1719 = arith.index_cast %parallel_loop3A_1718 : i32 to index
        %parallel_loop3A_1720 = arith.constant 576 : index
        %parallel_loop3A_1721 = tpu.vector_load %arg8[%parallel_loop3A_1719, %parallel_loop3A_1720] {strides = array<i32>} : memref<128x768xf32, #tpu.memory_space<vmem>>, vector<1x16xf32>,
        %parallel_loop3A_1722 = vector.shape_cast %parallel_loop3A_1721 : vector<1x16xf32> to vector<16xf32>
        %parallel_loop3A_1723 = vector.shape_cast %parallel_loop3A_1684 : vector<16xf32> to vector<1x16xf32>
        tpu.vector_store %arg8[%parallel_loop3A_1719, %parallel_loop3A_1720], %parallel_loop3A_1723 {add = true, strides = array<i32>} : memref<128x768xf32, #tpu.memory_space<vmem>>, vector<1x16xf32>,
        %parallel_loop3A_1724 = arith.constant 24 : i32
        %parallel_loop3A_1725 = arith.addi %mul3A_250, %parallel_loop3A_1724 : i32
        %parallel_loop3A_1726 = arith.addi %parallel_loop3A_1725, %parallel_loop3A_347 : i32
        %parallel_loop3A_1727 = arith.index_cast %parallel_loop3A_1726 : i32 to index
        %parallel_loop3A_1728 = arith.constant 576 : index
        %parallel_loop3A_1729 = tpu.vector_load %arg8[%parallel_loop3A_1727, %parallel_loop3A_1728] {strides = array<i32>} : memref<128x768xf32, #tpu.memory_space<vmem>>, vector<1x16xf32>,
        %parallel_loop3A_1730 = vector.shape_cast %parallel_loop3A_1729 : vector<1x16xf32> to vector<16xf32>
        %parallel_loop3A_1731 = vector.shape_cast %parallel_loop3A_1684 : vector<16xf32> to vector<1x16xf32>
        tpu.vector_store %arg8[%parallel_loop3A_1727, %parallel_loop3A_1728], %parallel_loop3A_1731 {add = true, strides = array<i32>} : memref<128x768xf32, #tpu.memory_space<vmem>>, vector<1x16xf32>,
        %parallel_loop3A_1732 = arith.constant 0 : i32
        %parallel_loop3A_1733 = arith.addi %mul3A_250, %parallel_loop3A_1732 : i32
        %parallel_loop3A_1734 = arith.addi %parallel_loop3A_1733, %parallel_loop3A_347 : i32
        %parallel_loop3A_1735 = arith.index_cast %parallel_loop3A_1734 : i32 to index
        %parallel_loop3A_1736 = arith.constant 592 : index
        %parallel_loop3A_1737 = tpu.vector_load %arg8[%parallel_loop3A_1735, %parallel_loop3A_1736] {strides = array<i32>} : memref<128x768xf32, #tpu.memory_space<vmem>>, vector<1x16xf32>,
        %parallel_loop3A_1738 = vector.shape_cast %parallel_loop3A_1737 : vector<1x16xf32> to vector<16xf32>
        %parallel_loop3A_1739 = vector.shape_cast %parallel_loop3A_1689 : vector<16xf32> to vector<1x16xf32>
        tpu.vector_store %arg8[%parallel_loop3A_1735, %parallel_loop3A_1736], %parallel_loop3A_1739 {add = true, strides = array<i32>} : memref<128x768xf32, #tpu.memory_space<vmem>>, vector<1x16xf32>,
        %parallel_loop3A_1740 = arith.constant 8 : i32
        %parallel_loop3A_1741 = arith.addi %mul3A_250, %parallel_loop3A_1740 : i32
        %parallel_loop3A_1742 = arith.addi %parallel_loop3A_1741, %parallel_loop3A_347 : i32
        %parallel_loop3A_1743 = arith.index_cast %parallel_loop3A_1742 : i32 to index
        %parallel_loop3A_1744 = arith.constant 592 : index
        %parallel_loop3A_1745 = tpu.vector_load %arg8[%parallel_loop3A_1743, %parallel_loop3A_1744] {strides = array<i32>} : memref<128x768xf32, #tpu.memory_space<vmem>>, vector<1x16xf32>,
        %parallel_loop3A_1746 = vector.shape_cast %parallel_loop3A_1745 : vector<1x16xf32> to vector<16xf32>
        %parallel_loop3A_1747 = vector.shape_cast %parallel_loop3A_1689 : vector<16xf32> to vector<1x16xf32>
        tpu.vector_store %arg8[%parallel_loop3A_1743, %parallel_loop3A_1744], %parallel_loop3A_1747 {add = true, strides = array<i32>} : memref<128x768xf32, #tpu.memory_space<vmem>>, vector<1x16xf32>,
        %parallel_loop3A_1748 = arith.constant 16 : i32
        %parallel_loop3A_1749 = arith.addi %mul3A_250, %parallel_loop3A_1748 : i32
        %parallel_loop3A_1750 = arith.addi %parallel_loop3A_1749, %parallel_loop3A_347 : i32
        %parallel_loop3A_1751 = arith.index_cast %parallel_loop3A_1750 : i32 to index
        %parallel_loop3A_1752 = arith.constant 592 : index
        %parallel_loop3A_1753 = tpu.vector_load %arg8[%parallel_loop3A_1751, %parallel_loop3A_1752] {strides = array<i32>} : memref<128x768xf32, #tpu.memory_space<vmem>>, vector<1x16xf32>,
        %parallel_loop3A_1754 = vector.shape_cast %parallel_loop3A_1753 : vector<1x16xf32> to vector<16xf32>
        %parallel_loop3A_1755 = vector.shape_cast %parallel_loop3A_1689 : vector<16xf32> to vector<1x16xf32>
        tpu.vector_store %arg8[%parallel_loop3A_1751, %parallel_loop3A_1752], %parallel_loop3A_1755 {add = true, strides = array<i32>} : memref<128x768xf32, #tpu.memory_space<vmem>>, vector<1x16xf32>,
        %parallel_loop3A_1756 = arith.constant 24 : i32
        %parallel_loop3A_1757 = arith.addi %mul3A_250, %parallel_loop3A_1756 : i32
        %parallel_loop3A_1758 = arith.addi %parallel_loop3A_1757, %parallel_loop3A_347 : i32
        %parallel_loop3A_1759 = arith.index_cast %parallel_loop3A_1758 : i32 to index
        %parallel_loop3A_1760 = arith.constant 592 : index
        %parallel_loop3A_1761 = tpu.vector_load %arg8[%parallel_loop3A_1759, %parallel_loop3A_1760] {strides = array<i32>} : memref<128x768xf32, #tpu.memory_space<vmem>>, vector<1x16xf32>,
        %parallel_loop3A_1762 = vector.shape_cast %parallel_loop3A_1761 : vector<1x16xf32> to vector<16xf32>
        %parallel_loop3A_1763 = vector.shape_cast %parallel_loop3A_1689 : vector<16xf32> to vector<1x16xf32>
        tpu.vector_store %arg8[%parallel_loop3A_1759, %parallel_loop3A_1760], %parallel_loop3A_1763 {add = true, strides = array<i32>} : memref<128x768xf32, #tpu.memory_space<vmem>>, vector<1x16xf32>,
        %parallel_loop3A_1764 = arith.constant 0 : i32
        %parallel_loop3A_1765 = arith.addi %mul3A_250, %parallel_loop3A_1764 : i32
        %parallel_loop3A_1766 = arith.addi %parallel_loop3A_1765, %parallel_loop3A_347 : i32
        %parallel_loop3A_1767 = arith.index_cast %parallel_loop3A_1766 : i32 to index
        %parallel_loop3A_1768 = arith.constant 608 : index
        %parallel_loop3A_1769 = tpu.vector_load %arg8[%parallel_loop3A_1767, %parallel_loop3A_1768] {strides = array<i32>} : memref<128x768xf32, #tpu.memory_space<vmem>>, vector<1x16xf32>,
        %parallel_loop3A_1770 = vector.shape_cast %parallel_loop3A_1769 : vector<1x16xf32> to vector<16xf32>
        %parallel_loop3A_1771 = vector.shape_cast %parallel_loop3A_1694 : vector<16xf32> to vector<1x16xf32>
        tpu.vector_store %arg8[%parallel_loop3A_1767, %parallel_loop3A_1768], %parallel_loop3A_1771 {add = true, strides = array<i32>} : memref<128x768xf32, #tpu.memory_space<vmem>>, vector<1x16xf32>,
        %parallel_loop3A_1772 = arith.constant 8 : i32
        %parallel_loop3A_1773 = arith.addi %mul3A_250, %parallel_loop3A_1772 : i32
        %parallel_loop3A_1774 = arith.addi %parallel_loop3A_1773, %parallel_loop3A_347 : i32
        %parallel_loop3A_1775 = arith.index_cast %parallel_loop3A_1774 : i32 to index
        %parallel_loop3A_1776 = arith.constant 608 : index
        %parallel_loop3A_1777 = tpu.vector_load %arg8[%parallel_loop3A_1775, %parallel_loop3A_1776] {strides = array<i32>} : memref<128x768xf32, #tpu.memory_space<vmem>>, vector<1x16xf32>,
        %parallel_loop3A_1778 = vector.shape_cast %parallel_loop3A_1777 : vector<1x16xf32> to vector<16xf32>
        %parallel_loop3A_1779 = vector.shape_cast %parallel_loop3A_1694 : vector<16xf32> to vector<1x16xf32>
        tpu.vector_store %arg8[%parallel_loop3A_1775, %parallel_loop3A_1776], %parallel_loop3A_1779 {add = true, strides = array<i32>} : memref<128x768xf32, #tpu.memory_space<vmem>>, vector<1x16xf32>,
        %parallel_loop3A_1780 = arith.constant 16 : i32
        %parallel_loop3A_1781 = arith.addi %mul3A_250, %parallel_loop3A_1780 : i32
        %parallel_loop3A_1782 = arith.addi %parallel_loop3A_1781, %parallel_loop3A_347 : i32
        %parallel_loop3A_1783 = arith.index_cast %parallel_loop3A_1782 : i32 to index
        %parallel_loop3A_1784 = arith.constant 608 : index
        %parallel_loop3A_1785 = tpu.vector_load %arg8[%parallel_loop3A_1783, %parallel_loop3A_1784] {strides = array<i32>} : memref<128x768xf32, #tpu.memory_space<vmem>>, vector<1x16xf32>,
        %parallel_loop3A_1786 = vector.shape_cast %parallel_loop3A_1785 : vector<1x16xf32> to vector<16xf32>
        %parallel_loop3A_1787 = vector.shape_cast %parallel_loop3A_1694 : vector<16xf32> to vector<1x16xf32>
        tpu.vector_store %arg8[%parallel_loop3A_1783, %parallel_loop3A_1784], %parallel_loop3A_1787 {add = true, strides = array<i32>} : memref<128x768xf32, #tpu.memory_space<vmem>>, vector<1x16xf32>,
        %parallel_loop3A_1788 = arith.constant 24 : i32
        %parallel_loop3A_1789 = arith.addi %mul3A_250, %parallel_loop3A_1788 : i32
        %parallel_loop3A_1790 = arith.addi %parallel_loop3A_1789, %parallel_loop3A_347 : i32
        %parallel_loop3A_1791 = arith.index_cast %parallel_loop3A_1790 : i32 to index
        %parallel_loop3A_1792 = arith.constant 608 : index
        %parallel_loop3A_1793 = tpu.vector_load %arg8[%parallel_loop3A_1791, %parallel_loop3A_1792] {strides = array<i32>} : memref<128x768xf32, #tpu.memory_space<vmem>>, vector<1x16xf32>,
        %parallel_loop3A_1794 = vector.shape_cast %parallel_loop3A_1793 : vector<1x16xf32> to vector<16xf32>
        %parallel_loop3A_1795 = vector.shape_cast %parallel_loop3A_1694 : vector<16xf32> to vector<1x16xf32>
        tpu.vector_store %arg8[%parallel_loop3A_1791, %parallel_loop3A_1792], %parallel_loop3A_1795 {add = true, strides = array<i32>} : memref<128x768xf32, #tpu.memory_space<vmem>>, vector<1x16xf32>,
        %parallel_loop3A_1796 = arith.constant 0 : i32
        %parallel_loop3A_1797 = arith.addi %mul3A_250, %parallel_loop3A_1796 : i32
        %parallel_loop3A_1798 = arith.addi %parallel_loop3A_1797, %parallel_loop3A_347 : i32
        %parallel_loop3A_1799 = arith.index_cast %parallel_loop3A_1798 : i32 to index
        %parallel_loop3A_1800 = arith.constant 624 : index
        %parallel_loop3A_1801 = tpu.vector_load %arg8[%parallel_loop3A_1799, %parallel_loop3A_1800] {strides = array<i32>} : memref<128x768xf32, #tpu.memory_space<vmem>>, vector<1x16xf32>,
        %parallel_loop3A_1802 = vector.shape_cast %parallel_loop3A_1801 : vector<1x16xf32> to vector<16xf32>
        %parallel_loop3A_1803 = vector.shape_cast %parallel_loop3A_1699 : vector<16xf32> to vector<1x16xf32>
        tpu.vector_store %arg8[%parallel_loop3A_1799, %parallel_loop3A_1800], %parallel_loop3A_1803 {add = true, strides = array<i32>} : memref<128x768xf32, #tpu.memory_space<vmem>>, vector<1x16xf32>,
        %parallel_loop3A_1804 = arith.constant 8 : i32
        %parallel_loop3A_1805 = arith.addi %mul3A_250, %parallel_loop3A_1804 : i32
        %parallel_loop3A_1806 = arith.addi %parallel_loop3A_1805, %parallel_loop3A_347 : i32
        %parallel_loop3A_1807 = arith.index_cast %parallel_loop3A_1806 : i32 to index
        %parallel_loop3A_1808 = arith.constant 624 : index
        %parallel_loop3A_1809 = tpu.vector_load %arg8[%parallel_loop3A_1807, %parallel_loop3A_1808] {strides = array<i32>} : memref<128x768xf32, #tpu.memory_space<vmem>>, vector<1x16xf32>,
        %parallel_loop3A_1810 = vector.shape_cast %parallel_loop3A_1809 : vector<1x16xf32> to vector<16xf32>
        %parallel_loop3A_1811 = vector.shape_cast %parallel_loop3A_1699 : vector<16xf32> to vector<1x16xf32>
        tpu.vector_store %arg8[%parallel_loop3A_1807, %parallel_loop3A_1808], %parallel_loop3A_1811 {add = true, strides = array<i32>} : memref<128x768xf32, #tpu.memory_space<vmem>>, vector<1x16xf32>,
        %parallel_loop3A_1812 = arith.constant 16 : i32
        %parallel_loop3A_1813 = arith.addi %mul3A_250, %parallel_loop3A_1812 : i32
        %parallel_loop3A_1814 = arith.addi %parallel_loop3A_1813, %parallel_loop3A_347 : i32
        %parallel_loop3A_1815 = arith.index_cast %parallel_loop3A_1814 : i32 to index
        %parallel_loop3A_1816 = arith.constant 624 : index
        %parallel_loop3A_1817 = tpu.vector_load %arg8[%parallel_loop3A_1815, %parallel_loop3A_1816] {strides = array<i32>} : memref<128x768xf32, #tpu.memory_space<vmem>>, vector<1x16xf32>,
        %parallel_loop3A_1818 = vector.shape_cast %parallel_loop3A_1817 : vector<1x16xf32> to vector<16xf32>
        %parallel_loop3A_1819 = vector.shape_cast %parallel_loop3A_1699 : vector<16xf32> to vector<1x16xf32>
        tpu.vector_store %arg8[%parallel_loop3A_1815, %parallel_loop3A_1816], %parallel_loop3A_1819 {add = true, strides = array<i32>} : memref<128x768xf32, #tpu.memory_space<vmem>>, vector<1x16xf32>,
        %parallel_loop3A_1820 = arith.constant 24 : i32
        %parallel_loop3A_1821 = arith.addi %mul3A_250, %parallel_loop3A_1820 : i32
        %parallel_loop3A_1822 = arith.addi %parallel_loop3A_1821, %parallel_loop3A_347 : i32
        %parallel_loop3A_1823 = arith.index_cast %parallel_loop3A_1822 : i32 to index
        %parallel_loop3A_1824 = arith.constant 624 : index
        %parallel_loop3A_1825 = tpu.vector_load %arg8[%parallel_loop3A_1823, %parallel_loop3A_1824] {strides = array<i32>} : memref<128x768xf32, #tpu.memory_space<vmem>>, vector<1x16xf32>,
        %parallel_loop3A_1826 = vector.shape_cast %parallel_loop3A_1825 : vector<1x16xf32> to vector<16xf32>
        %parallel_loop3A_1827 = vector.shape_cast %parallel_loop3A_1699 : vector<16xf32> to vector<1x16xf32>
        tpu.vector_store %arg8[%parallel_loop3A_1823, %parallel_loop3A_1824], %parallel_loop3A_1827 {add = true, strides = array<i32>} : memref<128x768xf32, #tpu.memory_space<vmem>>, vector<1x16xf32>,
        %parallel_loop3A_1828 = arith.addi %mul3A_252, %parallel_loop3A_347 : i32
        %parallel_loop3A_1829 = arith.index_cast %parallel_loop3A_1828 : i32 to index
        %parallel_loop3A_1830 = arith.constant 640 : index
        %parallel_loop3A_1831 = tpu.vector_load %arg7[%parallel_loop3A_1829, %parallel_loop3A_1830] {strides = array<i32>} : memref<32x768xf32, #tpu.memory_space<vmem>>, vector<1x16xf32>,
        %parallel_loop3A_1832 = vector.shape_cast %parallel_loop3A_1831 : vector<1x16xf32> to vector<16xf32>
        %parallel_loop3A_1833 = arith.addi %mul3A_252, %parallel_loop3A_347 : i32
        %parallel_loop3A_1834 = arith.index_cast %parallel_loop3A_1833 : i32 to index
        %parallel_loop3A_1835 = arith.constant 656 : index
        %parallel_loop3A_1836 = tpu.vector_load %arg7[%parallel_loop3A_1834, %parallel_loop3A_1835] {strides = array<i32>} : memref<32x768xf32, #tpu.memory_space<vmem>>, vector<1x16xf32>,
        %parallel_loop3A_1837 = vector.shape_cast %parallel_loop3A_1836 : vector<1x16xf32> to vector<16xf32>
        %parallel_loop3A_1838 = arith.addi %mul3A_252, %parallel_loop3A_347 : i32
        %parallel_loop3A_1839 = arith.index_cast %parallel_loop3A_1838 : i32 to index
        %parallel_loop3A_1840 = arith.constant 672 : index
        %parallel_loop3A_1841 = tpu.vector_load %arg7[%parallel_loop3A_1839, %parallel_loop3A_1840] {strides = array<i32>} : memref<32x768xf32, #tpu.memory_space<vmem>>, vector<1x16xf32>,
        %parallel_loop3A_1842 = vector.shape_cast %parallel_loop3A_1841 : vector<1x16xf32> to vector<16xf32>
        %parallel_loop3A_1843 = arith.addi %mul3A_252, %parallel_loop3A_347 : i32
        %parallel_loop3A_1844 = arith.index_cast %parallel_loop3A_1843 : i32 to index
        %parallel_loop3A_1845 = arith.constant 688 : index
        %parallel_loop3A_1846 = tpu.vector_load %arg7[%parallel_loop3A_1844, %parallel_loop3A_1845] {strides = array<i32>} : memref<32x768xf32, #tpu.memory_space<vmem>>, vector<1x16xf32>,
        %parallel_loop3A_1847 = vector.shape_cast %parallel_loop3A_1846 : vector<1x16xf32> to vector<16xf32>
        %parallel_loop3A_1848 = arith.constant 0 : i32
        %parallel_loop3A_1849 = arith.addi %mul3A_250, %parallel_loop3A_1848 : i32
        %parallel_loop3A_1850 = arith.addi %parallel_loop3A_1849, %parallel_loop3A_347 : i32
        %parallel_loop3A_1851 = arith.index_cast %parallel_loop3A_1850 : i32 to index
        %parallel_loop3A_1852 = arith.constant 640 : index
        %parallel_loop3A_1853 = tpu.vector_load %arg8[%parallel_loop3A_1851, %parallel_loop3A_1852] {strides = array<i32>} : memref<128x768xf32, #tpu.memory_space<vmem>>, vector<1x16xf32>,
        %parallel_loop3A_1854 = vector.shape_cast %parallel_loop3A_1853 : vector<1x16xf32> to vector<16xf32>
        %parallel_loop3A_1855 = vector.shape_cast %parallel_loop3A_1832 : vector<16xf32> to vector<1x16xf32>
        tpu.vector_store %arg8[%parallel_loop3A_1851, %parallel_loop3A_1852], %parallel_loop3A_1855 {add = true, strides = array<i32>} : memref<128x768xf32, #tpu.memory_space<vmem>>, vector<1x16xf32>,
        %parallel_loop3A_1856 = arith.constant 8 : i32
        %parallel_loop3A_1857 = arith.addi %mul3A_250, %parallel_loop3A_1856 : i32
        %parallel_loop3A_1858 = arith.addi %parallel_loop3A_1857, %parallel_loop3A_347 : i32
        %parallel_loop3A_1859 = arith.index_cast %parallel_loop3A_1858 : i32 to index
        %parallel_loop3A_1860 = arith.constant 640 : index
        %parallel_loop3A_1861 = tpu.vector_load %arg8[%parallel_loop3A_1859, %parallel_loop3A_1860] {strides = array<i32>} : memref<128x768xf32, #tpu.memory_space<vmem>>, vector<1x16xf32>,
        %parallel_loop3A_1862 = vector.shape_cast %parallel_loop3A_1861 : vector<1x16xf32> to vector<16xf32>
        %parallel_loop3A_1863 = vector.shape_cast %parallel_loop3A_1832 : vector<16xf32> to vector<1x16xf32>
        tpu.vector_store %arg8[%parallel_loop3A_1859, %parallel_loop3A_1860], %parallel_loop3A_1863 {add = true, strides = array<i32>} : memref<128x768xf32, #tpu.memory_space<vmem>>, vector<1x16xf32>,
        %parallel_loop3A_1864 = arith.constant 16 : i32
        %parallel_loop3A_1865 = arith.addi %mul3A_250, %parallel_loop3A_1864 : i32
        %parallel_loop3A_1866 = arith.addi %parallel_loop3A_1865, %parallel_loop3A_347 : i32
        %parallel_loop3A_1867 = arith.index_cast %parallel_loop3A_1866 : i32 to index
        %parallel_loop3A_1868 = arith.constant 640 : index
        %parallel_loop3A_1869 = tpu.vector_load %arg8[%parallel_loop3A_1867, %parallel_loop3A_1868] {strides = array<i32>} : memref<128x768xf32, #tpu.memory_space<vmem>>, vector<1x16xf32>,
        %parallel_loop3A_1870 = vector.shape_cast %parallel_loop3A_1869 : vector<1x16xf32> to vector<16xf32>
        %parallel_loop3A_1871 = vector.shape_cast %parallel_loop3A_1832 : vector<16xf32> to vector<1x16xf32>
        tpu.vector_store %arg8[%parallel_loop3A_1867, %parallel_loop3A_1868], %parallel_loop3A_1871 {add = true, strides = array<i32>} : memref<128x768xf32, #tpu.memory_space<vmem>>, vector<1x16xf32>,
        %parallel_loop3A_1872 = arith.constant 24 : i32
        %parallel_loop3A_1873 = arith.addi %mul3A_250, %parallel_loop3A_1872 : i32
        %parallel_loop3A_1874 = arith.addi %parallel_loop3A_1873, %parallel_loop3A_347 : i32
        %parallel_loop3A_1875 = arith.index_cast %parallel_loop3A_1874 : i32 to index
        %parallel_loop3A_1876 = arith.constant 640 : index
        %parallel_loop3A_1877 = tpu.vector_load %arg8[%parallel_loop3A_1875, %parallel_loop3A_1876] {strides = array<i32>} : memref<128x768xf32, #tpu.memory_space<vmem>>, vector<1x16xf32>,
        %parallel_loop3A_1878 = vector.shape_cast %parallel_loop3A_1877 : vector<1x16xf32> to vector<16xf32>
        %parallel_loop3A_1879 = vector.shape_cast %parallel_loop3A_1832 : vector<16xf32> to vector<1x16xf32>
        tpu.vector_store %arg8[%parallel_loop3A_1875, %parallel_loop3A_1876], %parallel_loop3A_1879 {add = true, strides = array<i32>} : memref<128x768xf32, #tpu.memory_space<vmem>>, vector<1x16xf32>,
        %parallel_loop3A_1880 = arith.constant 0 : i32
        %parallel_loop3A_1881 = arith.addi %mul3A_250, %parallel_loop3A_1880 : i32
        %parallel_loop3A_1882 = arith.addi %parallel_loop3A_1881, %parallel_loop3A_347 : i32
        %parallel_loop3A_1883 = arith.index_cast %parallel_loop3A_1882 : i32 to index
        %parallel_loop3A_1884 = arith.constant 656 : index
        %parallel_loop3A_1885 = tpu.vector_load %arg8[%parallel_loop3A_1883, %parallel_loop3A_1884] {strides = array<i32>} : memref<128x768xf32, #tpu.memory_space<vmem>>, vector<1x16xf32>,
        %parallel_loop3A_1886 = vector.shape_cast %parallel_loop3A_1885 : vector<1x16xf32> to vector<16xf32>
        %parallel_loop3A_1887 = vector.shape_cast %parallel_loop3A_1837 : vector<16xf32> to vector<1x16xf32>
        tpu.vector_store %arg8[%parallel_loop3A_1883, %parallel_loop3A_1884], %parallel_loop3A_1887 {add = true, strides = array<i32>} : memref<128x768xf32, #tpu.memory_space<vmem>>, vector<1x16xf32>,
        %parallel_loop3A_1888 = arith.constant 8 : i32
        %parallel_loop3A_1889 = arith.addi %mul3A_250, %parallel_loop3A_1888 : i32
        %parallel_loop3A_1890 = arith.addi %parallel_loop3A_1889, %parallel_loop3A_347 : i32
        %parallel_loop3A_1891 = arith.index_cast %parallel_loop3A_1890 : i32 to index
        %parallel_loop3A_1892 = arith.constant 656 : index
        %parallel_loop3A_1893 = tpu.vector_load %arg8[%parallel_loop3A_1891, %parallel_loop3A_1892] {strides = array<i32>} : memref<128x768xf32, #tpu.memory_space<vmem>>, vector<1x16xf32>,
        %parallel_loop3A_1894 = vector.shape_cast %parallel_loop3A_1893 : vector<1x16xf32> to vector<16xf32>
        %parallel_loop3A_1895 = vector.shape_cast %parallel_loop3A_1837 : vector<16xf32> to vector<1x16xf32>
        tpu.vector_store %arg8[%parallel_loop3A_1891, %parallel_loop3A_1892], %parallel_loop3A_1895 {add = true, strides = array<i32>} : memref<128x768xf32, #tpu.memory_space<vmem>>, vector<1x16xf32>,
        %parallel_loop3A_1896 = arith.constant 16 : i32
        %parallel_loop3A_1897 = arith.addi %mul3A_250, %parallel_loop3A_1896 : i32
        %parallel_loop3A_1898 = arith.addi %parallel_loop3A_1897, %parallel_loop3A_347 : i32
        %parallel_loop3A_1899 = arith.index_cast %parallel_loop3A_1898 : i32 to index
        %parallel_loop3A_1900 = arith.constant 656 : index
        %parallel_loop3A_1901 = tpu.vector_load %arg8[%parallel_loop3A_1899, %parallel_loop3A_1900] {strides = array<i32>} : memref<128x768xf32, #tpu.memory_space<vmem>>, vector<1x16xf32>,
        %parallel_loop3A_1902 = vector.shape_cast %parallel_loop3A_1901 : vector<1x16xf32> to vector<16xf32>
        %parallel_loop3A_1903 = vector.shape_cast %parallel_loop3A_1837 : vector<16xf32> to vector<1x16xf32>
        tpu.vector_store %arg8[%parallel_loop3A_1899, %parallel_loop3A_1900], %parallel_loop3A_1903 {add = true, strides = array<i32>} : memref<128x768xf32, #tpu.memory_space<vmem>>, vector<1x16xf32>,
        %parallel_loop3A_1904 = arith.constant 24 : i32
        %parallel_loop3A_1905 = arith.addi %mul3A_250, %parallel_loop3A_1904 : i32
        %parallel_loop3A_1906 = arith.addi %parallel_loop3A_1905, %parallel_loop3A_347 : i32
        %parallel_loop3A_1907 = arith.index_cast %parallel_loop3A_1906 : i32 to index
        %parallel_loop3A_1908 = arith.constant 656 : index
        %parallel_loop3A_1909 = tpu.vector_load %arg8[%parallel_loop3A_1907, %parallel_loop3A_1908] {strides = array<i32>} : memref<128x768xf32, #tpu.memory_space<vmem>>, vector<1x16xf32>,
        %parallel_loop3A_1910 = vector.shape_cast %parallel_loop3A_1909 : vector<1x16xf32> to vector<16xf32>
        %parallel_loop3A_1911 = vector.shape_cast %parallel_loop3A_1837 : vector<16xf32> to vector<1x16xf32>
        tpu.vector_store %arg8[%parallel_loop3A_1907, %parallel_loop3A_1908], %parallel_loop3A_1911 {add = true, strides = array<i32>} : memref<128x768xf32, #tpu.memory_space<vmem>>, vector<1x16xf32>,
        %parallel_loop3A_1912 = arith.constant 0 : i32
        %parallel_loop3A_1913 = arith.addi %mul3A_250, %parallel_loop3A_1912 : i32
        %parallel_loop3A_1914 = arith.addi %parallel_loop3A_1913, %parallel_loop3A_347 : i32
        %parallel_loop3A_1915 = arith.index_cast %parallel_loop3A_1914 : i32 to index
        %parallel_loop3A_1916 = arith.constant 672 : index
        %parallel_loop3A_1917 = tpu.vector_load %arg8[%parallel_loop3A_1915, %parallel_loop3A_1916] {strides = array<i32>} : memref<128x768xf32, #tpu.memory_space<vmem>>, vector<1x16xf32>,
        %parallel_loop3A_1918 = vector.shape_cast %parallel_loop3A_1917 : vector<1x16xf32> to vector<16xf32>
        %parallel_loop3A_1919 = vector.shape_cast %parallel_loop3A_1842 : vector<16xf32> to vector<1x16xf32>
        tpu.vector_store %arg8[%parallel_loop3A_1915, %parallel_loop3A_1916], %parallel_loop3A_1919 {add = true, strides = array<i32>} : memref<128x768xf32, #tpu.memory_space<vmem>>, vector<1x16xf32>,
        %parallel_loop3A_1920 = arith.constant 8 : i32
        %parallel_loop3A_1921 = arith.addi %mul3A_250, %parallel_loop3A_1920 : i32
        %parallel_loop3A_1922 = arith.addi %parallel_loop3A_1921, %parallel_loop3A_347 : i32
        %parallel_loop3A_1923 = arith.index_cast %parallel_loop3A_1922 : i32 to index
        %parallel_loop3A_1924 = arith.constant 672 : index
        %parallel_loop3A_1925 = tpu.vector_load %arg8[%parallel_loop3A_1923, %parallel_loop3A_1924] {strides = array<i32>} : memref<128x768xf32, #tpu.memory_space<vmem>>, vector<1x16xf32>,
        %parallel_loop3A_1926 = vector.shape_cast %parallel_loop3A_1925 : vector<1x16xf32> to vector<16xf32>
        %parallel_loop3A_1927 = vector.shape_cast %parallel_loop3A_1842 : vector<16xf32> to vector<1x16xf32>
        tpu.vector_store %arg8[%parallel_loop3A_1923, %parallel_loop3A_1924], %parallel_loop3A_1927 {add = true, strides = array<i32>} : memref<128x768xf32, #tpu.memory_space<vmem>>, vector<1x16xf32>,
        %parallel_loop3A_1928 = arith.constant 16 : i32
        %parallel_loop3A_1929 = arith.addi %mul3A_250, %parallel_loop3A_1928 : i32
        %parallel_loop3A_1930 = arith.addi %parallel_loop3A_1929, %parallel_loop3A_347 : i32
        %parallel_loop3A_1931 = arith.index_cast %parallel_loop3A_1930 : i32 to index
        %parallel_loop3A_1932 = arith.constant 672 : index
        %parallel_loop3A_1933 = tpu.vector_load %arg8[%parallel_loop3A_1931, %parallel_loop3A_1932] {strides = array<i32>} : memref<128x768xf32, #tpu.memory_space<vmem>>, vector<1x16xf32>,
        %parallel_loop3A_1934 = vector.shape_cast %parallel_loop3A_1933 : vector<1x16xf32> to vector<16xf32>
        %parallel_loop3A_1935 = vector.shape_cast %parallel_loop3A_1842 : vector<16xf32> to vector<1x16xf32>
        tpu.vector_store %arg8[%parallel_loop3A_1931, %parallel_loop3A_1932], %parallel_loop3A_1935 {add = true, strides = array<i32>} : memref<128x768xf32, #tpu.memory_space<vmem>>, vector<1x16xf32>,
        %parallel_loop3A_1936 = arith.constant 24 : i32
        %parallel_loop3A_1937 = arith.addi %mul3A_250, %parallel_loop3A_1936 : i32
        %parallel_loop3A_1938 = arith.addi %parallel_loop3A_1937, %parallel_loop3A_347 : i32
        %parallel_loop3A_1939 = arith.index_cast %parallel_loop3A_1938 : i32 to index
        %parallel_loop3A_1940 = arith.constant 672 : index
        %parallel_loop3A_1941 = tpu.vector_load %arg8[%parallel_loop3A_1939, %parallel_loop3A_1940] {strides = array<i32>} : memref<128x768xf32, #tpu.memory_space<vmem>>, vector<1x16xf32>,
        %parallel_loop3A_1942 = vector.shape_cast %parallel_loop3A_1941 : vector<1x16xf32> to vector<16xf32>
        %parallel_loop3A_1943 = vector.shape_cast %parallel_loop3A_1842 : vector<16xf32> to vector<1x16xf32>
        tpu.vector_store %arg8[%parallel_loop3A_1939, %parallel_loop3A_1940], %parallel_loop3A_1943 {add = true, strides = array<i32>} : memref<128x768xf32, #tpu.memory_space<vmem>>, vector<1x16xf32>,
        %parallel_loop3A_1944 = arith.constant 0 : i32
        %parallel_loop3A_1945 = arith.addi %mul3A_250, %parallel_loop3A_1944 : i32
        %parallel_loop3A_1946 = arith.addi %parallel_loop3A_1945, %parallel_loop3A_347 : i32
        %parallel_loop3A_1947 = arith.index_cast %parallel_loop3A_1946 : i32 to index
        %parallel_loop3A_1948 = arith.constant 688 : index
        %parallel_loop3A_1949 = tpu.vector_load %arg8[%parallel_loop3A_1947, %parallel_loop3A_1948] {strides = array<i32>} : memref<128x768xf32, #tpu.memory_space<vmem>>, vector<1x16xf32>,
        %parallel_loop3A_1950 = vector.shape_cast %parallel_loop3A_1949 : vector<1x16xf32> to vector<16xf32>
        %parallel_loop3A_1951 = vector.shape_cast %parallel_loop3A_1847 : vector<16xf32> to vector<1x16xf32>
        tpu.vector_store %arg8[%parallel_loop3A_1947, %parallel_loop3A_1948], %parallel_loop3A_1951 {add = true, strides = array<i32>} : memref<128x768xf32, #tpu.memory_space<vmem>>, vector<1x16xf32>,
        %parallel_loop3A_1952 = arith.constant 8 : i32
        %parallel_loop3A_1953 = arith.addi %mul3A_250, %parallel_loop3A_1952 : i32
        %parallel_loop3A_1954 = arith.addi %parallel_loop3A_1953, %parallel_loop3A_347 : i32
        %parallel_loop3A_1955 = arith.index_cast %parallel_loop3A_1954 : i32 to index
        %parallel_loop3A_1956 = arith.constant 688 : index
        %parallel_loop3A_1957 = tpu.vector_load %arg8[%parallel_loop3A_1955, %parallel_loop3A_1956] {strides = array<i32>} : memref<128x768xf32, #tpu.memory_space<vmem>>, vector<1x16xf32>,
        %parallel_loop3A_1958 = vector.shape_cast %parallel_loop3A_1957 : vector<1x16xf32> to vector<16xf32>
        %parallel_loop3A_1959 = vector.shape_cast %parallel_loop3A_1847 : vector<16xf32> to vector<1x16xf32>
        tpu.vector_store %arg8[%parallel_loop3A_1955, %parallel_loop3A_1956], %parallel_loop3A_1959 {add = true, strides = array<i32>} : memref<128x768xf32, #tpu.memory_space<vmem>>, vector<1x16xf32>,
        %parallel_loop3A_1960 = arith.constant 16 : i32
        %parallel_loop3A_1961 = arith.addi %mul3A_250, %parallel_loop3A_1960 : i32
        %parallel_loop3A_1962 = arith.addi %parallel_loop3A_1961, %parallel_loop3A_347 : i32
        %parallel_loop3A_1963 = arith.index_cast %parallel_loop3A_1962 : i32 to index
        %parallel_loop3A_1964 = arith.constant 688 : index
        %parallel_loop3A_1965 = tpu.vector_load %arg8[%parallel_loop3A_1963, %parallel_loop3A_1964] {strides = array<i32>} : memref<128x768xf32, #tpu.memory_space<vmem>>, vector<1x16xf32>,
        %parallel_loop3A_1966 = vector.shape_cast %parallel_loop3A_1965 : vector<1x16xf32> to vector<16xf32>
        %parallel_loop3A_1967 = vector.shape_cast %parallel_loop3A_1847 : vector<16xf32> to vector<1x16xf32>
        tpu.vector_store %arg8[%parallel_loop3A_1963, %parallel_loop3A_1964], %parallel_loop3A_1967 {add = true, strides = array<i32>} : memref<128x768xf32, #tpu.memory_space<vmem>>, vector<1x16xf32>,
        %parallel_loop3A_1968 = arith.constant 24 : i32
        %parallel_loop3A_1969 = arith.addi %mul3A_250, %parallel_loop3A_1968 : i32
        %parallel_loop3A_1970 = arith.addi %parallel_loop3A_1969, %parallel_loop3A_347 : i32
        %parallel_loop3A_1971 = arith.index_cast %parallel_loop3A_1970 : i32 to index
        %parallel_loop3A_1972 = arith.constant 688 : index
        %parallel_loop3A_1973 = tpu.vector_load %arg8[%parallel_loop3A_1971, %parallel_loop3A_1972] {strides = array<i32>} : memref<128x768xf32, #tpu.memory_space<vmem>>, vector<1x16xf32>,
        %parallel_loop3A_1974 = vector.shape_cast %parallel_loop3A_1973 : vector<1x16xf32> to vector<16xf32>
        %parallel_loop3A_1975 = vector.shape_cast %parallel_loop3A_1847 : vector<16xf32> to vector<1x16xf32>
        tpu.vector_store %arg8[%parallel_loop3A_1971, %parallel_loop3A_1972], %parallel_loop3A_1975 {add = true, strides = array<i32>} : memref<128x768xf32, #tpu.memory_space<vmem>>, vector<1x16xf32>,
        %parallel_loop3A_1976 = arith.addi %mul3A_252, %parallel_loop3A_347 : i32
        %parallel_loop3A_1977 = arith.index_cast %parallel_loop3A_1976 : i32 to index
        %parallel_loop3A_1978 = arith.constant 704 : index
        %parallel_loop3A_1979 = tpu.vector_load %arg7[%parallel_loop3A_1977, %parallel_loop3A_1978] {strides = array<i32>} : memref<32x768xf32, #tpu.memory_space<vmem>>, vector<1x16xf32>,
        %parallel_loop3A_1980 = vector.shape_cast %parallel_loop3A_1979 : vector<1x16xf32> to vector<16xf32>
        %parallel_loop3A_1981 = arith.addi %mul3A_252, %parallel_loop3A_347 : i32
        %parallel_loop3A_1982 = arith.index_cast %parallel_loop3A_1981 : i32 to index
        %parallel_loop3A_1983 = arith.constant 720 : index
        %parallel_loop3A_1984 = tpu.vector_load %arg7[%parallel_loop3A_1982, %parallel_loop3A_1983] {strides = array<i32>} : memref<32x768xf32, #tpu.memory_space<vmem>>, vector<1x16xf32>,
        %parallel_loop3A_1985 = vector.shape_cast %parallel_loop3A_1984 : vector<1x16xf32> to vector<16xf32>
        %parallel_loop3A_1986 = arith.addi %mul3A_252, %parallel_loop3A_347 : i32
        %parallel_loop3A_1987 = arith.index_cast %parallel_loop3A_1986 : i32 to index
        %parallel_loop3A_1988 = arith.constant 736 : index
        %parallel_loop3A_1989 = tpu.vector_load %arg7[%parallel_loop3A_1987, %parallel_loop3A_1988] {strides = array<i32>} : memref<32x768xf32, #tpu.memory_space<vmem>>, vector<1x16xf32>,
        %parallel_loop3A_1990 = vector.shape_cast %parallel_loop3A_1989 : vector<1x16xf32> to vector<16xf32>
        %parallel_loop3A_1991 = arith.addi %mul3A_252, %parallel_loop3A_347 : i32
        %parallel_loop3A_1992 = arith.index_cast %parallel_loop3A_1991 : i32 to index
        %parallel_loop3A_1993 = arith.constant 752 : index
        %parallel_loop3A_1994 = tpu.vector_load %arg7[%parallel_loop3A_1992, %parallel_loop3A_1993] {strides = array<i32>} : memref<32x768xf32, #tpu.memory_space<vmem>>, vector<1x16xf32>,
        %parallel_loop3A_1995 = vector.shape_cast %parallel_loop3A_1994 : vector<1x16xf32> to vector<16xf32>
        %parallel_loop3A_1996 = arith.constant 0 : i32
        %parallel_loop3A_1997 = arith.addi %mul3A_250, %parallel_loop3A_1996 : i32
        %parallel_loop3A_1998 = arith.addi %parallel_loop3A_1997, %parallel_loop3A_347 : i32
        %parallel_loop3A_1999 = arith.index_cast %parallel_loop3A_1998 : i32 to index
        %parallel_loop3A_2000 = arith.constant 704 : index
        %parallel_loop3A_2001 = tpu.vector_load %arg8[%parallel_loop3A_1999, %parallel_loop3A_2000] {strides = array<i32>} : memref<128x768xf32, #tpu.memory_space<vmem>>, vector<1x16xf32>,
        %parallel_loop3A_2002 = vector.shape_cast %parallel_loop3A_2001 : vector<1x16xf32> to vector<16xf32>
        %parallel_loop3A_2003 = vector.shape_cast %parallel_loop3A_1980 : vector<16xf32> to vector<1x16xf32>
        tpu.vector_store %arg8[%parallel_loop3A_1999, %parallel_loop3A_2000], %parallel_loop3A_2003 {add = true, strides = array<i32>} : memref<128x768xf32, #tpu.memory_space<vmem>>, vector<1x16xf32>,
        %parallel_loop3A_2004 = arith.constant 8 : i32
        %parallel_loop3A_2005 = arith.addi %mul3A_250, %parallel_loop3A_2004 : i32
        %parallel_loop3A_2006 = arith.addi %parallel_loop3A_2005, %parallel_loop3A_347 : i32
        %parallel_loop3A_2007 = arith.index_cast %parallel_loop3A_2006 : i32 to index
        %parallel_loop3A_2008 = arith.constant 704 : index
        %parallel_loop3A_2009 = tpu.vector_load %arg8[%parallel_loop3A_2007, %parallel_loop3A_2008] {strides = array<i32>} : memref<128x768xf32, #tpu.memory_space<vmem>>, vector<1x16xf32>,
        %parallel_loop3A_2010 = vector.shape_cast %parallel_loop3A_2009 : vector<1x16xf32> to vector<16xf32>
        %parallel_loop3A_2011 = vector.shape_cast %parallel_loop3A_1980 : vector<16xf32> to vector<1x16xf32>
        tpu.vector_store %arg8[%parallel_loop3A_2007, %parallel_loop3A_2008], %parallel_loop3A_2011 {add = true, strides = array<i32>} : memref<128x768xf32, #tpu.memory_space<vmem>>, vector<1x16xf32>,
        %parallel_loop3A_2012 = arith.constant 16 : i32
        %parallel_loop3A_2013 = arith.addi %mul3A_250, %parallel_loop3A_2012 : i32
        %parallel_loop3A_2014 = arith.addi %parallel_loop3A_2013, %parallel_loop3A_347 : i32
        %parallel_loop3A_2015 = arith.index_cast %parallel_loop3A_2014 : i32 to index
        %parallel_loop3A_2016 = arith.constant 704 : index
        %parallel_loop3A_2017 = tpu.vector_load %arg8[%parallel_loop3A_2015, %parallel_loop3A_2016] {strides = array<i32>} : memref<128x768xf32, #tpu.memory_space<vmem>>, vector<1x16xf32>,
        %parallel_loop3A_2018 = vector.shape_cast %parallel_loop3A_2017 : vector<1x16xf32> to vector<16xf32>
        %parallel_loop3A_2019 = vector.shape_cast %parallel_loop3A_1980 : vector<16xf32> to vector<1x16xf32>
        tpu.vector_store %arg8[%parallel_loop3A_2015, %parallel_loop3A_2016], %parallel_loop3A_2019 {add = true, strides = array<i32>} : memref<128x768xf32, #tpu.memory_space<vmem>>, vector<1x16xf32>,
        %parallel_loop3A_2020 = arith.constant 24 : i32
        %parallel_loop3A_2021 = arith.addi %mul3A_250, %parallel_loop3A_2020 : i32
        %parallel_loop3A_2022 = arith.addi %parallel_loop3A_2021, %parallel_loop3A_347 : i32
        %parallel_loop3A_2023 = arith.index_cast %parallel_loop3A_2022 : i32 to index
        %parallel_loop3A_2024 = arith.constant 704 : index
        %parallel_loop3A_2025 = tpu.vector_load %arg8[%parallel_loop3A_2023, %parallel_loop3A_2024] {strides = array<i32>} : memref<128x768xf32, #tpu.memory_space<vmem>>, vector<1x16xf32>,
        %parallel_loop3A_2026 = vector.shape_cast %parallel_loop3A_2025 : vector<1x16xf32> to vector<16xf32>
        %parallel_loop3A_2027 = vector.shape_cast %parallel_loop3A_1980 : vector<16xf32> to vector<1x16xf32>
        tpu.vector_store %arg8[%parallel_loop3A_2023, %parallel_loop3A_2024], %parallel_loop3A_2027 {add = true, strides = array<i32>} : memref<128x768xf32, #tpu.memory_space<vmem>>, vector<1x16xf32>,
        %parallel_loop3A_2028 = arith.constant 0 : i32
        %parallel_loop3A_2029 = arith.addi %mul3A_250, %parallel_loop3A_2028 : i32
        %parallel_loop3A_2030 = arith.addi %parallel_loop3A_2029, %parallel_loop3A_347 : i32
        %parallel_loop3A_2031 = arith.index_cast %parallel_loop3A_2030 : i32 to index
        %parallel_loop3A_2032 = arith.constant 720 : index
        %parallel_loop3A_2033 = tpu.vector_load %arg8[%parallel_loop3A_2031, %parallel_loop3A_2032] {strides = array<i32>} : memref<128x768xf32, #tpu.memory_space<vmem>>, vector<1x16xf32>,
        %parallel_loop3A_2034 = vector.shape_cast %parallel_loop3A_2033 : vector<1x16xf32> to vector<16xf32>
        %parallel_loop3A_2035 = vector.shape_cast %parallel_loop3A_1985 : vector<16xf32> to vector<1x16xf32>
        tpu.vector_store %arg8[%parallel_loop3A_2031, %parallel_loop3A_2032], %parallel_loop3A_2035 {add = true, strides = array<i32>} : memref<128x768xf32, #tpu.memory_space<vmem>>, vector<1x16xf32>,
        %parallel_loop3A_2036 = arith.constant 8 : i32
        %parallel_loop3A_2037 = arith.addi %mul3A_250, %parallel_loop3A_2036 : i32
        %parallel_loop3A_2038 = arith.addi %parallel_loop3A_2037, %parallel_loop3A_347 : i32
        %parallel_loop3A_2039 = arith.index_cast %parallel_loop3A_2038 : i32 to index
        %parallel_loop3A_2040 = arith.constant 720 : index
        %parallel_loop3A_2041 = tpu.vector_load %arg8[%parallel_loop3A_2039, %parallel_loop3A_2040] {strides = array<i32>} : memref<128x768xf32, #tpu.memory_space<vmem>>, vector<1x16xf32>,
        %parallel_loop3A_2042 = vector.shape_cast %parallel_loop3A_2041 : vector<1x16xf32> to vector<16xf32>
        %parallel_loop3A_2043 = vector.shape_cast %parallel_loop3A_1985 : vector<16xf32> to vector<1x16xf32>
        tpu.vector_store %arg8[%parallel_loop3A_2039, %parallel_loop3A_2040], %parallel_loop3A_2043 {add = true, strides = array<i32>} : memref<128x768xf32, #tpu.memory_space<vmem>>, vector<1x16xf32>,
        %parallel_loop3A_2044 = arith.constant 16 : i32
        %parallel_loop3A_2045 = arith.addi %mul3A_250, %parallel_loop3A_2044 : i32
        %parallel_loop3A_2046 = arith.addi %parallel_loop3A_2045, %parallel_loop3A_347 : i32
        %parallel_loop3A_2047 = arith.index_cast %parallel_loop3A_2046 : i32 to index
        %parallel_loop3A_2048 = arith.constant 720 : index
        %parallel_loop3A_2049 = tpu.vector_load %arg8[%parallel_loop3A_2047, %parallel_loop3A_2048] {strides = array<i32>} : memref<128x768xf32, #tpu.memory_space<vmem>>, vector<1x16xf32>,
        %parallel_loop3A_2050 = vector.shape_cast %parallel_loop3A_2049 : vector<1x16xf32> to vector<16xf32>
        %parallel_loop3A_2051 = vector.shape_cast %parallel_loop3A_1985 : vector<16xf32> to vector<1x16xf32>
        tpu.vector_store %arg8[%parallel_loop3A_2047, %parallel_loop3A_2048], %parallel_loop3A_2051 {add = true, strides = array<i32>} : memref<128x768xf32, #tpu.memory_space<vmem>>, vector<1x16xf32>,
        %parallel_loop3A_2052 = arith.constant 24 : i32
        %parallel_loop3A_2053 = arith.addi %mul3A_250, %parallel_loop3A_2052 : i32
        %parallel_loop3A_2054 = arith.addi %parallel_loop3A_2053, %parallel_loop3A_347 : i32
        %parallel_loop3A_2055 = arith.index_cast %parallel_loop3A_2054 : i32 to index
        %parallel_loop3A_2056 = arith.constant 720 : index
        %parallel_loop3A_2057 = tpu.vector_load %arg8[%parallel_loop3A_2055, %parallel_loop3A_2056] {strides = array<i32>} : memref<128x768xf32, #tpu.memory_space<vmem>>, vector<1x16xf32>,
        %parallel_loop3A_2058 = vector.shape_cast %parallel_loop3A_2057 : vector<1x16xf32> to vector<16xf32>
        %parallel_loop3A_2059 = vector.shape_cast %parallel_loop3A_1985 : vector<16xf32> to vector<1x16xf32>
        tpu.vector_store %arg8[%parallel_loop3A_2055, %parallel_loop3A_2056], %parallel_loop3A_2059 {add = true, strides = array<i32>} : memref<128x768xf32, #tpu.memory_space<vmem>>, vector<1x16xf32>,
        %parallel_loop3A_2060 = arith.constant 0 : i32
        %parallel_loop3A_2061 = arith.addi %mul3A_250, %parallel_loop3A_2060 : i32
        %parallel_loop3A_2062 = arith.addi %parallel_loop3A_2061, %parallel_loop3A_347 : i32
        %parallel_loop3A_2063 = arith.index_cast %parallel_loop3A_2062 : i32 to index
        %parallel_loop3A_2064 = arith.constant 736 : index
        %parallel_loop3A_2065 = tpu.vector_load %arg8[%parallel_loop3A_2063, %parallel_loop3A_2064] {strides = array<i32>} : memref<128x768xf32, #tpu.memory_space<vmem>>, vector<1x16xf32>,
        %parallel_loop3A_2066 = vector.shape_cast %parallel_loop3A_2065 : vector<1x16xf32> to vector<16xf32>
        %parallel_loop3A_2067 = vector.shape_cast %parallel_loop3A_1990 : vector<16xf32> to vector<1x16xf32>
        tpu.vector_store %arg8[%parallel_loop3A_2063, %parallel_loop3A_2064], %parallel_loop3A_2067 {add = true, strides = array<i32>} : memref<128x768xf32, #tpu.memory_space<vmem>>, vector<1x16xf32>,
        %parallel_loop3A_2068 = arith.constant 8 : i32
        %parallel_loop3A_2069 = arith.addi %mul3A_250, %parallel_loop3A_2068 : i32
        %parallel_loop3A_2070 = arith.addi %parallel_loop3A_2069, %parallel_loop3A_347 : i32
        %parallel_loop3A_2071 = arith.index_cast %parallel_loop3A_2070 : i32 to index
        %parallel_loop3A_2072 = arith.constant 736 : index
        %parallel_loop3A_2073 = tpu.vector_load %arg8[%parallel_loop3A_2071, %parallel_loop3A_2072] {strides = array<i32>} : memref<128x768xf32, #tpu.memory_space<vmem>>, vector<1x16xf32>,
        %parallel_loop3A_2074 = vector.shape_cast %parallel_loop3A_2073 : vector<1x16xf32> to vector<16xf32>
        %parallel_loop3A_2075 = vector.shape_cast %parallel_loop3A_1990 : vector<16xf32> to vector<1x16xf32>
        tpu.vector_store %arg8[%parallel_loop3A_2071, %parallel_loop3A_2072], %parallel_loop3A_2075 {add = true, strides = array<i32>} : memref<128x768xf32, #tpu.memory_space<vmem>>, vector<1x16xf32>,
        %parallel_loop3A_2076 = arith.constant 16 : i32
        %parallel_loop3A_2077 = arith.addi %mul3A_250, %parallel_loop3A_2076 : i32
        %parallel_loop3A_2078 = arith.addi %parallel_loop3A_2077, %parallel_loop3A_347 : i32
        %parallel_loop3A_2079 = arith.index_cast %parallel_loop3A_2078 : i32 to index
        %parallel_loop3A_2080 = arith.constant 736 : index
        %parallel_loop3A_2081 = tpu.vector_load %arg8[%parallel_loop3A_2079, %parallel_loop3A_2080] {strides = array<i32>} : memref<128x768xf32, #tpu.memory_space<vmem>>, vector<1x16xf32>,
        %parallel_loop3A_2082 = vector.shape_cast %parallel_loop3A_2081 : vector<1x16xf32> to vector<16xf32>
        %parallel_loop3A_2083 = vector.shape_cast %parallel_loop3A_1990 : vector<16xf32> to vector<1x16xf32>
        tpu.vector_store %arg8[%parallel_loop3A_2079, %parallel_loop3A_2080], %parallel_loop3A_2083 {add = true, strides = array<i32>} : memref<128x768xf32, #tpu.memory_space<vmem>>, vector<1x16xf32>,
        %parallel_loop3A_2084 = arith.constant 24 : i32
        %parallel_loop3A_2085 = arith.addi %mul3A_250, %parallel_loop3A_2084 : i32
        %parallel_loop3A_2086 = arith.addi %parallel_loop3A_2085, %parallel_loop3A_347 : i32
        %parallel_loop3A_2087 = arith.index_cast %parallel_loop3A_2086 : i32 to index
        %parallel_loop3A_2088 = arith.constant 736 : index
        %parallel_loop3A_2089 = tpu.vector_load %arg8[%parallel_loop3A_2087, %parallel_loop3A_2088] {strides = array<i32>} : memref<128x768xf32, #tpu.memory_space<vmem>>, vector<1x16xf32>,
        %parallel_loop3A_2090 = vector.shape_cast %parallel_loop3A_2089 : vector<1x16xf32> to vector<16xf32>
        %parallel_loop3A_2091 = vector.shape_cast %parallel_loop3A_1990 : vector<16xf32> to vector<1x16xf32>
        tpu.vector_store %arg8[%parallel_loop3A_2087, %parallel_loop3A_2088], %parallel_loop3A_2091 {add = true, strides = array<i32>} : memref<128x768xf32, #tpu.memory_space<vmem>>, vector<1x16xf32>,
        %parallel_loop3A_2092 = arith.constant 0 : i32
        %parallel_loop3A_2093 = arith.addi %mul3A_250, %parallel_loop3A_2092 : i32
        %parallel_loop3A_2094 = arith.addi %parallel_loop3A_2093, %parallel_loop3A_347 : i32
        %parallel_loop3A_2095 = arith.index_cast %parallel_loop3A_2094 : i32 to index
        %parallel_loop3A_2096 = arith.constant 752 : index
        %parallel_loop3A_2097 = tpu.vector_load %arg8[%parallel_loop3A_2095, %parallel_loop3A_2096] {strides = array<i32>} : memref<128x768xf32, #tpu.memory_space<vmem>>, vector<1x16xf32>,
        %parallel_loop3A_2098 = vector.shape_cast %parallel_loop3A_2097 : vector<1x16xf32> to vector<16xf32>
        %parallel_loop3A_2099 = vector.shape_cast %parallel_loop3A_1995 : vector<16xf32> to vector<1x16xf32>
        tpu.vector_store %arg8[%parallel_loop3A_2095, %parallel_loop3A_2096], %parallel_loop3A_2099 {add = true, strides = array<i32>} : memref<128x768xf32, #tpu.memory_space<vmem>>, vector<1x16xf32>,
        %parallel_loop3A_2100 = arith.constant 8 : i32
        %parallel_loop3A_2101 = arith.addi %mul3A_250, %parallel_loop3A_2100 : i32
        %parallel_loop3A_2102 = arith.addi %parallel_loop3A_2101, %parallel_loop3A_347 : i32
        %parallel_loop3A_2103 = arith.index_cast %parallel_loop3A_2102 : i32 to index
        %parallel_loop3A_2104 = arith.constant 752 : index
        %parallel_loop3A_2105 = tpu.vector_load %arg8[%parallel_loop3A_2103, %parallel_loop3A_2104] {strides = array<i32>} : memref<128x768xf32, #tpu.memory_space<vmem>>, vector<1x16xf32>,
        %parallel_loop3A_2106 = vector.shape_cast %parallel_loop3A_2105 : vector<1x16xf32> to vector<16xf32>
        %parallel_loop3A_2107 = vector.shape_cast %parallel_loop3A_1995 : vector<16xf32> to vector<1x16xf32>
        tpu.vector_store %arg8[%parallel_loop3A_2103, %parallel_loop3A_2104], %parallel_loop3A_2107 {add = true, strides = array<i32>} : memref<128x768xf32, #tpu.memory_space<vmem>>, vector<1x16xf32>,
        %parallel_loop3A_2108 = arith.constant 16 : i32
        %parallel_loop3A_2109 = arith.addi %mul3A_250, %parallel_loop3A_2108 : i32
        %parallel_loop3A_2110 = arith.addi %parallel_loop3A_2109, %parallel_loop3A_347 : i32
        %parallel_loop3A_2111 = arith.index_cast %parallel_loop3A_2110 : i32 to index
        %parallel_loop3A_2112 = arith.constant 752 : index
        %parallel_loop3A_2113 = tpu.vector_load %arg8[%parallel_loop3A_2111, %parallel_loop3A_2112] {strides = array<i32>} : memref<128x768xf32, #tpu.memory_space<vmem>>, vector<1x16xf32>,
        %parallel_loop3A_2114 = vector.shape_cast %parallel_loop3A_2113 : vector<1x16xf32> to vector<16xf32>
        %parallel_loop3A_2115 = vector.shape_cast %parallel_loop3A_1995 : vector<16xf32> to vector<1x16xf32>
        tpu.vector_store %arg8[%parallel_loop3A_2111, %parallel_loop3A_2112], %parallel_loop3A_2115 {add = true, strides = array<i32>} : memref<128x768xf32, #tpu.memory_space<vmem>>, vector<1x16xf32>,
        %parallel_loop3A_2116 = arith.constant 24 : i32
        %parallel_loop3A_2117 = arith.addi %mul3A_250, %parallel_loop3A_2116 : i32
        %parallel_loop3A_2118 = arith.addi %parallel_loop3A_2117, %parallel_loop3A_347 : i32
        %parallel_loop3A_2119 = arith.index_cast %parallel_loop3A_2118 : i32 to index
        %parallel_loop3A_2120 = arith.constant 752 : index
        %parallel_loop3A_2121 = tpu.vector_load %arg8[%parallel_loop3A_2119, %parallel_loop3A_2120] {strides = array<i32>} : memref<128x768xf32, #tpu.memory_space<vmem>>, vector<1x16xf32>,
        %parallel_loop3A_2122 = vector.shape_cast %parallel_loop3A_2121 : vector<1x16xf32> to vector<16xf32>
        %parallel_loop3A_2123 = vector.shape_cast %parallel_loop3A_1995 : vector<16xf32> to vector<1x16xf32>
        tpu.vector_store %arg8[%parallel_loop3A_2119, %parallel_loop3A_2120], %parallel_loop3A_2123 {add = true, strides = array<i32>} : memref<128x768xf32, #tpu.memory_space<vmem>>, vector<1x16xf32>,
      } {sc.loop_unroll_factor = 2 : i64, sc.parallel_access}
      %add3A_287 = arith.constant 0 : i32
      %add3A_288 = arith.addi %mul3A_250, %add3A_287 : i32
      %add3A_289 = arith.constant 0 : i32
      %add3A_290 = arith.addi %add3A_289, %mul3A_2 : i32
      %mul3A_291 = arith.constant 8 : i32
      %mul3A_292 = arith.muli %add3A_246, %mul3A_291 : i32
      %add3A_293 = arith.addi %add3A_290, %mul3A_292 : i32
      %dma_start3A_294 = arith.constant 0 : i32
      %dma_start3A_295 = tpu.memref_slice %arg8[%add3A_288, %dma_start3A_294] : memref<128x768xf32, #tpu.memory_space<vmem>> -> memref<8x768xf32, #tpu.memory_space<vmem>>
      %dma_start3A_296 = arith.constant 0 : i32
      %dma_start3A_297 = tpu.memref_slice %arg5[%add3A_293, %dma_start3A_296] : memref<16384x768xf32, #tpu.memory_space<hbm>> -> memref<8x768xf32, #tpu.memory_space<hbm>>
      %dma_start3A_298 = arith.constant 0 : i32
      %dma_start3A_299 = tpu.memref_slice %arg5[%add3A_293, %dma_start3A_298] : memref<16384x768xf32, #tpu.memory_space<hbm>> -> memref<8x768xf32, #tpu.memory_space<hbm>>
      %dma_start3A_300 = arith.constant 0 : i32
      %dma_start3A_301 = tpu.memref_slice %arg8[%add3A_288, %dma_start3A_300] : memref<128x768xf32, #tpu.memory_space<vmem>> -> memref<8x768xf32, #tpu.memory_space<vmem>>
      tpu.enqueue_dma source(%dma_start3A_301 : memref<8x768xf32, #tpu.memory_space<vmem>>) target(%dma_start3A_299 : memref<8x768xf32, #tpu.memory_space<hbm>>) target_semaphore(%arg10 : memref<!tpu.dma_semaphore, #tpu.memory_space<semaphore_mem>>)
      %add3A_302 = arith.constant 8 : i32
      %add3A_303 = arith.addi %mul3A_250, %add3A_302 : i32
      %add3A_304 = arith.constant 4096 : i32
      %add3A_305 = arith.addi %add3A_304, %mul3A_2 : i32
      %mul3A_306 = arith.constant 8 : i32
      %mul3A_307 = arith.muli %add3A_246, %mul3A_306 : i32
      %add3A_308 = arith.addi %add3A_305, %mul3A_307 : i32
      %dma_start3A_309 = arith.constant 0 : i32
      %dma_start3A_310 = tpu.memref_slice %arg8[%add3A_303, %dma_start3A_309] : memref<128x768xf32, #tpu.memory_space<vmem>> -> memref<8x768xf32, #tpu.memory_space<vmem>>
      %dma_start3A_311 = arith.constant 0 : i32
      %dma_start3A_312 = tpu.memref_slice %arg5[%add3A_308, %dma_start3A_311] : memref<16384x768xf32, #tpu.memory_space<hbm>> -> memref<8x768xf32, #tpu.memory_space<hbm>>
      %dma_start3A_313 = arith.constant 0 : i32
      %dma_start3A_314 = tpu.memref_slice %arg5[%add3A_308, %dma_start3A_313] : memref<16384x768xf32, #tpu.memory_space<hbm>> -> memref<8x768xf32, #tpu.memory_space<hbm>>
      %dma_start3A_315 = arith.constant 0 : i32
      %dma_start3A_316 = tpu.memref_slice %arg8[%add3A_303, %dma_start3A_315] : memref<128x768xf32, #tpu.memory_space<vmem>> -> memref<8x768xf32, #tpu.memory_space<vmem>>
      tpu.enqueue_dma source(%dma_start3A_316 : memref<8x768xf32, #tpu.memory_space<vmem>>) target(%dma_start3A_314 : memref<8x768xf32, #tpu.memory_space<hbm>>) target_semaphore(%arg10 : memref<!tpu.dma_semaphore, #tpu.memory_space<semaphore_mem>>)
      %add3A_317 = arith.constant 16 : i32
      %add3A_318 = arith.addi %mul3A_250, %add3A_317 : i32
      %add3A_319 = arith.constant 8192 : i32
      %add3A_320 = arith.addi %add3A_319, %mul3A_2 : i32
      %mul3A_321 = arith.constant 8 : i32
      %mul3A_322 = arith.muli %add3A_246, %mul3A_321 : i32
      %add3A_323 = arith.addi %add3A_320, %mul3A_322 : i32
      %dma_start3A_324 = arith.constant 0 : i32
      %dma_start3A_325 = tpu.memref_slice %arg8[%add3A_318, %dma_start3A_324] : memref<128x768xf32, #tpu.memory_space<vmem>> -> memref<8x768xf32, #tpu.memory_space<vmem>>
      %dma_start3A_326 = arith.constant 0 : i32
      %dma_start3A_327 = tpu.memref_slice %arg5[%add3A_323, %dma_start3A_326] : memref<16384x768xf32, #tpu.memory_space<hbm>> -> memref<8x768xf32, #tpu.memory_space<hbm>>
      %dma_start3A_328 = arith.constant 0 : i32
      %dma_start3A_329 = tpu.memref_slice %arg5[%add3A_323, %dma_start3A_328] : memref<16384x768xf32, #tpu.memory_space<hbm>> -> memref<8x768xf32, #tpu.memory_space<hbm>>
      %dma_start3A_330 = arith.constant 0 : i32
      %dma_start3A_331 = tpu.memref_slice %arg8[%add3A_318, %dma_start3A_330] : memref<128x768xf32, #tpu.memory_space<vmem>> -> memref<8x768xf32, #tpu.memory_space<vmem>>
      tpu.enqueue_dma source(%dma_start3A_331 : memref<8x768xf32, #tpu.memory_space<vmem>>) target(%dma_start3A_329 : memref<8x768xf32, #tpu.memory_space<hbm>>) target_semaphore(%arg10 : memref<!tpu.dma_semaphore, #tpu.memory_space<semaphore_mem>>)
      %add3A_332 = arith.constant 24 : i32
      %add3A_333 = arith.addi %mul3A_250, %add3A_332 : i32
      %add3A_334 = arith.constant 12288 : i32
      %add3A_335 = arith.addi %add3A_334, %mul3A_2 : i32
      %mul3A_336 = arith.constant 8 : i32
      %mul3A_337 = arith.muli %add3A_246, %mul3A_336 : i32
      %add3A_338 = arith.addi %add3A_335, %mul3A_337 : i32
      %dma_start3A_339 = arith.constant 0 : i32
      %dma_start3A_340 = tpu.memref_slice %arg8[%add3A_333, %dma_start3A_339] : memref<128x768xf32, #tpu.memory_space<vmem>> -> memref<8x768xf32, #tpu.memory_space<vmem>>
      %dma_start3A_341 = arith.constant 0 : i32
      %dma_start3A_342 = tpu.memref_slice %arg5[%add3A_338, %dma_start3A_341] : memref<16384x768xf32, #tpu.memory_space<hbm>> -> memref<8x768xf32, #tpu.memory_space<hbm>>
      %dma_start3A_343 = arith.constant 0 : i32
      %dma_start3A_344 = tpu.memref_slice %arg5[%add3A_338, %dma_start3A_343] : memref<16384x768xf32, #tpu.memory_space<hbm>> -> memref<8x768xf32, #tpu.memory_space<hbm>>
      %dma_start3A_345 = arith.constant 0 : i32
      %dma_start3A_346 = tpu.memref_slice %arg8[%add3A_333, %dma_start3A_345] : memref<128x768xf32, #tpu.memory_space<vmem>> -> memref<8x768xf32, #tpu.memory_space<vmem>>
      tpu.enqueue_dma source(%dma_start3A_346 : memref<8x768xf32, #tpu.memory_space<vmem>>) target(%dma_start3A_344 : memref<8x768xf32, #tpu.memory_space<hbm>>) target_semaphore(%arg10 : memref<!tpu.dma_semaphore, #tpu.memory_space<semaphore_mem>>)
    }
    %scan3A_217 = arith.constant 16 : i32
    %dma_wait3A_218 = arith.constant 0 : i32
    %dma_wait3A_219 = arith.constant 0 : i32
    %dma_wait3A_220 = tpu.memref_slice %arg8[%dma_wait3A_218, %dma_wait3A_219] : memref<128x768xf32, #tpu.memory_space<vmem>> -> memref<32x768xf32, #tpu.memory_space<vmem>>
    %dma_wait3A_221 = arith.constant 0 : i32
    %dma_wait3A_222 = arith.constant 0 : i32
    %dma_wait3A_223 = tpu.memref_slice %arg5[%dma_wait3A_221, %dma_wait3A_222] : memref<16384x768xf32, #tpu.memory_space<hbm>> -> memref<32x768xf32, #tpu.memory_space<hbm>>
    %dma_wait3A_224 = arith.constant 0 : i32
    %dma_wait3A_225 = arith.constant 0 : i32
    %dma_wait3A_226 = tpu.memref_slice %arg5[%dma_wait3A_224, %dma_wait3A_225] : memref<16384x768xf32, #tpu.memory_space<hbm>> -> memref<32x768xf32, #tpu.memory_space<hbm>>
    %dma_wait3A_227 = arith.constant 0 : i32
    %dma_wait3A_228 = arith.constant 0 : i32
    %dma_wait3A_229 = tpu.memref_slice %arg8[%dma_wait3A_227, %dma_wait3A_228] : memref<128x768xf32, #tpu.memory_space<vmem>> -> memref<32x768xf32, #tpu.memory_space<vmem>>
    tpu.wait_dma2 semaphore(%arg10 : memref<!tpu.dma_semaphore, #tpu.memory_space<semaphore_mem>>) src(%dma_wait3A_229 : memref<32x768xf32, #tpu.memory_space<vmem>>) dst(%dma_wait3A_226 : memref<32x768xf32, #tpu.memory_space<hbm>>)
    %dma_wait3A_230 = arith.constant 0 : i32
    %dma_wait3A_231 = arith.constant 0 : i32
    %dma_wait3A_232 = tpu.memref_slice %arg8[%dma_wait3A_230, %dma_wait3A_231] : memref<128x768xf32, #tpu.memory_space<vmem>> -> memref<32x768xf32, #tpu.memory_space<vmem>>
    %dma_wait3A_233 = arith.constant 0 : i32
    %dma_wait3A_234 = arith.constant 0 : i32
    %dma_wait3A_235 = tpu.memref_slice %arg5[%dma_wait3A_233, %dma_wait3A_234] : memref<16384x768xf32, #tpu.memory_space<hbm>> -> memref<32x768xf32, #tpu.memory_space<hbm>>
    %dma_wait3A_236 = arith.constant 0 : i32
    %dma_wait3A_237 = arith.constant 0 : i32
    %dma_wait3A_238 = tpu.memref_slice %arg5[%dma_wait3A_236, %dma_wait3A_237] : memref<16384x768xf32, #tpu.memory_space<hbm>> -> memref<32x768xf32, #tpu.memory_space<hbm>>
    %dma_wait3A_239 = arith.constant 0 : i32
    %dma_wait3A_240 = arith.constant 0 : i32
    %dma_wait3A_241 = tpu.memref_slice %arg8[%dma_wait3A_239, %dma_wait3A_240] : memref<128x768xf32, #tpu.memory_space<vmem>> -> memref<32x768xf32, #tpu.memory_space<vmem>>
    tpu.wait_dma2 semaphore(%arg10 : memref<!tpu.dma_semaphore, #tpu.memory_space<semaphore_mem>>) src(%dma_wait3A_241 : memref<32x768xf32, #tpu.memory_space<vmem>>) dst(%dma_wait3A_238 : memref<32x768xf32, #tpu.memory_space<hbm>>)
    return
  }
}

</mosaic_0001>

<sc_bundles>
// kernel: _emb.3.cloned.1.call-start
scs
__scs_entry_jumppad:
0x0: {  	(pc) =	sbr.rel $0x88, $3  }
0x1: {  	(tag) =	ssettag $0x0;
	lr =	simm.s32 $0x1  }
0x2: {  	[smem:$0x3F9E] =	sst lr;
	_ =	strace $0xD0000000  }
0x3: {  	_ = 	snop  }
0x4: {  	_ = 	snop  }
0x5: {  	_ = 	snop  }
0x6: {  	_ = 	snop  }
0x7: {  	_ = 	snop  }
__scs_overlays_trampoline_lowered:
0x8: {  	[smem:$0x3FAD] =	sst s0  }
0x9: {  	[smem:$0x3FAE] =	sst s1  }
0xa: {  	[smem:$0x3FAF] =	sst s2  }
0xb: {  	[smem:$0x3FB0] =	sst s3  }
0xc: {  	[smem:$0x3FB1] =	sst s4  }
0xd: {  	[smem:$0x3FB2] =	sst s5  }
0xe: {  	[smem:$0x3FB3] =	sst s6  }
0xf: {  	[smem:$0x3FB4] =	sst s7  }
0x10: {  	[smem:$0x3FB5] =	sst s8  }
0x11: {  	[smem:$0x3FB6] =	sst s9;
	s0 =	simm.s32 @!p0 $0x0  }
0x12: {  	s1 =	sld [smem:$0x3F9C];
	s0 =	simm.s32 @p0 $0x1  }
0x13: {  	[smem:$0x3FB7] =	sst s0;
	s0 =	simm.s32 @!p1 $0x0  }
0x14: {  	s2 =	sld [smem:$0x3F9B];
	s0 =	simm.s32 @p1 $0x1  }
0x15: {  	[smem:$0x3FB8] =	sst s0;
	s0 =	simm.s32 @!p2 $0x0  }
0x16: {  	s3 =	sld [smem:$0x3FDB];
	s0 =	simm.s32 @p2 $0x1  }
0x17: {  	s4 =	simm.s32 $0x1BF5;
	[smem:$0x3FBA] =	sst s0  }
0x18: {  	s0 =	sld [smem:$0x3F9D];
	_ =	swait.ge [sflag:s4], $0x0  }
0x19: {  	s7 =	sld [smem:$0x3F9E]  }
0x1a: {  	s8 =	sadd.s32 $0xFFFFE003, lr  }
0x1b: {  	s9 =	sadd.s32 $0xFFFFFEF7, lr;
	s5 =	simm.s32 $0xFFFFFFFF;
	p2 =	slt.u32 s8, $0xFFFFF086  }
0x1c: {  	p1 =	slt.u32 s9, $0xF7A;
	s5 =	simm.s32 @!p2 $0x0  }
0x1d: {  	s5 =	simm.s32 @p1 $0x1;
	p0 =	seq.s32 s7, s2  }
0x1e: {  	s7 =	smul.u32 @!p0 $0xF7A, s2;
	p2 =	seq.s32 @!p0 s5, $0x0  }
0x1f: {  	s9 =	smul.u32 $0xF7A, s1;
	s8 =	simm.s32 @!p0 $0x1BF5;
	p2 =	por !p2, p0  }
0x20: {  	[sflag:s8] =	ssyncset.s32 @!p0 $0xFFFFF086;
	s6 =	sadd.s32 @!p0 s3, s7;
	s7 =	simm.s32 @!p0 $0x108  }
0x21: {  	s3 =	sadd.s32 s3, s9;
	s6 =	sadd.s32 @!p0 $0x88, s6;
	s7 =	simm.s32 @p2 $0x1082  }
0x22: {  	[simem:s7], [sflag:s8] =	dma.local @!p0 [hbm:s6], $0xF7A  }
0x23: {  	s9 =	sor.u32 $0xD0000000, s2;
	s6 =	simm.s32 $0x108;
	_ =	swait.ge @!p0 [sflag:s8], $0x0  }
0x24: {  	s3 =	sadd.s32 $0x88, s3;
	s6 =	simm.s32 @!p1 $0x1082;
	[sflag:s4] =	ssyncset.s32 $0xFFFFF086  }
0x25: {  	[simem:s6], [sflag:s4] =	dma.local [hbm:s3], $0xF7A  }
0x26: {  	[smem:$0x3F9E] =	sst s1;
	(tag) =	ssettag s2;
	_ =	strace s9  }
0x27: {  	s1 =	sld [smem:$0x3FAE]  }
0x28: {  	s2 =	sld [smem:$0x3FAF]  }
0x29: {  	s4 =	sld [smem:$0x3FB1]  }
0x2a: {  	p0 =	seq.s32 s5, $0x0;
	s5 =	sld [smem:$0x3FB2]  }
0x2b: {  	s6 =	sld [smem:$0x3FB3]  }
0x2c: {  	s7 =	sld [smem:$0x3FB4]  }
0x2d: {  	s3 =	simm.s32 $0x108;
	s8 =	sld [smem:$0x3FB5]  }
0x2e: {  	s3 =	simm.s32 @!p0 $0x1082;
	s9 =	sld [smem:$0x3FB6]  }
0x2f: {  	lr =	sadd.s32 s0, s3;
	s0 =	sld [smem:$0x3FAD]  }
0x30: {  	s3 =	sld [smem:$0x3FB0]  }
0x31: {  	[smem:$0x3FB9] =	sst s10  }
0x32: {  	s10 =	sld [smem:$0x3FB7];
	_ =	sdelay $0x3  }
0x33: {  	p0 =	seq.s32 s10, $0x1;
	s10 =	sld [smem:$0x3FB9];
	_ =	sdelay $0x3  }
0x34: {  	[smem:$0x3FB9] =	sst s10  }
0x35: {  	s10 =	sld [smem:$0x3FB8];
	_ =	sdelay $0x3  }
0x36: {  	p1 =	seq.s32 s10, $0x1;
	s10 =	sld [smem:$0x3FB9];
	_ =	sdelay $0x3  }
0x37: {  	[smem:$0x3FB9] =	sst s10  }
0x38: {  	s10 =	sld [smem:$0x3FBA]  }
0x39: {  	_ = 	snop;
	(pc) =	sbr.ind lr, $3  }
0x3a: {  	_ = 	snop  }
0x3b: {  	_ = 	snop  }
0x3c: {  	p2 =	seq.s32 s10, $0x1;
	s10 =	sld [smem:$0x3FB9]  }
0x3d: {  	_ =	shalt  }
0x3e: {  	_ =	shalt  }
0x3f: {  	_ =	shalt  }
0x40: {  	_ =	shalt  }
0x41: {  	_ =	shalt  }
0x42: {  	_ =	shalt  }
0x43: {  	_ =	shalt  }
0x44: {  	_ =	shalt  }
0x45: {  	_ =	shalt  }
0x46: {  	_ =	shalt  }
0x47: {  	_ =	shalt  }
0x48: {  	_ =	shalt  }
0x49: {  	_ =	shalt  }
0x4a: {  	_ =	shalt  }
0x4b: {  	_ =	shalt  }
0x4c: {  	_ =	shalt  }
0x4d: {  	_ =	shalt  }
0x4e: {  	_ =	shalt  }
0x4f: {  	_ =	shalt  }
0x50: {  	_ =	shalt  }
0x51: {  	_ =	shalt  }
0x52: {  	_ =	shalt  }
0x53: {  	_ =	shalt  }
0x54: {  	_ =	shalt  }
0x55: {  	_ =	shalt  }
0x56: {  	_ =	shalt  }
0x57: {  	_ =	shalt  }
0x58: {  	_ =	shalt  }
0x59: {  	_ =	shalt  }
0x5a: {  	_ =	shalt  }
0x5b: {  	_ =	shalt  }
0x5c: {  	_ =	shalt  }
0x5d: {  	_ =	shalt  }
0x5e: {  	_ =	shalt  }
0x5f: {  	_ =	shalt  }
0x60: {  	_ =	shalt  }
0x61: {  	_ =	shalt  }
0x62: {  	_ =	shalt  }
0x63: {  	_ =	shalt  }
0x64: {  	_ =	shalt  }
0x65: {  	_ =	shalt  }
0x66: {  	_ =	shalt  }
0x67: {  	_ =	shalt  }
0x68: {  	_ =	shalt  }
0x69: {  	_ =	shalt  }
0x6a: {  	_ =	shalt  }
0x6b: {  	_ =	shalt  }
0x6c: {  	_ =	shalt  }
0x6d: {  	_ =	shalt  }
0x6e: {  	_ =	shalt  }
0x6f: {  	_ =	shalt  }
0x70: {  	_ =	shalt  }
0x71: {  	_ =	shalt  }
0x72: {  	_ =	shalt  }
0x73: {  	_ =	shalt  }
0x74: {  	_ =	shalt  }
0x75: {  	_ =	shalt  }
0x76: {  	_ =	shalt  }
0x77: {  	_ =	shalt  }
0x78: {  	_ =	shalt  }
0x79: {  	_ =	shalt  }
0x7a: {  	_ =	shalt  }
0x7b: {  	_ =	shalt  }
0x7c: {  	_ =	shalt  }
0x7d: {  	_ =	shalt  }
0x7e: {  	_ =	shalt  }
0x7f: {  	_ =	shalt  }
0x80: {  	_ =	shalt  }
0x81: {  	_ =	shalt  }
0x82: {  	_ =	shalt  }
0x83: {  	_ =	shalt  }
0x84: {  	_ =	shalt  }
0x85: {  	_ =	shalt  }
0x86: {  	_ =	shalt  }
0x87: {  	_ =	shalt  }
.Lfunc_end0:
.L_simem_size_0:
called_computation_lowered:
.L_overlay_start_0:
0x88: {  	s2 =	sld [smem:$0x3FD9]  }
0x89: {  	s3 =	sld [smem:$0x3FFE];
	_ =	sdelay $0x1  }
0x8a: {  	s1 =	srdreg.scid  }
0x8b: {  	s0 =	sand.u32 $0x1, s1  }
0x8c: {  	s18 =	sshll.u32 s0, $0xA;
	s2 =	sadd.s32 s3, s2  }
0x8d: {  	s2 =	sadd.s32 s2, s18  }
0x8e: {  	[smem:$0x3FC5] =	sst s2  }
0x8f: {  	_ = 	snop  }
0x90: {  	s2 =	sld [smem:$0x3FC9]  }
0x91: {  	s19 =	sld [smem:$0x3FC8]  }
0x92: {  	s4 =	sld [smem:$0x3FC7]  }
0x93: {  	s5 =	sld [smem:$0x3FD0];
	(tm) =	ssettm $0x1  }
0x94: {  	s6 =	sld [smem:$0x3FFB];
	_ =	sdelay $0x3  }
0x95: {  	_ =	strace s6  }
0x96: {  	s6 =	sld [smem:$0x3FFC];
	_ =	sdelay $0x3  }
0x97: {  	_ =	strace s6  }
0x98: {  	s6 =	sld [smem:$0x3FFD];
	_ =	sdelay $0x3  }
0x99: {  	_ =	strace s6  }
0x9a: {  	_ =	strace $0x8FFFFFFF  }
0x9b: {  	s20 =	sld [smem:$0x3FDB];
	_ =	sdelay $0x1  }
0x9c: {  	s7 =	simm.s32 $_scs_section_size  }
0x9d: {  	s8 =	simm.s32 $_size__tile_overlayer_lowered;
	s9 =	simm.s32 $_tile_overlayer_lowered  }
0x9e: {  	s23 =	simm.s32 $0x1BFF;
	s22 =	sshll.u32 s9, $0x1;
	s6 =	sadd.s32 s7, s20  }
0x9f: {  	s10 =	simm.s32 $0x0;
	s21 =	sshll.u32 s8, $0x1;
	s8 =	sadd.s32 s22, s6  }
0xa0: {  	[timem:s10], [sflag:s23] =	dma.local [hbm:s8], s21  }
0xa1: {  	_ =	swait.ge [sflag:s23], s21  }
0xa2: {  	s7 =	ssub.s32 $0x0, s21;
	[sflag:s23] =	ssyncset.done $0x0  }
0xa3: {  	[sflag:s23] =	ssyncadd.s32 s7;
	_ =	sdelay $0x1  }
0xa4: {  	s24 =	simm.s32 $0x1B8B  }
0xa5: {  	_ =	swait.ge [sflag:s24], $0x1  }
0xa6: {  	[sflag:s24] =	ssyncset.done $0x0  }
0xa7: {  	s25 =	simm.s32 $0x1B8E;
	[sflag:s24] =	ssyncadd.s32 $0xFFFFFFFF  }
0xa8: {  	s26 =	simm.s32 $execute0_lowered;
	[smem:$0x3FD2] =	sst s25  }
0xa9: {  	s7 =	sshll.u32 s26, $0x1;
	_ =	strace $0x80000046;
	[dreg:$0x1] =	wrdreg $0xFFFFFFFF  }
0xaa: {  	s28 =	simm.s32 $_size_execute0_lowered;
	s6 =	sadd.s32 s6, s7;
	[dreg:$0x0] =	wrdreg $0x0  }
0xab: {  	s7 =	sshll.u32 s28, $0x1;
	[dreg:$0x2] =	wrdreg s6  }
0xac: {  	[dreg:$0x3] =	wrdreg s7  }
0xad: {  	[dreg:$0x4] =	wrdreg $0xC0  }
0xae: {  	_ =	task [dreg:s10], $0x5FFFF  }
0xaf: {  	[dreg:$0x1] =	wrdreg $0xFFFFFFFF  }
0xb0: {  	[dreg:$0x0] =	wrdreg $0x60  }
0xb1: {  	[dreg:$0x2] =	wrdreg s2  }
0xb2: {  	[dreg:$0x3] =	wrdreg s19  }
0xb3: {  	[dreg:$0x4] =	wrdreg s4  }
0xb4: {  	[dreg:$0x5] =	wrdreg s5  }
0xb5: {  	[dreg:$0x6] =	wrdreg $0x9  }
0xb6: {  	_ =	task.clear_ibuf [dreg:s10], $0x7FFFF;
	_ =	strace $0x90000046  }
0xb7: {  	s29 =	simm.s32 $0x9;
	_ =	strace $0x80000048  }
0xb8: {  	_ =	swait.ge [sflag:s29], $0x1  }
0xb9: {  	[sflag:s29] =	ssyncadd.s32 $0xFFFFFFFF  }
0xba: {  	_ =	strace $0x90000048  }
0xbb: {  	_ =	sfence  }
0xbc: {  	s30 =	sld [smem:$0x0];
	_ =	sdelay $0x2  }
0xbd: {  	s31 =	sshll.u32 s1, $0xD;
	s1 =	sshrl.u32 s1, $0x2  }
0xbe: {  	s3 =	sand.u32 $0x4000, s31;
	s1 =	sadd.s32 s1, s30  }
0xbf: {  	s0 =	sor.u32 s3, s0;
	s1 =	sshll.u32 s1, $0x11  }
0xc0: {  	s0 =	sor.u32 s1, s0  }
0xc1: {  	s0 =	sadd.s32 $0x8F2B, s0  }
0xc2: {  	[sflag:s0] =	ssyncadd.remote.s32 $0x1  }
0xc3: {  	_ =	sfence.sel $0xFFFF  }
0xc4: {  	[dreg:$0x0] =	wrdreg $0xFFFFFFFF;
	(pc) =	sbr.abs _section_cstart, $3  }
0xc5: {  	[dreg:$0x1] =	wrdreg $0xFFFFFFFF  }
0xc6: {  	_ =	task.clear_ibuf [dreg:s10], $0x2FFFF;
	_ =	strace $0x9FFFFFFF  }
0xc7: {  	(tm) =	ssettm $0x7FFFFFFF  }
tec
execute0_lowered:
.L_overlay_start_1:
0x0: {  	(tag) =	ssettag $0x1  }
0x1: {  	s0 =	rddreg [dreg:$0x0]  }
0x2: {  	s7 =	rddreg [dreg:$0x1]  }
0x3: {  	s8 =	rddreg [dreg:$0x2]  }
0x4: {  	s3 =	rddreg [dreg:$0x3];
	s1 =	srdreg.scid  }
0x5: {  	s5 =	simm.s32 $0x0;
	s4 =	stileid.u32;
	s1 =	sand.u32 $0x1, s1  }
0x6: {  	s4 =	sshll.u32 s4, $0x5;
	s2 =	ssub.s32 $0x2, s1;
	s1 =	sshll.u32 s1, $0x4  }
0x7: {  	[smem:$0x7FF] =	sst s5;
	s4 =	sor.u32 s1, s4  }
0x8: {  	_ =	strace $0x80000047;
	s24 =	sadd.s32 s0, s4;
	[dreg:$0x9] =	wrdreg s4  }
0x9: {  	s25 =	sor.u32 $0x200, s4;
	[dreg:$0xa] =	wrdreg s24  }
0xa: {  	s9 =	sor.u32 $0x400, s4;
	[dreg:$0xb] =	wrdreg s25  }
0xb: {  	s10 =	sor.u32 $0x600, s4;
	[dreg:$0xc] =	wrdreg s9  }
0xc: {  	s6 =	sshrl.u32 s2, $0x1;
	s28 =	sadd.s32 s0, s25;
	[dreg:$0xd] =	wrdreg s10  }
0xd: {  	s23 =	ssub.s32 s2, s6;
	s29 =	sadd.s32 s0, s9;
	[dreg:$0xe] =	wrdreg s28  }
0xe: {  	s26 =	smul.u32 $0x300, s4;
	s0 =	sadd.s32 s0, s10;
	[dreg:$0xf] =	wrdreg s29  }
0xf: {  	s15 =	sadd.s32 $0x100, s8;
	s31 =	smax.u32 s23, $0x1;
	[dreg:$0x10] =	wrdreg s0  }
0x10: {  	v0 =	vlaneseq.u32;
	s16 =	sadd.s32 $0x200, s8;
	s30 =	sadd.s32 s7, s26;
	[dreg:$0x13] =	wrdreg s31  }
0x11: {  	v1 =	vshrl.u32 v0, $0x3;
	s2 =	simm.s32 $0x0;
	[dreg:$0x11] =	wrdreg s30;
	s0 =	sadd.s32 $0x300, s30  }
0x12: {  	vm0 =	vmmov $0xffff;
	v0 =	vand.u32 $0x7, v0;
	v1 =	vmul.u32 $0x8, v1;
	s23 =	simm.s32 $0x3;
	s24 =	simm.s32 $0x1;
	[dreg:$0x12] =	wrdreg s0  }
.LBB2_1:
0x13: {  	[dreg:$0x14] =	wrdreg s2  }
0x14: {  	s0 =	rddreg [dreg:$0xa]  }
0x15: {  	[tilespmem:s5], [sflag:$0x4] =	stream.linear.gather [hbm4b:s0+s5], $0x80, $0x38;
	[tilespmem:$0x1E200] =	vst v63  }
0x16: {  	s14 =	rddreg [dreg:$0xe];
	s1 =	simm.s32 $0x80  }
0x17: {  	[tilespmem:s1], [sflag:$0x4] =	stream.linear.gather [hbm4b:s14+s5], $0x80, $0x38;
	[tilespmem:$0x1E200] =	vst v63  }
0x18: {  	s17 =	rddreg [dreg:$0xf];
	s18 =	simm.s32 $0x100  }
0x19: {  	[tilespmem:s18], [sflag:$0x4] =	stream.linear.gather [hbm4b:s17+s5], $0x80, $0x38;
	[tilespmem:$0x1E200] =	vst v63  }
0x1a: {  	s19 =	rddreg [dreg:$0x10];
	s20 =	simm.s32 $0x180;
	s21 =	simm.s32 $0x4  }
0x1b: {  	[tilespmem:s20], [sflag:$0x4] =	stream.linear.gather [hbm4b:s19+s5], $0x80, $0x38;
	[tilespmem:$0x1E200] =	vst v63  }
0x1c: {  	_ =	swait.ge [sflag:s21], $0x80  }
0x1d: {  	[sflag:s21] =	ssyncset.done $0x0  }
0x1e: {  	[sflag:s21] =	ssyncadd.s32 $0xFFFFFF80  }
0x1f: {  	_ =	swait.ge [sflag:s21], $0x80  }
0x20: {  	[sflag:s21] =	ssyncset.done $0x0  }
0x21: {  	[sflag:s21] =	ssyncadd.s32 $0xFFFFFF80  }
0x22: {  	_ =	swait.ge [sflag:s21], $0x80  }
0x23: {  	[sflag:s21] =	ssyncset.done $0x0  }
0x24: {  	[sflag:s21] =	ssyncadd.s32 $0xFFFFFF80  }
0x25: {  	_ =	swait.ge [sflag:s21], $0x80  }
0x26: {  	[sflag:s21] =	ssyncset.done $0x0  }
0x27: {  	s25 =	simm.s32 $0x200;
	s22 =	rddreg [dreg:$0x11];
	[sflag:s21] =	ssyncadd.s32 $0xFFFFFF80  }
0x28: {  	[tilespmem:s25], [sflag:$0x3] =	stream.linear.gather [hbm4b:s22+s5], $0x1800, $0x38;
	[tilespmem:$0x1E200] =	vst v63  }
0x29: {  	v2 =	vld.msk [tilespmem:$0x0], $0xff;
	_ =	sdelay $0x4  }
0x2a: {  	v3 =	vshrl.u32 v2, $0x3  }
0x2b: {  	v3 =	vmul.u32 $0x30, v3  }
0x2c: {  	v2 =	vand.u32 $0x7, v2  }
0x2d: {  	v2 =	vor.u32 v2, v3  }
0x2e: {  	v2 =	vperm.xlane v2, v0;
	_ =	sdelay $0x1  }
0x2f: {  	v2 =	vadd.s32 v1, v2;
	_ =	sdelay $0x3  }
0x30: {  	s26 =	simm.s32 $0x6200;
	s0 =	rddreg [dreg:$0x2]  }
0x31: {  	[tilespmem:s26], [sflag:$0x1] =	stream.indirect_vreg.gather [hbm4b:s0+s5], $0x80, v2, vm0, $0xb8;
	[tilespmem:$0x1E200] =	vst v63  }
0x32: {  	s29 =	simm.s32 $0x6A00  }
0x33: {  	[tilespmem:s29], [sflag:$0x1] =	stream.indirect_vreg.gather [hbm4b:s15+s5], $0x80, v2, vm0, $0xb8;
	[tilespmem:$0x1E200] =	vst v63  }
0x34: {  	s30 =	simm.s32 $0x7200  }
0x35: {  	[tilespmem:s30], [sflag:$0x1] =	stream.indirect_vreg.gather [hbm4b:s16+s5], $0x80, v2, vm0, $0xb8;
	[tilespmem:$0x1E200] =	vst v63  }
0x36: {  	v2 =	vld.msk [tilespmem:$0x80], $0xff;
	_ =	sdelay $0x4  }
0x37: {  	v3 =	vshrl.u32 v2, $0x3  }
0x38: {  	v3 =	vmul.u32 $0x30, v3  }
0x39: {  	v2 =	vand.u32 $0x7, v2  }
0x3a: {  	v2 =	vor.u32 v2, v3  }
0x3b: {  	v2 =	vperm.xlane v2, v0;
	_ =	sdelay $0x1  }
0x3c: {  	v2 =	vadd.s32 v1, v2;
	_ =	sdelay $0x3  }
0x3d: {  	s31 =	simm.s32 $0x7A00  }
0x3e: {  	[tilespmem:s31], [sflag:$0x1] =	stream.indirect_vreg.gather [hbm4b:s0+s5], $0x80, v2, vm0, $0xb8;
	[tilespmem:$0x1E200] =	vst v63  }
0x3f: {  	s2 =	simm.s32 $0x8200  }
0x40: {  	[tilespmem:s2], [sflag:$0x1] =	stream.indirect_vreg.gather [hbm4b:s15+s5], $0x80, v2, vm0, $0xb8;
	[tilespmem:$0x1E200] =	vst v63  }
0x41: {  	s4 =	simm.s32 $0x8A00  }
0x42: {  	[tilespmem:s4], [sflag:$0x1] =	stream.indirect_vreg.gather [hbm4b:s16+s5], $0x80, v2, vm0, $0xb8;
	[tilespmem:$0x1E200] =	vst v63  }
0x43: {  	v2 =	vld.msk [tilespmem:$0x100], $0xff;
	_ =	sdelay $0x4  }
0x44: {  	v3 =	vshrl.u32 v2, $0x3  }
0x45: {  	v3 =	vmul.u32 $0x30, v3  }
0x46: {  	v2 =	vand.u32 $0x7, v2  }
0x47: {  	v2 =	vor.u32 v2, v3  }
0x48: {  	v2 =	vperm.xlane v2, v0;
	_ =	sdelay $0x1  }
0x49: {  	v2 =	vadd.s32 v1, v2;
	_ =	sdelay $0x3  }
0x4a: {  	s6 =	simm.s32 $0x9200  }
0x4b: {  	[tilespmem:s6], [sflag:$0x1] =	stream.indirect_vreg.gather [hbm4b:s0+s5], $0x80, v2, vm0, $0xb8;
	[tilespmem:$0x1E200] =	vst v63  }
0x4c: {  	s7 =	simm.s32 $0x9A00  }
0x4d: {  	[tilespmem:s7], [sflag:$0x1] =	stream.indirect_vreg.gather [hbm4b:s15+s5], $0x80, v2, vm0, $0xb8;
	[tilespmem:$0x1E200] =	vst v63  }
0x4e: {  	s8 =	simm.s32 $0xA200  }
0x4f: {  	[tilespmem:s8], [sflag:$0x1] =	stream.indirect_vreg.gather [hbm4b:s16+s5], $0x80, v2, vm0, $0xb8;
	[tilespmem:$0x1E200] =	vst v63  }
0x50: {  	v2 =	vld.msk [tilespmem:$0x180], $0xff;
	_ =	sdelay $0x4  }
0x51: {  	v3 =	vshrl.u32 v2, $0x3  }
0x52: {  	v3 =	vmul.u32 $0x30, v3  }
0x53: {  	v2 =	vand.u32 $0x7, v2  }
0x54: {  	v2 =	vor.u32 v2, v3  }
0x55: {  	v2 =	vperm.xlane v2, v0;
	_ =	sdelay $0x1  }
0x56: {  	v2 =	vadd.s32 v1, v2;
	_ =	sdelay $0x3  }
0x57: {  	s9 =	simm.s32 $0xAA00  }
0x58: {  	[tilespmem:s9], [sflag:$0x1] =	stream.indirect_vreg.gather [hbm4b:s0+s5], $0x80, v2, vm0, $0xb8;
	[tilespmem:$0x1E200] =	vst v63  }
0x59: {  	s10 =	simm.s32 $0xB200  }
0x5a: {  	[tilespmem:s10], [sflag:$0x1] =	stream.indirect_vreg.gather [hbm4b:s15+s5], $0x80, v2, vm0, $0xb8;
	[tilespmem:$0x1E200] =	vst v63  }
0x5b: {  	s11 =	simm.s32 $0xBA00  }
0x5c: {  	[tilespmem:s11], [sflag:$0x1] =	stream.indirect_vreg.gather [hbm4b:s16+s5], $0x80, v2, vm0, $0xb8;
	[tilespmem:$0x1E200] =	vst v63  }
0x5d: {  	s13 =	simm.s32 $0x1A00;
	s12 =	rddreg [dreg:$0x12]  }
0x5e: {  	[tilespmem:s13], [sflag:$0x3] =	stream.linear.gather [hbm4b:s12+s5], $0x1800, $0x38;
	[tilespmem:$0x1E200] =	vst v63  }
0x5f: {  	v2 =	vld.msk [tilespmem:$0x8], $0xff;
	_ =	sdelay $0x4  }
0x60: {  	v3 =	vshrl.u32 v2, $0x3  }
0x61: {  	v3 =	vmul.u32 $0x30, v3  }
0x62: {  	v2 =	vand.u32 $0x7, v2  }
0x63: {  	v2 =	vor.u32 v2, v3  }
0x64: {  	v2 =	vperm.xlane v2, v0;
	_ =	sdelay $0x1  }
0x65: {  	v2 =	vadd.s32 v1, v2;
	_ =	sdelay $0x3  }
0x66: {  	s14 =	simm.s32 $0xC200  }
0x67: {  	[tilespmem:s14], [sflag:$0x1] =	stream.indirect_vreg.gather [hbm4b:s0+s5], $0x80, v2, vm0, $0xb8;
	[tilespmem:$0x1E200] =	vst v63  }
0x68: {  	s17 =	simm.s32 $0xCA00  }
0x69: {  	[tilespmem:s17], [sflag:$0x1] =	stream.indirect_vreg.gather [hbm4b:s15+s5], $0x80, v2, vm0, $0xb8;
	[tilespmem:$0x1E200] =	vst v63  }
0x6a: {  	s18 =	simm.s32 $0xD200  }
0x6b: {  	[tilespmem:s18], [sflag:$0x1] =	stream.indirect_vreg.gather [hbm4b:s16+s5], $0x80, v2, vm0, $0xb8;
	[tilespmem:$0x1E200] =	vst v63  }
0x6c: {  	v2 =	vld.msk [tilespmem:$0x88], $0xff;
	_ =	sdelay $0x4  }
0x6d: {  	v3 =	vshrl.u32 v2, $0x3  }
0x6e: {  	v3 =	vmul.u32 $0x30, v3  }
0x6f: {  	v2 =	vand.u32 $0x7, v2  }
0x70: {  	v2 =	vor.u32 v2, v3  }
0x71: {  	v2 =	vperm.xlane v2, v0;
	_ =	sdelay $0x1  }
0x72: {  	v2 =	vadd.s32 v1, v2;
	_ =	sdelay $0x3  }
0x73: {  	s19 =	simm.s32 $0xDA00  }
0x74: {  	[tilespmem:s19], [sflag:$0x1] =	stream.indirect_vreg.gather [hbm4b:s0+s5], $0x80, v2, vm0, $0xb8;
	[tilespmem:$0x1E200] =	vst v63  }
0x75: {  	s20 =	simm.s32 $0xE200  }
0x76: {  	[tilespmem:s20], [sflag:$0x1] =	stream.indirect_vreg.gather [hbm4b:s15+s5], $0x80, v2, vm0, $0xb8;
	[tilespmem:$0x1E200] =	vst v63  }
0x77: {  	s21 =	simm.s32 $0xEA00  }
0x78: {  	[tilespmem:s21], [sflag:$0x1] =	stream.indirect_vreg.gather [hbm4b:s16+s5], $0x80, v2, vm0, $0xb8;
	[tilespmem:$0x1E200] =	vst v63  }
0x79: {  	v2 =	vld.msk [tilespmem:$0x108], $0xff;
	_ =	sdelay $0x4  }
0x7a: {  	v3 =	vshrl.u32 v2, $0x3  }
0x7b: {  	v3 =	vmul.u32 $0x30, v3  }
0x7c: {  	v2 =	vand.u32 $0x7, v2  }
0x7d: {  	v2 =	vor.u32 v2, v3  }
0x7e: {  	v2 =	vperm.xlane v2, v0;
	_ =	sdelay $0x1  }
0x7f: {  	v2 =	vadd.s32 v1, v2;
	_ =	sdelay $0x3  }
0x80: {  	s22 =	simm.s32 $0xF200  }
0x81: {  	[tilespmem:s22], [sflag:$0x1] =	stream.indirect_vreg.gather [hbm4b:s0+s5], $0x80, v2, vm0, $0xb8;
	[tilespmem:$0x1E200] =	vst v63  }
0x82: {  	s25 =	simm.s32 $0xFA00  }
0x83: {  	[tilespmem:s25], [sflag:$0x1] =	stream.indirect_vreg.gather [hbm4b:s15+s5], $0x80, v2, vm0, $0xb8;
	[tilespmem:$0x1E200] =	vst v63  }
0x84: {  	s26 =	simm.s32 $0x10200  }
0x85: {  	[tilespmem:s26], [sflag:$0x1] =	stream.indirect_vreg.gather [hbm4b:s16+s5], $0x80, v2, vm0, $0xb8;
	[tilespmem:$0x1E200] =	vst v63  }
0x86: {  	v2 =	vld.msk [tilespmem:$0x188], $0xff;
	_ =	sdelay $0x4  }
0x87: {  	v3 =	vshrl.u32 v2, $0x3  }
0x88: {  	v3 =	vmul.u32 $0x30, v3  }
0x89: {  	v2 =	vand.u32 $0x7, v2  }
0x8a: {  	v2 =	vor.u32 v2, v3  }
0x8b: {  	v2 =	vperm.xlane v2, v0;
	_ =	sdelay $0x1  }
0x8c: {  	v2 =	vadd.s32 v1, v2;
	_ =	sdelay $0x3  }
0x8d: {  	s29 =	simm.s32 $0x10A00  }
0x8e: {  	[tilespmem:s29], [sflag:$0x1] =	stream.indirect_vreg.gather [hbm4b:s0+s5], $0x80, v2, vm0, $0xb8;
	[tilespmem:$0x1E200] =	vst v63  }
0x8f: {  	s30 =	simm.s32 $0x11200  }
0x90: {  	[tilespmem:s30], [sflag:$0x1] =	stream.indirect_vreg.gather [hbm4b:s15+s5], $0x80, v2, vm0, $0xb8;
	[tilespmem:$0x1E200] =	vst v63  }
0x91: {  	s28 =	simm.s32 $0x0;
	s31 =	simm.s32 $0x11A00  }
0x92: {  	[tilespmem:s31], [sflag:$0x1] =	stream.indirect_vreg.gather [hbm4b:s16+s5], $0x80, v2, vm0, $0xb8;
	[tilespmem:$0x1E200] =	vst v63  }
.LBB2_2:
0x93: {  	_ =	swait.ge [sflag:s23], $0x1800  }
0x94: {  	p0 =	slt.u32 s28, $0x2;
	[sflag:s23] =	ssyncset.done $0x0  }
0x95: {  	p1 =	sgt.u32 @!p0 s28, $0xD;
	[sflag:s23] =	ssyncadd.s32 $0xFFFFE800  }
0x96: {  	p1 =	por p0, !p1;
	_ =	swait.ge [sflag:s24], $0x6000  }
.Ltmp0:
0x97: {  	[sflag:s24] =	ssyncset.done $0x0;
	(pc) =	sbr.rel @!p1 .LBB2_4-.Ltmp0, $4  }
0x98: {  	s0 =	simm.s32 @!p0 $0x2;
	[sflag:s24] =	ssyncadd.s32 $0xFFFFA000  }
0x99: {  	_ =	swait.ge @!p0 [sflag:s0], $0x6000  }
0x9a: {  	[sflag:s0] =	ssyncset.done @!p0 $0x0  }
0x9b: {  	[sflag:s0] =	ssyncadd.s32 @!p0 $0xFFFFA000  }
0x9c: {  	s0 =	sadd.s32 $0x2, s28  }
0x9d: {  	s2 =	rddreg [dreg:$0x9];
	s1 =	sand.u32 $0x3, s0  }
0x9e: {  	s2 =	sadd.s32 s2, s0;
	s4 =	smul.u32 $0x6000, s1  }
0x9f: {  	s2 =	smul.u32 $0x300, s2  }
0xa0: {  	s6 =	rddreg [dreg:$0x1];
	s4 =	sshrl.u32 s4, $0x2  }
0xa1: {  	s0 =	sshll.u32 s0, $0x3;
	s2 =	sadd.s32 s6, s2;
	s4 =	sor.u32 $0x200, s4  }
0xa2: {  	[tilespmem:s4], [sflag:$0x3] =	stream.linear.gather [hbm4b:s2+s5], $0x1800, $0x38;
	[tilespmem:$0x1E200] =	vst v63  }
0xa3: {  	v2 =	vld.msk [tilespmem:s0+$0x0], $0xff;
	_ =	sdelay $0x4  }
0xa4: {  	v3 =	vshrl.u32 v2, $0x3  }
0xa5: {  	v3 =	vmul.u32 $0x30, v3  }
0xa6: {  	v2 =	vand.u32 $0x7, v2  }
0xa7: {  	v2 =	vor.u32 v2, v3  }
0xa8: {  	v2 =	vperm.xlane v2, v0;
	_ =	sdelay $0x1  }
0xa9: {  	v2 =	vadd.s32 v1, v2  }
0xaa: {  	s1 =	smul.u32 $0x18000, s1;
	_ =	sdelay $0x1  }
0xab: {  	s1 =	sshrl.u32 s1, $0x2  }
0xac: {  	s13 =	rddreg [dreg:$0x2];
	s12 =	sadd.s32 $0x6200, s1  }
0xad: {  	[tilespmem:s12], [sflag:$0x1] =	stream.indirect_vreg.gather [hbm4b:s13+s5], $0x80, v2, vm0, $0xb8;
	[tilespmem:$0x1E200] =	vst v63  }
0xae: {  	s14 =	sadd.s32 $0x6A00, s1  }
0xaf: {  	[tilespmem:s14], [sflag:$0x1] =	stream.indirect_vreg.gather [hbm4b:s15+s5], $0x80, v2, vm0, $0xb8;
	[tilespmem:$0x1E200] =	vst v63  }
0xb0: {  	s17 =	sadd.s32 $0x7200, s1;
	s0 =	sand.u32 $0xF8, s0  }
0xb1: {  	[tilespmem:s17], [sflag:$0x1] =	stream.indirect_vreg.gather [hbm4b:s16+s5], $0x80, v2, vm0, $0xb8;
	[tilespmem:$0x1E200] =	vst v63  }
0xb2: {  	v2 =	vld.msk [tilespmem:s0+$0x80], $0xff;
	_ =	sdelay $0x4  }
0xb3: {  	v3 =	vshrl.u32 v2, $0x3  }
0xb4: {  	v3 =	vmul.u32 $0x30, v3  }
0xb5: {  	v2 =	vand.u32 $0x7, v2  }
0xb6: {  	v2 =	vor.u32 v2, v3  }
0xb7: {  	v2 =	vperm.xlane v2, v0;
	_ =	sdelay $0x1  }
0xb8: {  	v2 =	vadd.s32 v1, v2;
	_ =	sdelay $0x3  }
0xb9: {  	s18 =	sadd.s32 $0x7A00, s1  }
0xba: {  	[tilespmem:s18], [sflag:$0x1] =	stream.indirect_vreg.gather [hbm4b:s13+s5], $0x80, v2, vm0, $0xb8;
	[tilespmem:$0x1E200] =	vst v63  }
0xbb: {  	s19 =	sadd.s32 $0x8200, s1  }
0xbc: {  	[tilespmem:s19], [sflag:$0x1] =	stream.indirect_vreg.gather [hbm4b:s15+s5], $0x80, v2, vm0, $0xb8;
	[tilespmem:$0x1E200] =	vst v63  }
0xbd: {  	s20 =	sadd.s32 $0x8A00, s1;
	s21 =	sor.u32 $0x100, s0  }
0xbe: {  	[tilespmem:s20], [sflag:$0x1] =	stream.indirect_vreg.gather [hbm4b:s16+s5], $0x80, v2, vm0, $0xb8;
	[tilespmem:$0x1E200] =	vst v63  }
0xbf: {  	v2 =	vld.msk [tilespmem:s21+$0x0], $0xff;
	_ =	sdelay $0x4  }
0xc0: {  	v3 =	vshrl.u32 v2, $0x3  }
0xc1: {  	v3 =	vmul.u32 $0x30, v3  }
0xc2: {  	v2 =	vand.u32 $0x7, v2  }
0xc3: {  	v2 =	vor.u32 v2, v3  }
0xc4: {  	v2 =	vperm.xlane v2, v0;
	_ =	sdelay $0x1  }
0xc5: {  	v2 =	vadd.s32 v1, v2;
	_ =	sdelay $0x3  }
0xc6: {  	s22 =	sadd.s32 $0x9200, s1  }
0xc7: {  	[tilespmem:s22], [sflag:$0x1] =	stream.indirect_vreg.gather [hbm4b:s13+s5], $0x80, v2, vm0, $0xb8;
	[tilespmem:$0x1E200] =	vst v63  }
0xc8: {  	s25 =	sadd.s32 $0x9A00, s1  }
0xc9: {  	[tilespmem:s25], [sflag:$0x1] =	stream.indirect_vreg.gather [hbm4b:s15+s5], $0x80, v2, vm0, $0xb8;
	[tilespmem:$0x1E200] =	vst v63  }
0xca: {  	s26 =	sadd.s32 $0xA200, s1  }
0xcb: {  	[tilespmem:s26], [sflag:$0x1] =	stream.indirect_vreg.gather [hbm4b:s16+s5], $0x80, v2, vm0, $0xb8;
	[tilespmem:$0x1E200] =	vst v63  }
0xcc: {  	v2 =	vld.msk [tilespmem:s0+$0x180], $0xff;
	_ =	sdelay $0x4  }
0xcd: {  	v3 =	vshrl.u32 v2, $0x3  }
0xce: {  	v3 =	vmul.u32 $0x30, v3  }
0xcf: {  	v2 =	vand.u32 $0x7, v2  }
0xd0: {  	v2 =	vor.u32 v2, v3  }
0xd1: {  	v2 =	vperm.xlane v2, v0;
	_ =	sdelay $0x1  }
0xd2: {  	v2 =	vadd.s32 v1, v2;
	_ =	sdelay $0x3  }
0xd3: {  	s29 =	sadd.s32 $0xAA00, s1  }
0xd4: {  	[tilespmem:s29], [sflag:$0x1] =	stream.indirect_vreg.gather [hbm4b:s13+s5], $0x80, v2, vm0, $0xb8;
	[tilespmem:$0x1E200] =	vst v63  }
0xd5: {  	s30 =	sadd.s32 $0xB200, s1  }
0xd6: {  	[tilespmem:s30], [sflag:$0x1] =	stream.indirect_vreg.gather [hbm4b:s15+s5], $0x80, v2, vm0, $0xb8;
	[tilespmem:$0x1E200] =	vst v63  }
0xd7: {  	s31 =	sadd.s32 $0xBA00, s1  }
0xd8: {  	[tilespmem:s31], [sflag:$0x1] =	stream.indirect_vreg.gather [hbm4b:s16+s5], $0x80, v2, vm0, $0xb8;
	[tilespmem:$0x1E200] =	vst v63  }
.LBB2_4:
0xd9: {  	s29 =	sand.u32 $0x3, s28  }
0xda: {  	s1 =	smul.u32 $0x6000, s29;
	_ =	sdelay $0x1  }
0xdb: {  	s18 =	simm.s32 $0x0;
	s2 =	sshrl.u32 s1, $0x2;
	s30 =	sadd.s32 $0x6200, s1  }
0xdc: {  	s31 =	sadd.s32 $0x7A00, s1;
	s0 =	sadd.s32 $0x8200, s1;
	s4 =	sadd.s32 $0xB200, s1  }
0xdd: {  	s19 =	sadd.s32 $0x8600, s1;
	s20 =	sadd.s32 $0xB600, s1;
	s21 =	sadd.s32 $0x8A00, s1  }
0xde: {  	s7 =	sadd.s32 $0xA200, s1;
	s12 =	sadd.s32 $0x9A00, s1;
	s11 =	sadd.s32 $0x8E00, s1  }
0xdf: {  	s13 =	sadd.s32 $0x9E00, s1;
	s14 =	sadd.s32 $0xBA00, s1;
	s6 =	sor.u32 $0x200, s2  }
0xe0: {  	s26 =	sadd.s32 $0xBE00, s1;
	s17 =	sadd.s32 $0xAA00, s1;
	[dreg:$0x5] =	wrdreg s12;
	v2 =	vmov s6  }
0xe1: {  	s8 =	sadd.s32 $0xA00, s2;
	s9 =	sadd.s32 $0xE00, s2;
	[dreg:$0x6] =	wrdreg s13  }
0xe2: {  	s10 =	sadd.s32 $0x1200, s2;
	s2 =	sadd.s32 $0x1600, s2;
	[dreg:$0x7] =	wrdreg s14;
	v3 =	vmov s8  }
0xe3: {  	s12 =	sadd.s32 $0xA600, s1;
	s13 =	sadd.s32 $0x9200, s1;
	[dreg:$0x8] =	wrdreg s26;
	v4 =	vmov s9;
	v5 =	vmov s10;
	v6 =	vmov s2  }
.LBB2_5:
0xe4: {  	s22 =	sshll.u32 s18, $0x7  }
0xe5: {  	v7 =	vld.idx.msk [tilespmem:v2+s22+$0x0 ss:$0x1], $0xffff;
	_ =	sdelay $0x1  }
0xe6: {  	v8 =	vld.idx.msk [tilespmem:v2+s22+$0x10 ss:$0x1], $0xffff  }
0xe7: {  	v9 =	vld.idx.msk [tilespmem:v2+s22+$0x20 ss:$0x1], $0xffff  }
0xe8: {  	v10 =	vld.idx.msk [tilespmem:v2+s22+$0x30 ss:$0x1], $0xffff;
	s25 =	sadd.s32 s22, s30  }
0xe9: {  	s2 =	sadd.s32 s22, s31;
	[tilespmem:s25+$0x0] =	vst.add.f32.msk $0xffff, v7  }
0xea: {  	s1 =	sadd.s32 s22, s13;
	[tilespmem:s2+$0x0] =	vst.add.f32.msk $0xffff, v7  }
0xeb: {  	s14 =	sadd.s32 s22, s17;
	[tilespmem:s1+$0x0] =	vst.add.f32.msk $0xffff, v7  }
0xec: {  	[tilespmem:s14+$0x0] =	vst.add.f32.msk $0xffff, v7  }
0xed: {  	[tilespmem:s25+$0x10] =	vst.add.f32.msk $0xffff, v8  }
0xee: {  	[tilespmem:s2+$0x10] =	vst.add.f32.msk $0xffff, v8  }
0xef: {  	[tilespmem:s1+$0x10] =	vst.add.f32.msk $0xffff, v8  }
0xf0: {  	[tilespmem:s14+$0x10] =	vst.add.f32.msk $0xffff, v8  }
0xf1: {  	[tilespmem:s25+$0x20] =	vst.add.f32.msk $0xffff, v9  }
0xf2: {  	[tilespmem:s2+$0x20] =	vst.add.f32.msk $0xffff, v9  }
0xf3: {  	[tilespmem:s1+$0x20] =	vst.add.f32.msk $0xffff, v9  }
0xf4: {  	[tilespmem:s14+$0x20] =	vst.add.f32.msk $0xffff, v9  }
0xf5: {  	[tilespmem:s25+$0x30] =	vst.add.f32.msk $0xffff, v10  }
0xf6: {  	[tilespmem:s2+$0x30] =	vst.add.f32.msk $0xffff, v10  }
0xf7: {  	[tilespmem:s1+$0x30] =	vst.add.f32.msk $0xffff, v10  }
0xf8: {  	[tilespmem:s14+$0x30] =	vst.add.f32.msk $0xffff, v10  }
0xf9: {  	v7 =	vld.idx.msk [tilespmem:v2+s22+$0x40 ss:$0x1], $0xffff;
	_ =	sdelay $0x1  }
0xfa: {  	v8 =	vld.idx.msk [tilespmem:v2+s22+$0x50 ss:$0x1], $0xffff  }
0xfb: {  	v9 =	vld.idx.msk [tilespmem:v2+s22+$0x60 ss:$0x1], $0xffff  }
0xfc: {  	v10 =	vld.idx.msk [tilespmem:v2+s22+$0x70 ss:$0x1], $0xffff  }
0xfd: {  	[tilespmem:s25+$0x40] =	vst.add.f32.msk $0xffff, v7  }
0xfe: {  	[tilespmem:s2+$0x40] =	vst.add.f32.msk $0xffff, v7  }
0xff: {  	[tilespmem:s1+$0x40] =	vst.add.f32.msk $0xffff, v7  }
0x100: {  	[tilespmem:s14+$0x40] =	vst.add.f32.msk $0xffff, v7  }
0x101: {  	[tilespmem:s25+$0x50] =	vst.add.f32.msk $0xffff, v8  }
0x102: {  	[tilespmem:s2+$0x50] =	vst.add.f32.msk $0xffff, v8  }
0x103: {  	[tilespmem:s1+$0x50] =	vst.add.f32.msk $0xffff, v8  }
0x104: {  	[tilespmem:s14+$0x50] =	vst.add.f32.msk $0xffff, v8  }
0x105: {  	[tilespmem:s25+$0x60] =	vst.add.f32.msk $0xffff, v9  }
0x106: {  	[tilespmem:s2+$0x60] =	vst.add.f32.msk $0xffff, v9  }
0x107: {  	[tilespmem:s1+$0x60] =	vst.add.f32.msk $0xffff, v9  }
0x108: {  	[tilespmem:s14+$0x60] =	vst.add.f32.msk $0xffff, v9  }
0x109: {  	[tilespmem:s25+$0x70] =	vst.add.f32.msk $0xffff, v10  }
0x10a: {  	[tilespmem:s2+$0x70] =	vst.add.f32.msk $0xffff, v10  }
0x10b: {  	[tilespmem:s1+$0x70] =	vst.add.f32.msk $0xffff, v10  }
0x10c: {  	[tilespmem:s14+$0x70] =	vst.add.f32.msk $0xffff, v10  }
0x10d: {  	v7 =	vld.idx.msk [tilespmem:v2+s22+$0x400 ss:$0x1], $0xffff;
	_ =	sdelay $0x1  }
0x10e: {  	v8 =	vld.idx.msk [tilespmem:v2+s22+$0x410 ss:$0x1], $0xffff  }
0x10f: {  	v9 =	vld.idx.msk [tilespmem:v2+s22+$0x420 ss:$0x1], $0xffff  }
0x110: {  	v10 =	vld.idx.msk [tilespmem:v2+s22+$0x430 ss:$0x1], $0xffff  }
0x111: {  	[tilespmem:s25+$0x400] =	vst.add.f32.msk $0xffff, v7  }
0x112: {  	[tilespmem:s2+$0x400] =	vst.add.f32.msk $0xffff, v7  }
0x113: {  	[tilespmem:s1+$0x400] =	vst.add.f32.msk $0xffff, v7  }
0x114: {  	[tilespmem:s14+$0x400] =	vst.add.f32.msk $0xffff, v7  }
0x115: {  	[tilespmem:s25+$0x410] =	vst.add.f32.msk $0xffff, v8  }
0x116: {  	[tilespmem:s2+$0x410] =	vst.add.f32.msk $0xffff, v8  }
0x117: {  	[tilespmem:s1+$0x410] =	vst.add.f32.msk $0xffff, v8  }
0x118: {  	[tilespmem:s14+$0x410] =	vst.add.f32.msk $0xffff, v8  }
0x119: {  	[tilespmem:s25+$0x420] =	vst.add.f32.msk $0xffff, v9  }
0x11a: {  	[tilespmem:s2+$0x420] =	vst.add.f32.msk $0xffff, v9  }
0x11b: {  	[tilespmem:s1+$0x420] =	vst.add.f32.msk $0xffff, v9  }
0x11c: {  	[tilespmem:s14+$0x420] =	vst.add.f32.msk $0xffff, v9  }
0x11d: {  	[tilespmem:s25+$0x430] =	vst.add.f32.msk $0xffff, v10  }
0x11e: {  	[tilespmem:s2+$0x430] =	vst.add.f32.msk $0xffff, v10  }
0x11f: {  	[tilespmem:s1+$0x430] =	vst.add.f32.msk $0xffff, v10  }
0x120: {  	[tilespmem:s14+$0x430] =	vst.add.f32.msk $0xffff, v10  }
0x121: {  	v7 =	vld.idx.msk [tilespmem:v2+s22+$0x440 ss:$0x1], $0xffff;
	_ =	sdelay $0x1  }
0x122: {  	v8 =	vld.idx.msk [tilespmem:v2+s22+$0x450 ss:$0x1], $0xffff  }
0x123: {  	v9 =	vld.idx.msk [tilespmem:v2+s22+$0x460 ss:$0x1], $0xffff  }
0x124: {  	v10 =	vld.idx.msk [tilespmem:v2+s22+$0x470 ss:$0x1], $0xffff  }
0x125: {  	[tilespmem:s25+$0x440] =	vst.add.f32.msk $0xffff, v7  }
0x126: {  	[tilespmem:s2+$0x440] =	vst.add.f32.msk $0xffff, v7  }
0x127: {  	[tilespmem:s1+$0x440] =	vst.add.f32.msk $0xffff, v7  }
0x128: {  	[tilespmem:s14+$0x440] =	vst.add.f32.msk $0xffff, v7  }
0x129: {  	[tilespmem:s25+$0x450] =	vst.add.f32.msk $0xffff, v8  }
0x12a: {  	[tilespmem:s2+$0x450] =	vst.add.f32.msk $0xffff, v8  }
0x12b: {  	[tilespmem:s1+$0x450] =	vst.add.f32.msk $0xffff, v8  }
0x12c: {  	[tilespmem:s14+$0x450] =	vst.add.f32.msk $0xffff, v8  }
0x12d: {  	[tilespmem:s25+$0x460] =	vst.add.f32.msk $0xffff, v9  }
0x12e: {  	[tilespmem:s2+$0x460] =	vst.add.f32.msk $0xffff, v9  }
0x12f: {  	[tilespmem:s1+$0x460] =	vst.add.f32.msk $0xffff, v9  }
0x130: {  	[tilespmem:s14+$0x460] =	vst.add.f32.msk $0xffff, v9  }
0x131: {  	[tilespmem:s25+$0x470] =	vst.add.f32.msk $0xffff, v10  }
0x132: {  	[tilespmem:s2+$0x470] =	vst.add.f32.msk $0xffff, v10  }
0x133: {  	[tilespmem:s1+$0x470] =	vst.add.f32.msk $0xffff, v10  }
0x134: {  	[tilespmem:s14+$0x470] =	vst.add.f32.msk $0xffff, v10  }
0x135: {  	v7 =	vld.idx.msk [tilespmem:v3+s22+$0x0 ss:$0x1], $0xffff;
	_ =	sdelay $0x1  }
0x136: {  	v8 =	vld.idx.msk [tilespmem:v3+s22+$0x10 ss:$0x1], $0xffff  }
0x137: {  	v9 =	vld.idx.msk [tilespmem:v3+s22+$0x20 ss:$0x1], $0xffff  }
0x138: {  	v10 =	vld.idx.msk [tilespmem:v3+s22+$0x30 ss:$0x1], $0xffff  }
0x139: {  	s9 =	sadd.s32 s22, s0;
	[tilespmem:s25+$0x800] =	vst.add.f32.msk $0xffff, v7  }
0x13a: {  	[tilespmem:s9+$0x0] =	vst.add.f32.msk $0xffff, v7  }
0x13b: {  	s6 =	sadd.s32 s22, s4;
	[tilespmem:s1+$0x800] =	vst.add.f32.msk $0xffff, v7  }
0x13c: {  	[tilespmem:s6+$0x0] =	vst.add.f32.msk $0xffff, v7  }
0x13d: {  	[tilespmem:s25+$0x810] =	vst.add.f32.msk $0xffff, v8  }
0x13e: {  	[tilespmem:s9+$0x10] =	vst.add.f32.msk $0xffff, v8  }
0x13f: {  	[tilespmem:s1+$0x810] =	vst.add.f32.msk $0xffff, v8  }
0x140: {  	[tilespmem:s6+$0x10] =	vst.add.f32.msk $0xffff, v8  }
0x141: {  	[tilespmem:s25+$0x820] =	vst.add.f32.msk $0xffff, v9  }
0x142: {  	[tilespmem:s9+$0x20] =	vst.add.f32.msk $0xffff, v9  }
0x143: {  	[tilespmem:s1+$0x820] =	vst.add.f32.msk $0xffff, v9  }
0x144: {  	[tilespmem:s6+$0x20] =	vst.add.f32.msk $0xffff, v9  }
0x145: {  	[tilespmem:s25+$0x830] =	vst.add.f32.msk $0xffff, v10  }
0x146: {  	[tilespmem:s9+$0x30] =	vst.add.f32.msk $0xffff, v10  }
0x147: {  	[tilespmem:s1+$0x830] =	vst.add.f32.msk $0xffff, v10  }
0x148: {  	[tilespmem:s6+$0x30] =	vst.add.f32.msk $0xffff, v10  }
0x149: {  	v7 =	vld.idx.msk [tilespmem:v3+s22+$0x40 ss:$0x1], $0xffff;
	_ =	sdelay $0x1  }
0x14a: {  	v8 =	vld.idx.msk [tilespmem:v3+s22+$0x50 ss:$0x1], $0xffff  }
0x14b: {  	v9 =	vld.idx.msk [tilespmem:v3+s22+$0x60 ss:$0x1], $0xffff  }
0x14c: {  	v10 =	vld.idx.msk [tilespmem:v3+s22+$0x70 ss:$0x1], $0xffff  }
0x14d: {  	[tilespmem:s25+$0x840] =	vst.add.f32.msk $0xffff, v7  }
0x14e: {  	[tilespmem:s9+$0x40] =	vst.add.f32.msk $0xffff, v7  }
0x14f: {  	[tilespmem:s1+$0x840] =	vst.add.f32.msk $0xffff, v7  }
0x150: {  	[tilespmem:s6+$0x40] =	vst.add.f32.msk $0xffff, v7  }
0x151: {  	[tilespmem:s25+$0x850] =	vst.add.f32.msk $0xffff, v8  }
0x152: {  	[tilespmem:s9+$0x50] =	vst.add.f32.msk $0xffff, v8  }
0x153: {  	[tilespmem:s1+$0x850] =	vst.add.f32.msk $0xffff, v8  }
0x154: {  	[tilespmem:s6+$0x50] =	vst.add.f32.msk $0xffff, v8  }
0x155: {  	[tilespmem:s25+$0x860] =	vst.add.f32.msk $0xffff, v9  }
0x156: {  	[tilespmem:s9+$0x60] =	vst.add.f32.msk $0xffff, v9  }
0x157: {  	[tilespmem:s1+$0x860] =	vst.add.f32.msk $0xffff, v9  }
0x158: {  	[tilespmem:s6+$0x60] =	vst.add.f32.msk $0xffff, v9  }
0x159: {  	[tilespmem:s25+$0x870] =	vst.add.f32.msk $0xffff, v10  }
0x15a: {  	[tilespmem:s9+$0x70] =	vst.add.f32.msk $0xffff, v10  }
0x15b: {  	[tilespmem:s1+$0x870] =	vst.add.f32.msk $0xffff, v10  }
0x15c: {  	[tilespmem:s6+$0x70] =	vst.add.f32.msk $0xffff, v10  }
0x15d: {  	v7 =	vld.idx.msk [tilespmem:v4+s22+$0x0 ss:$0x1], $0xffff;
	_ =	sdelay $0x1  }
0x15e: {  	v8 =	vld.idx.msk [tilespmem:v4+s22+$0x10 ss:$0x1], $0xffff  }
0x15f: {  	v9 =	vld.idx.msk [tilespmem:v4+s22+$0x20 ss:$0x1], $0xffff  }
0x160: {  	v10 =	vld.idx.msk [tilespmem:v4+s22+$0x30 ss:$0x1], $0xffff  }
0x161: {  	s10 =	sadd.s32 s22, s19;
	[tilespmem:s25+$0xC00] =	vst.add.f32.msk $0xffff, v7  }
0x162: {  	[tilespmem:s10+$0x0] =	vst.add.f32.msk $0xffff, v7  }
0x163: {  	s26 =	sadd.s32 s22, s20;
	[tilespmem:s1+$0xC00] =	vst.add.f32.msk $0xffff, v7  }
0x164: {  	[tilespmem:s26+$0x0] =	vst.add.f32.msk $0xffff, v7  }
0x165: {  	[tilespmem:s25+$0xC10] =	vst.add.f32.msk $0xffff, v8  }
0x166: {  	[tilespmem:s10+$0x10] =	vst.add.f32.msk $0xffff, v8  }
0x167: {  	[tilespmem:s1+$0xC10] =	vst.add.f32.msk $0xffff, v8  }
0x168: {  	[tilespmem:s26+$0x10] =	vst.add.f32.msk $0xffff, v8  }
0x169: {  	[tilespmem:s25+$0xC20] =	vst.add.f32.msk $0xffff, v9  }
0x16a: {  	[tilespmem:s10+$0x20] =	vst.add.f32.msk $0xffff, v9  }
0x16b: {  	[tilespmem:s1+$0xC20] =	vst.add.f32.msk $0xffff, v9  }
0x16c: {  	[tilespmem:s26+$0x20] =	vst.add.f32.msk $0xffff, v9  }
0x16d: {  	[tilespmem:s25+$0xC30] =	vst.add.f32.msk $0xffff, v10  }
0x16e: {  	[tilespmem:s10+$0x30] =	vst.add.f32.msk $0xffff, v10  }
0x16f: {  	[tilespmem:s1+$0xC30] =	vst.add.f32.msk $0xffff, v10  }
0x170: {  	[tilespmem:s26+$0x30] =	vst.add.f32.msk $0xffff, v10  }
0x171: {  	v7 =	vld.idx.msk [tilespmem:v4+s22+$0x40 ss:$0x1], $0xffff;
	_ =	sdelay $0x1  }
0x172: {  	v8 =	vld.idx.msk [tilespmem:v4+s22+$0x50 ss:$0x1], $0xffff  }
0x173: {  	v9 =	vld.idx.msk [tilespmem:v4+s22+$0x60 ss:$0x1], $0xffff  }
0x174: {  	v10 =	vld.idx.msk [tilespmem:v4+s22+$0x70 ss:$0x1], $0xffff  }
0x175: {  	[tilespmem:s25+$0xC40] =	vst.add.f32.msk $0xffff, v7  }
0x176: {  	[tilespmem:s10+$0x40] =	vst.add.f32.msk $0xffff, v7  }
0x177: {  	[tilespmem:s1+$0xC40] =	vst.add.f32.msk $0xffff, v7  }
0x178: {  	[tilespmem:s26+$0x40] =	vst.add.f32.msk $0xffff, v7  }
0x179: {  	[tilespmem:s25+$0xC50] =	vst.add.f32.msk $0xffff, v8  }
0x17a: {  	[tilespmem:s10+$0x50] =	vst.add.f32.msk $0xffff, v8  }
0x17b: {  	[tilespmem:s1+$0xC50] =	vst.add.f32.msk $0xffff, v8  }
0x17c: {  	[tilespmem:s26+$0x50] =	vst.add.f32.msk $0xffff, v8  }
0x17d: {  	[tilespmem:s25+$0xC60] =	vst.add.f32.msk $0xffff, v9  }
0x17e: {  	[tilespmem:s10+$0x60] =	vst.add.f32.msk $0xffff, v9  }
0x17f: {  	[tilespmem:s1+$0xC60] =	vst.add.f32.msk $0xffff, v9  }
0x180: {  	[tilespmem:s26+$0x60] =	vst.add.f32.msk $0xffff, v9  }
0x181: {  	[tilespmem:s25+$0xC70] =	vst.add.f32.msk $0xffff, v10  }
0x182: {  	[tilespmem:s10+$0x70] =	vst.add.f32.msk $0xffff, v10  }
0x183: {  	[tilespmem:s1+$0xC70] =	vst.add.f32.msk $0xffff, v10  }
0x184: {  	[tilespmem:s26+$0x70] =	vst.add.f32.msk $0xffff, v10  }
0x185: {  	v7 =	vld.idx.msk [tilespmem:v5+s22+$0x0 ss:$0x1], $0xffff;
	_ =	sdelay $0x1  }
0x186: {  	v8 =	vld.idx.msk [tilespmem:v5+s22+$0x10 ss:$0x1], $0xffff  }
0x187: {  	v9 =	vld.idx.msk [tilespmem:v5+s22+$0x20 ss:$0x1], $0xffff  }
0x188: {  	v10 =	vld.idx.msk [tilespmem:v5+s22+$0x30 ss:$0x1], $0xffff  }
0x189: {  	s8 =	sadd.s32 s22, s21;
	[tilespmem:s25+$0x1000] =	vst.add.f32.msk $0xffff, v7  }
0x18a: {  	s9 =	sadd.s32 s22, s7;
	[tilespmem:s8+$0x0] =	vst.add.f32.msk $0xffff, v7  }
0x18b: {  	[tilespmem:s9+$0x0] =	vst.add.f32.msk $0xffff, v7  }
0x18c: {  	[tilespmem:s14+$0x1000] =	vst.add.f32.msk $0xffff, v7  }
0x18d: {  	[tilespmem:s25+$0x1010] =	vst.add.f32.msk $0xffff, v8  }
0x18e: {  	[tilespmem:s8+$0x10] =	vst.add.f32.msk $0xffff, v8  }
0x18f: {  	[tilespmem:s9+$0x10] =	vst.add.f32.msk $0xffff, v8  }
0x190: {  	[tilespmem:s14+$0x1010] =	vst.add.f32.msk $0xffff, v8  }
0x191: {  	[tilespmem:s25+$0x1020] =	vst.add.f32.msk $0xffff, v9  }
0x192: {  	[tilespmem:s8+$0x20] =	vst.add.f32.msk $0xffff, v9  }
0x193: {  	[tilespmem:s9+$0x20] =	vst.add.f32.msk $0xffff, v9  }
0x194: {  	[tilespmem:s14+$0x1020] =	vst.add.f32.msk $0xffff, v9  }
0x195: {  	[tilespmem:s25+$0x1030] =	vst.add.f32.msk $0xffff, v10  }
0x196: {  	[tilespmem:s8+$0x30] =	vst.add.f32.msk $0xffff, v10  }
0x197: {  	[tilespmem:s9+$0x30] =	vst.add.f32.msk $0xffff, v10  }
0x198: {  	[tilespmem:s14+$0x1030] =	vst.add.f32.msk $0xffff, v10  }
0x199: {  	s1 =	sor.u32 $0x80, s22;
	v7 =	vld.idx.msk [tilespmem:v5+s22+$0x40 ss:$0x1], $0xffff  }
0x19a: {  	v57 =	vld.idx.msk [tilespmem:v2+s1+$0x20 ss:$0x1], $0xffff  }
0x19b: {  	v8 =	vld.idx.msk [tilespmem:v5+s22+$0x50 ss:$0x1], $0xffff  }
0x19c: {  	v9 =	vld.idx.msk [tilespmem:v5+s22+$0x60 ss:$0x1], $0xffff  }
0x19d: {  	v10 =	vld.idx.msk [tilespmem:v5+s22+$0x70 ss:$0x1], $0xffff  }
0x19e: {  	[tilespmem:s25+$0x1040] =	vst.add.f32.msk $0xffff, v7  }
0x19f: {  	[tilespmem:s8+$0x40] =	vst.add.f32.msk $0xffff, v7  }
0x1a0: {  	[tilespmem:s9+$0x40] =	vst.add.f32.msk $0xffff, v7  }
0x1a1: {  	[tilespmem:s14+$0x1040] =	vst.add.f32.msk $0xffff, v7  }
0x1a2: {  	[tilespmem:s25+$0x1050] =	vst.add.f32.msk $0xffff, v8  }
0x1a3: {  	[tilespmem:s8+$0x50] =	vst.add.f32.msk $0xffff, v8  }
0x1a4: {  	[tilespmem:s9+$0x50] =	vst.add.f32.msk $0xffff, v8  }
0x1a5: {  	[tilespmem:s14+$0x1050] =	vst.add.f32.msk $0xffff, v8  }
0x1a6: {  	[tilespmem:s25+$0x1060] =	vst.add.f32.msk $0xffff, v9  }
0x1a7: {  	[tilespmem:s8+$0x60] =	vst.add.f32.msk $0xffff, v9  }
0x1a8: {  	[tilespmem:s9+$0x60] =	vst.add.f32.msk $0xffff, v9  }
0x1a9: {  	[tilespmem:s14+$0x1060] =	vst.add.f32.msk $0xffff, v9  }
0x1aa: {  	[tilespmem:s25+$0x1070] =	vst.add.f32.msk $0xffff, v10  }
0x1ab: {  	[tilespmem:s8+$0x70] =	vst.add.f32.msk $0xffff, v10  }
0x1ac: {  	[tilespmem:s9+$0x70] =	vst.add.f32.msk $0xffff, v10  }
0x1ad: {  	[tilespmem:s14+$0x1070] =	vst.add.f32.msk $0xffff, v10  }
0x1ae: {  	v7 =	vld.idx.msk [tilespmem:v6+s22+$0x0 ss:$0x1], $0xffff  }
0x1af: {  	v11 =	vld.idx.msk [tilespmem:v2+s1+$0x30 ss:$0x1], $0xffff  }
0x1b0: {  	v8 =	vld.idx.msk [tilespmem:v6+s22+$0x10 ss:$0x1], $0xffff  }
0x1b1: {  	v9 =	vld.idx.msk [tilespmem:v6+s22+$0x20 ss:$0x1], $0xffff  }
0x1b2: {  	v10 =	vld.idx.msk [tilespmem:v6+s22+$0x30 ss:$0x1], $0xffff  }
0x1b3: {  	s9 =	sadd.s32 s22, s11;
	[tilespmem:s25+$0x1400] =	vst.add.f32.msk $0xffff, v7  }
0x1b4: {  	s8 =	sadd.s32 s22, s12;
	[tilespmem:s9+$0x0] =	vst.add.f32.msk $0xffff, v7  }
0x1b5: {  	[tilespmem:s8+$0x0] =	vst.add.f32.msk $0xffff, v7  }
0x1b6: {  	[tilespmem:s14+$0x1400] =	vst.add.f32.msk $0xffff, v7  }
0x1b7: {  	v7 =	vld.idx.msk [tilespmem:v2+s1+$0x0 ss:$0x1], $0xffff  }
0x1b8: {  	[tilespmem:s25+$0x1410] =	vst.add.f32.msk $0xffff, v8  }
0x1b9: {  	[tilespmem:s9+$0x10] =	vst.add.f32.msk $0xffff, v8  }
0x1ba: {  	[tilespmem:s8+$0x10] =	vst.add.f32.msk $0xffff, v8  }
0x1bb: {  	[tilespmem:s14+$0x1410] =	vst.add.f32.msk $0xffff, v8  }
0x1bc: {  	v8 =	vld.idx.msk [tilespmem:v2+s1+$0x10 ss:$0x1], $0xffff  }
0x1bd: {  	s26 =	sadd.s32 s1, s30;
	[tilespmem:s25+$0x1420] =	vst.add.f32.msk $0xffff, v9  }
0x1be: {  	[tilespmem:s26+$0x0] =	vst.add.f32.msk $0xffff, v7  }
0x1bf: {  	s10 =	sadd.s32 s1, s31;
	[tilespmem:s9+$0x20] =	vst.add.f32.msk $0xffff, v9  }
0x1c0: {  	[tilespmem:s10+$0x0] =	vst.add.f32.msk $0xffff, v7  }
0x1c1: {  	s2 =	sadd.s32 s1, s13;
	[tilespmem:s8+$0x20] =	vst.add.f32.msk $0xffff, v9  }
0x1c2: {  	[tilespmem:s2+$0x0] =	vst.add.f32.msk $0xffff, v7  }
0x1c3: {  	s6 =	sadd.s32 s1, s17;
	[tilespmem:s14+$0x1420] =	vst.add.f32.msk $0xffff, v9  }
0x1c4: {  	[tilespmem:s6+$0x0] =	vst.add.f32.msk $0xffff, v7  }
0x1c5: {  	[tilespmem:s25+$0x1430] =	vst.add.f32.msk $0xffff, v10  }
0x1c6: {  	[tilespmem:s26+$0x10] =	vst.add.f32.msk $0xffff, v8  }
0x1c7: {  	[tilespmem:s10+$0x10] =	vst.add.f32.msk $0xffff, v8  }
0x1c8: {  	[tilespmem:s9+$0x30] =	vst.add.f32.msk $0xffff, v10  }
0x1c9: {  	[tilespmem:s2+$0x10] =	vst.add.f32.msk $0xffff, v8  }
0x1ca: {  	[tilespmem:s8+$0x30] =	vst.add.f32.msk $0xffff, v10  }
0x1cb: {  	[tilespmem:s6+$0x10] =	vst.add.f32.msk $0xffff, v8  }
0x1cc: {  	[tilespmem:s14+$0x1430] =	vst.add.f32.msk $0xffff, v10  }
0x1cd: {  	[tilespmem:s26+$0x20] =	vst.add.f32.msk $0xffff, v57  }
0x1ce: {  	[tilespmem:s10+$0x20] =	vst.add.f32.msk $0xffff, v57  }
0x1cf: {  	[tilespmem:s2+$0x20] =	vst.add.f32.msk $0xffff, v57  }
0x1d0: {  	[tilespmem:s6+$0x20] =	vst.add.f32.msk $0xffff, v57  }
0x1d1: {  	[tilespmem:s26+$0x30] =	vst.add.f32.msk $0xffff, v11  }
0x1d2: {  	[tilespmem:s10+$0x30] =	vst.add.f32.msk $0xffff, v11  }
0x1d3: {  	[tilespmem:s2+$0x30] =	vst.add.f32.msk $0xffff, v11  }
0x1d4: {  	[tilespmem:s6+$0x30] =	vst.add.f32.msk $0xffff, v11  }
0x1d5: {  	v7 =	vld.idx.msk [tilespmem:v2+s1+$0x40 ss:$0x1], $0xffff  }
0x1d6: {  	v59 =	vld.idx.msk [tilespmem:v6+s22+$0x50 ss:$0x1], $0xffff  }
0x1d7: {  	v8 =	vld.idx.msk [tilespmem:v2+s1+$0x50 ss:$0x1], $0xffff  }
0x1d8: {  	v9 =	vld.idx.msk [tilespmem:v2+s1+$0x60 ss:$0x1], $0xffff  }
0x1d9: {  	v11 =	vld.idx.msk [tilespmem:v2+s1+$0x70 ss:$0x1], $0xffff  }
0x1da: {  	[tilespmem:s26+$0x40] =	vst.add.f32.msk $0xffff, v7  }
0x1db: {  	[tilespmem:s10+$0x40] =	vst.add.f32.msk $0xffff, v7  }
0x1dc: {  	[tilespmem:s2+$0x40] =	vst.add.f32.msk $0xffff, v7  }
0x1dd: {  	[tilespmem:s6+$0x40] =	vst.add.f32.msk $0xffff, v7  }
0x1de: {  	[tilespmem:s26+$0x50] =	vst.add.f32.msk $0xffff, v8  }
0x1df: {  	[tilespmem:s10+$0x50] =	vst.add.f32.msk $0xffff, v8  }
0x1e0: {  	[tilespmem:s2+$0x50] =	vst.add.f32.msk $0xffff, v8  }
0x1e1: {  	[tilespmem:s6+$0x50] =	vst.add.f32.msk $0xffff, v8  }
0x1e2: {  	[tilespmem:s26+$0x60] =	vst.add.f32.msk $0xffff, v9  }
0x1e3: {  	[tilespmem:s10+$0x60] =	vst.add.f32.msk $0xffff, v9  }
0x1e4: {  	[tilespmem:s2+$0x60] =	vst.add.f32.msk $0xffff, v9  }
0x1e5: {  	[tilespmem:s6+$0x60] =	vst.add.f32.msk $0xffff, v9  }
0x1e6: {  	[tilespmem:s26+$0x70] =	vst.add.f32.msk $0xffff, v11  }
0x1e7: {  	[tilespmem:s10+$0x70] =	vst.add.f32.msk $0xffff, v11  }
0x1e8: {  	[tilespmem:s2+$0x70] =	vst.add.f32.msk $0xffff, v11  }
0x1e9: {  	[tilespmem:s6+$0x70] =	vst.add.f32.msk $0xffff, v11  }
0x1ea: {  	v7 =	vld.idx.msk [tilespmem:v2+s1+$0x400 ss:$0x1], $0xffff  }
0x1eb: {  	v60 =	vld.idx.msk [tilespmem:v6+s22+$0x60 ss:$0x1], $0xffff  }
0x1ec: {  	v8 =	vld.idx.msk [tilespmem:v2+s1+$0x410 ss:$0x1], $0xffff  }
0x1ed: {  	v9 =	vld.idx.msk [tilespmem:v2+s1+$0x420 ss:$0x1], $0xffff  }
0x1ee: {  	v11 =	vld.idx.msk [tilespmem:v2+s1+$0x430 ss:$0x1], $0xffff  }
0x1ef: {  	[tilespmem:s26+$0x400] =	vst.add.f32.msk $0xffff, v7  }
0x1f0: {  	[tilespmem:s10+$0x400] =	vst.add.f32.msk $0xffff, v7  }
0x1f1: {  	[tilespmem:s2+$0x400] =	vst.add.f32.msk $0xffff, v7  }
0x1f2: {  	[tilespmem:s6+$0x400] =	vst.add.f32.msk $0xffff, v7  }
0x1f3: {  	[tilespmem:s26+$0x410] =	vst.add.f32.msk $0xffff, v8  }
0x1f4: {  	[tilespmem:s10+$0x410] =	vst.add.f32.msk $0xffff, v8  }
0x1f5: {  	[tilespmem:s2+$0x410] =	vst.add.f32.msk $0xffff, v8  }
0x1f6: {  	[tilespmem:s6+$0x410] =	vst.add.f32.msk $0xffff, v8  }
0x1f7: {  	[tilespmem:s26+$0x420] =	vst.add.f32.msk $0xffff, v9  }
0x1f8: {  	[tilespmem:s10+$0x420] =	vst.add.f32.msk $0xffff, v9  }
0x1f9: {  	[tilespmem:s2+$0x420] =	vst.add.f32.msk $0xffff, v9  }
0x1fa: {  	[tilespmem:s6+$0x420] =	vst.add.f32.msk $0xffff, v9  }
0x1fb: {  	[tilespmem:s26+$0x430] =	vst.add.f32.msk $0xffff, v11  }
0x1fc: {  	[tilespmem:s10+$0x430] =	vst.add.f32.msk $0xffff, v11  }
0x1fd: {  	[tilespmem:s2+$0x430] =	vst.add.f32.msk $0xffff, v11  }
0x1fe: {  	[tilespmem:s6+$0x430] =	vst.add.f32.msk $0xffff, v11  }
0x1ff: {  	v7 =	vld.idx.msk [tilespmem:v2+s1+$0x440 ss:$0x1], $0xffff  }
0x200: {  	v61 =	vld.idx.msk [tilespmem:v6+s22+$0x70 ss:$0x1], $0xffff  }
0x201: {  	v8 =	vld.idx.msk [tilespmem:v2+s1+$0x450 ss:$0x1], $0xffff  }
0x202: {  	v9 =	vld.idx.msk [tilespmem:v2+s1+$0x460 ss:$0x1], $0xffff  }
0x203: {  	v58 =	vld.idx.msk [tilespmem:v2+s1+$0x470 ss:$0x1], $0xffff  }
0x204: {  	[tilespmem:s26+$0x440] =	vst.add.f32.msk $0xffff, v7  }
0x205: {  	[tilespmem:s10+$0x440] =	vst.add.f32.msk $0xffff, v7  }
0x206: {  	[tilespmem:s2+$0x440] =	vst.add.f32.msk $0xffff, v7  }
0x207: {  	[tilespmem:s6+$0x440] =	vst.add.f32.msk $0xffff, v7  }
0x208: {  	[tilespmem:s26+$0x450] =	vst.add.f32.msk $0xffff, v8  }
0x209: {  	[tilespmem:s10+$0x450] =	vst.add.f32.msk $0xffff, v8  }
0x20a: {  	[tilespmem:s2+$0x450] =	vst.add.f32.msk $0xffff, v8  }
0x20b: {  	[tilespmem:s6+$0x450] =	vst.add.f32.msk $0xffff, v8  }
0x20c: {  	v8 =	vld.idx.msk [tilespmem:v6+s22+$0x40 ss:$0x1], $0xffff  }
0x20d: {  	[tilespmem:s26+$0x460] =	vst.add.f32.msk $0xffff, v9  }
0x20e: {  	[tilespmem:s10+$0x460] =	vst.add.f32.msk $0xffff, v9  }
0x20f: {  	[tilespmem:s2+$0x460] =	vst.add.f32.msk $0xffff, v9  }
0x210: {  	[tilespmem:s6+$0x460] =	vst.add.f32.msk $0xffff, v9  }
0x211: {  	[tilespmem:s26+$0x470] =	vst.add.f32.msk $0xffff, v58  }
0x212: {  	[tilespmem:s25+$0x1440] =	vst.add.f32.msk $0xffff, v8  }
0x213: {  	[tilespmem:s10+$0x470] =	vst.add.f32.msk $0xffff, v58  }
0x214: {  	[tilespmem:s9+$0x40] =	vst.add.f32.msk $0xffff, v8  }
0x215: {  	[tilespmem:s2+$0x470] =	vst.add.f32.msk $0xffff, v58  }
0x216: {  	[tilespmem:s8+$0x40] =	vst.add.f32.msk $0xffff, v8  }
0x217: {  	[tilespmem:s6+$0x470] =	vst.add.f32.msk $0xffff, v58  }
0x218: {  	[tilespmem:s14+$0x1440] =	vst.add.f32.msk $0xffff, v8  }
0x219: {  	v7 =	vld.idx.msk [tilespmem:v3+s1+$0x0 ss:$0x1], $0xffff  }
0x21a: {  	v9 =	vld.idx.msk [tilespmem:v3+s1+$0x10 ss:$0x1], $0xffff  }
0x21b: {  	v10 =	vld.idx.msk [tilespmem:v3+s1+$0x20 ss:$0x1], $0xffff  }
0x21c: {  	v11 =	vld.idx.msk [tilespmem:v3+s1+$0x30 ss:$0x1], $0xffff  }
0x21d: {  	[tilespmem:s25+$0x1450] =	vst.add.f32.msk $0xffff, v59  }
0x21e: {  	[tilespmem:s9+$0x50] =	vst.add.f32.msk $0xffff, v59  }
0x21f: {  	[tilespmem:s8+$0x50] =	vst.add.f32.msk $0xffff, v59  }
0x220: {  	[tilespmem:s14+$0x1450] =	vst.add.f32.msk $0xffff, v59  }
0x221: {  	[tilespmem:s25+$0x1460] =	vst.add.f32.msk $0xffff, v60  }
0x222: {  	s10 =	rddreg [dreg:$0x5];
	s6 =	sadd.s32 s1, s0;
	[tilespmem:s26+$0x800] =	vst.add.f32.msk $0xffff, v7  }
0x223: {  	s2 =	sadd.s32 s1, s10;
	[tilespmem:s6+$0x0] =	vst.add.f32.msk $0xffff, v7  }
0x224: {  	s10 =	sadd.s32 s1, s4;
	[tilespmem:s2+$0x0] =	vst.add.f32.msk $0xffff, v7  }
0x225: {  	[tilespmem:s10+$0x0] =	vst.add.f32.msk $0xffff, v7  }
0x226: {  	[tilespmem:s26+$0x810] =	vst.add.f32.msk $0xffff, v9  }
0x227: {  	[tilespmem:s6+$0x10] =	vst.add.f32.msk $0xffff, v9  }
0x228: {  	[tilespmem:s2+$0x10] =	vst.add.f32.msk $0xffff, v9  }
0x229: {  	[tilespmem:s10+$0x10] =	vst.add.f32.msk $0xffff, v9  }
0x22a: {  	[tilespmem:s26+$0x820] =	vst.add.f32.msk $0xffff, v10  }
0x22b: {  	[tilespmem:s6+$0x20] =	vst.add.f32.msk $0xffff, v10  }
0x22c: {  	[tilespmem:s2+$0x20] =	vst.add.f32.msk $0xffff, v10  }
0x22d: {  	[tilespmem:s10+$0x20] =	vst.add.f32.msk $0xffff, v10  }
0x22e: {  	[tilespmem:s26+$0x830] =	vst.add.f32.msk $0xffff, v11  }
0x22f: {  	[tilespmem:s6+$0x30] =	vst.add.f32.msk $0xffff, v11  }
0x230: {  	[tilespmem:s2+$0x30] =	vst.add.f32.msk $0xffff, v11  }
0x231: {  	[tilespmem:s10+$0x30] =	vst.add.f32.msk $0xffff, v11  }
0x232: {  	v7 =	vld.idx.msk [tilespmem:v3+s1+$0x40 ss:$0x1], $0xffff  }
0x233: {  	[tilespmem:s9+$0x60] =	vst.add.f32.msk $0xffff, v60  }
0x234: {  	v10 =	vld.idx.msk [tilespmem:v3+s1+$0x50 ss:$0x1], $0xffff  }
0x235: {  	v11 =	vld.idx.msk [tilespmem:v3+s1+$0x60 ss:$0x1], $0xffff  }
0x236: {  	v12 =	vld.idx.msk [tilespmem:v3+s1+$0x70 ss:$0x1], $0xffff  }
0x237: {  	[tilespmem:s26+$0x840] =	vst.add.f32.msk $0xffff, v7  }
0x238: {  	[tilespmem:s6+$0x40] =	vst.add.f32.msk $0xffff, v7  }
0x239: {  	[tilespmem:s2+$0x40] =	vst.add.f32.msk $0xffff, v7  }
0x23a: {  	[tilespmem:s10+$0x40] =	vst.add.f32.msk $0xffff, v7  }
0x23b: {  	[tilespmem:s26+$0x850] =	vst.add.f32.msk $0xffff, v10  }
0x23c: {  	[tilespmem:s6+$0x50] =	vst.add.f32.msk $0xffff, v10  }
0x23d: {  	[tilespmem:s2+$0x50] =	vst.add.f32.msk $0xffff, v10  }
0x23e: {  	[tilespmem:s10+$0x50] =	vst.add.f32.msk $0xffff, v10  }
0x23f: {  	[tilespmem:s26+$0x860] =	vst.add.f32.msk $0xffff, v11  }
0x240: {  	[tilespmem:s6+$0x60] =	vst.add.f32.msk $0xffff, v11  }
0x241: {  	[tilespmem:s2+$0x60] =	vst.add.f32.msk $0xffff, v11  }
0x242: {  	[tilespmem:s10+$0x60] =	vst.add.f32.msk $0xffff, v11  }
0x243: {  	[tilespmem:s26+$0x870] =	vst.add.f32.msk $0xffff, v12  }
0x244: {  	[tilespmem:s6+$0x70] =	vst.add.f32.msk $0xffff, v12  }
0x245: {  	[tilespmem:s2+$0x70] =	vst.add.f32.msk $0xffff, v12  }
0x246: {  	[tilespmem:s10+$0x70] =	vst.add.f32.msk $0xffff, v12  }
0x247: {  	v7 =	vld.idx.msk [tilespmem:v4+s1+$0x0 ss:$0x1], $0xffff  }
0x248: {  	[tilespmem:s8+$0x60] =	vst.add.f32.msk $0xffff, v60  }
0x249: {  	v11 =	vld.idx.msk [tilespmem:v4+s1+$0x10 ss:$0x1], $0xffff  }
0x24a: {  	v12 =	vld.idx.msk [tilespmem:v4+s1+$0x20 ss:$0x1], $0xffff  }
0x24b: {  	v13 =	vld.idx.msk [tilespmem:v4+s1+$0x30 ss:$0x1], $0xffff  }
0x24c: {  	s6 =	sadd.s32 s1, s19;
	s10 =	rddreg [dreg:$0x6];
	[tilespmem:s26+$0xC00] =	vst.add.f32.msk $0xffff, v7  }
0x24d: {  	s2 =	sadd.s32 s1, s10;
	[tilespmem:s6+$0x0] =	vst.add.f32.msk $0xffff, v7  }
0x24e: {  	s10 =	sadd.s32 s1, s20;
	[tilespmem:s2+$0x0] =	vst.add.f32.msk $0xffff, v7  }
0x24f: {  	[tilespmem:s10+$0x0] =	vst.add.f32.msk $0xffff, v7  }
0x250: {  	[tilespmem:s26+$0xC10] =	vst.add.f32.msk $0xffff, v11  }
0x251: {  	[tilespmem:s6+$0x10] =	vst.add.f32.msk $0xffff, v11  }
0x252: {  	[tilespmem:s2+$0x10] =	vst.add.f32.msk $0xffff, v11  }
0x253: {  	[tilespmem:s10+$0x10] =	vst.add.f32.msk $0xffff, v11  }
0x254: {  	[tilespmem:s26+$0xC20] =	vst.add.f32.msk $0xffff, v12  }
0x255: {  	[tilespmem:s6+$0x20] =	vst.add.f32.msk $0xffff, v12  }
0x256: {  	[tilespmem:s2+$0x20] =	vst.add.f32.msk $0xffff, v12  }
0x257: {  	[tilespmem:s10+$0x20] =	vst.add.f32.msk $0xffff, v12  }
0x258: {  	[tilespmem:s26+$0xC30] =	vst.add.f32.msk $0xffff, v13  }
0x259: {  	[tilespmem:s6+$0x30] =	vst.add.f32.msk $0xffff, v13  }
0x25a: {  	[tilespmem:s2+$0x30] =	vst.add.f32.msk $0xffff, v13  }
0x25b: {  	[tilespmem:s10+$0x30] =	vst.add.f32.msk $0xffff, v13  }
0x25c: {  	v7 =	vld.idx.msk [tilespmem:v4+s1+$0x40 ss:$0x1], $0xffff  }
0x25d: {  	[tilespmem:s14+$0x1460] =	vst.add.f32.msk $0xffff, v60  }
0x25e: {  	v12 =	vld.idx.msk [tilespmem:v4+s1+$0x50 ss:$0x1], $0xffff  }
0x25f: {  	v13 =	vld.idx.msk [tilespmem:v4+s1+$0x60 ss:$0x1], $0xffff  }
0x260: {  	v14 =	vld.idx.msk [tilespmem:v4+s1+$0x70 ss:$0x1], $0xffff  }
0x261: {  	[tilespmem:s26+$0xC40] =	vst.add.f32.msk $0xffff, v7  }
0x262: {  	[tilespmem:s6+$0x40] =	vst.add.f32.msk $0xffff, v7  }
0x263: {  	[tilespmem:s2+$0x40] =	vst.add.f32.msk $0xffff, v7  }
0x264: {  	[tilespmem:s10+$0x40] =	vst.add.f32.msk $0xffff, v7  }
0x265: {  	[tilespmem:s26+$0xC50] =	vst.add.f32.msk $0xffff, v12  }
0x266: {  	[tilespmem:s6+$0x50] =	vst.add.f32.msk $0xffff, v12  }
0x267: {  	[tilespmem:s2+$0x50] =	vst.add.f32.msk $0xffff, v12  }
0x268: {  	[tilespmem:s10+$0x50] =	vst.add.f32.msk $0xffff, v12  }
0x269: {  	[tilespmem:s26+$0xC60] =	vst.add.f32.msk $0xffff, v13  }
0x26a: {  	[tilespmem:s6+$0x60] =	vst.add.f32.msk $0xffff, v13  }
0x26b: {  	[tilespmem:s2+$0x60] =	vst.add.f32.msk $0xffff, v13  }
0x26c: {  	[tilespmem:s10+$0x60] =	vst.add.f32.msk $0xffff, v13  }
0x26d: {  	[tilespmem:s26+$0xC70] =	vst.add.f32.msk $0xffff, v14  }
0x26e: {  	[tilespmem:s6+$0x70] =	vst.add.f32.msk $0xffff, v14  }
0x26f: {  	[tilespmem:s2+$0x70] =	vst.add.f32.msk $0xffff, v14  }
0x270: {  	[tilespmem:s10+$0x70] =	vst.add.f32.msk $0xffff, v14  }
0x271: {  	v7 =	vld.idx.msk [tilespmem:v5+s1+$0x0 ss:$0x1], $0xffff  }
0x272: {  	[tilespmem:s25+$0x1470] =	vst.add.f32.msk $0xffff, v61  }
0x273: {  	v8 =	vld.idx.msk [tilespmem:v5+s1+$0x10 ss:$0x1], $0xffff  }
0x274: {  	v62 =	vld.idx.msk [tilespmem:v5+s1+$0x20 ss:$0x1], $0xffff  }
0x275: {  	v63 =	vld.idx.msk [tilespmem:v5+s1+$0x30 ss:$0x1], $0xffff  }
0x276: {  	s22 =	sadd.s32 s1, s21;
	[tilespmem:s26+$0x1000] =	vst.add.f32.msk $0xffff, v7  }
0x277: {  	s25 =	sadd.s32 s1, s7;
	s10 =	rddreg [dreg:$0x7];
	[tilespmem:s22+$0x0] =	vst.add.f32.msk $0xffff, v7  }
0x278: {  	s2 =	sadd.s32 s1, s10;
	[tilespmem:s25+$0x0] =	vst.add.f32.msk $0xffff, v7  }
0x279: {  	[tilespmem:s2+$0x0] =	vst.add.f32.msk $0xffff, v7  }
0x27a: {  	[tilespmem:s26+$0x1010] =	vst.add.f32.msk $0xffff, v8  }
0x27b: {  	[tilespmem:s22+$0x10] =	vst.add.f32.msk $0xffff, v8  }
0x27c: {  	[tilespmem:s25+$0x10] =	vst.add.f32.msk $0xffff, v8  }
0x27d: {  	[tilespmem:s2+$0x10] =	vst.add.f32.msk $0xffff, v8  }
0x27e: {  	[tilespmem:s26+$0x1020] =	vst.add.f32.msk $0xffff, v62  }
0x27f: {  	[tilespmem:s22+$0x20] =	vst.add.f32.msk $0xffff, v62  }
0x280: {  	[tilespmem:s25+$0x20] =	vst.add.f32.msk $0xffff, v62  }
0x281: {  	[tilespmem:s2+$0x20] =	vst.add.f32.msk $0xffff, v62  }
0x282: {  	[tilespmem:s26+$0x1030] =	vst.add.f32.msk $0xffff, v63  }
0x283: {  	[tilespmem:s22+$0x30] =	vst.add.f32.msk $0xffff, v63  }
0x284: {  	[tilespmem:s25+$0x30] =	vst.add.f32.msk $0xffff, v63  }
0x285: {  	[tilespmem:s2+$0x30] =	vst.add.f32.msk $0xffff, v63  }
0x286: {  	v7 =	vld.idx.msk [tilespmem:v5+s1+$0x40 ss:$0x1], $0xffff  }
0x287: {  	[tilespmem:s9+$0x70] =	vst.add.f32.msk $0xffff, v61  }
0x288: {  	v8 =	vld.idx.msk [tilespmem:v5+s1+$0x50 ss:$0x1], $0xffff  }
0x289: {  	v9 =	vld.idx.msk [tilespmem:v5+s1+$0x60 ss:$0x1], $0xffff  }
0x28a: {  	v10 =	vld.idx.msk [tilespmem:v5+s1+$0x70 ss:$0x1], $0xffff  }
0x28b: {  	[tilespmem:s26+$0x1040] =	vst.add.f32.msk $0xffff, v7  }
0x28c: {  	[tilespmem:s22+$0x40] =	vst.add.f32.msk $0xffff, v7  }
0x28d: {  	[tilespmem:s25+$0x40] =	vst.add.f32.msk $0xffff, v7  }
0x28e: {  	[tilespmem:s2+$0x40] =	vst.add.f32.msk $0xffff, v7  }
0x28f: {  	[tilespmem:s26+$0x1050] =	vst.add.f32.msk $0xffff, v8  }
0x290: {  	[tilespmem:s22+$0x50] =	vst.add.f32.msk $0xffff, v8  }
0x291: {  	[tilespmem:s25+$0x50] =	vst.add.f32.msk $0xffff, v8  }
0x292: {  	[tilespmem:s2+$0x50] =	vst.add.f32.msk $0xffff, v8  }
0x293: {  	[tilespmem:s26+$0x1060] =	vst.add.f32.msk $0xffff, v9  }
0x294: {  	[tilespmem:s22+$0x60] =	vst.add.f32.msk $0xffff, v9  }
0x295: {  	[tilespmem:s25+$0x60] =	vst.add.f32.msk $0xffff, v9  }
0x296: {  	[tilespmem:s2+$0x60] =	vst.add.f32.msk $0xffff, v9  }
0x297: {  	[tilespmem:s26+$0x1070] =	vst.add.f32.msk $0xffff, v10  }
0x298: {  	[tilespmem:s22+$0x70] =	vst.add.f32.msk $0xffff, v10  }
0x299: {  	[tilespmem:s25+$0x70] =	vst.add.f32.msk $0xffff, v10  }
0x29a: {  	[tilespmem:s2+$0x70] =	vst.add.f32.msk $0xffff, v10  }
0x29b: {  	v7 =	vld.idx.msk [tilespmem:v6+s1+$0x0 ss:$0x1], $0xffff  }
0x29c: {  	[tilespmem:s8+$0x70] =	vst.add.f32.msk $0xffff, v61  }
0x29d: {  	v8 =	vld.idx.msk [tilespmem:v6+s1+$0x10 ss:$0x1], $0xffff  }
0x29e: {  	v9 =	vld.idx.msk [tilespmem:v6+s1+$0x20 ss:$0x1], $0xffff  }
0x29f: {  	v10 =	vld.idx.msk [tilespmem:v6+s1+$0x30 ss:$0x1], $0xffff  }
0x2a0: {  	s22 =	sadd.s32 s1, s11;
	[tilespmem:s26+$0x1400] =	vst.add.f32.msk $0xffff, v7  }
0x2a1: {  	s10 =	rddreg [dreg:$0x8];
	s25 =	sadd.s32 s1, s12;
	[tilespmem:s22+$0x0] =	vst.add.f32.msk $0xffff, v7  }
0x2a2: {  	s2 =	sadd.s32 s1, s10;
	[tilespmem:s25+$0x0] =	vst.add.f32.msk $0xffff, v7  }
0x2a3: {  	[tilespmem:s2+$0x0] =	vst.add.f32.msk $0xffff, v7  }
0x2a4: {  	[tilespmem:s26+$0x1410] =	vst.add.f32.msk $0xffff, v8  }
0x2a5: {  	[tilespmem:s22+$0x10] =	vst.add.f32.msk $0xffff, v8  }
0x2a6: {  	[tilespmem:s25+$0x10] =	vst.add.f32.msk $0xffff, v8  }
0x2a7: {  	[tilespmem:s2+$0x10] =	vst.add.f32.msk $0xffff, v8  }
0x2a8: {  	[tilespmem:s26+$0x1420] =	vst.add.f32.msk $0xffff, v9  }
0x2a9: {  	[tilespmem:s22+$0x20] =	vst.add.f32.msk $0xffff, v9  }
0x2aa: {  	[tilespmem:s25+$0x20] =	vst.add.f32.msk $0xffff, v9  }
0x2ab: {  	[tilespmem:s2+$0x20] =	vst.add.f32.msk $0xffff, v9  }
0x2ac: {  	[tilespmem:s26+$0x1430] =	vst.add.f32.msk $0xffff, v10  }
0x2ad: {  	[tilespmem:s22+$0x30] =	vst.add.f32.msk $0xffff, v10  }
0x2ae: {  	[tilespmem:s25+$0x30] =	vst.add.f32.msk $0xffff, v10  }
0x2af: {  	[tilespmem:s2+$0x30] =	vst.add.f32.msk $0xffff, v10  }
0x2b0: {  	v7 =	vld.idx.msk [tilespmem:v6+s1+$0x40 ss:$0x1], $0xffff  }
0x2b1: {  	[tilespmem:s14+$0x1470] =	vst.add.f32.msk $0xffff, v61  }
0x2b2: {  	v8 =	vld.idx.msk [tilespmem:v6+s1+$0x50 ss:$0x1], $0xffff  }
0x2b3: {  	v9 =	vld.idx.msk [tilespmem:v6+s1+$0x60 ss:$0x1], $0xffff  }
0x2b4: {  	v10 =	vld.idx.msk [tilespmem:v6+s1+$0x70 ss:$0x1], $0xffff  }
0x2b5: {  	[tilespmem:s26+$0x1440] =	vst.add.f32.msk $0xffff, v7  }
0x2b6: {  	[tilespmem:s22+$0x40] =	vst.add.f32.msk $0xffff, v7  }
0x2b7: {  	[tilespmem:s25+$0x40] =	vst.add.f32.msk $0xffff, v7  }
0x2b8: {  	[tilespmem:s2+$0x40] =	vst.add.f32.msk $0xffff, v7  }
0x2b9: {  	[tilespmem:s26+$0x1450] =	vst.add.f32.msk $0xffff, v8  }
0x2ba: {  	[tilespmem:s22+$0x50] =	vst.add.f32.msk $0xffff, v8  }
0x2bb: {  	[tilespmem:s25+$0x50] =	vst.add.f32.msk $0xffff, v8  }
0x2bc: {  	[tilespmem:s2+$0x50] =	vst.add.f32.msk $0xffff, v8  }
0x2bd: {  	[tilespmem:s26+$0x1460] =	vst.add.f32.msk $0xffff, v9  }
0x2be: {  	[tilespmem:s22+$0x60] =	vst.add.f32.msk $0xffff, v9  }
0x2bf: {  	p0 =	slt.u32 s18, $0x6;
	[tilespmem:s25+$0x60] =	vst.add.f32.msk $0xffff, v9  }
.Ltmp1:
0x2c0: {  	[tilespmem:s2+$0x60] =	vst.add.f32.msk $0xffff, v9;
	(pc) =	sbr.rel @p0 .LBB2_5-.Ltmp1, $4  }
0x2c1: {  	[tilespmem:s26+$0x1470] =	vst.add.f32.msk $0xffff, v10  }
0x2c2: {  	[tilespmem:s22+$0x70] =	vst.add.f32.msk $0xffff, v10  }
0x2c3: {  	s26 =	sadd.s32 $0x2, s18;
	[tilespmem:s25+$0x70] =	vst.add.f32.msk $0xffff, v10  }
0x2c4: {  	s18 =	smov.u32 s26;
	[tilespmem:s2+$0x70] =	vst.add.f32.msk $0xffff, v10  }
0x2c5: {  	s1 =	rddreg [dreg:$0x9]  }
0x2c6: {  	s0 =	smul.u32 $0x18000, s29;
	s1 =	sadd.s32 s1, s28  }
0x2c7: {  	s2 =	rddreg [dreg:$0xb];
	s1 =	smul.u32 $0x300, s1  }
0x2c8: {  	s26 =	rddreg [dreg:$0xc];
	s2 =	sadd.s32 s2, s28;
	s0 =	sshrl.u32 s0, $0x2  }
0x2c9: {  	s2 =	smul.u32 $0x300, s2;
	s4 =	sadd.s32 $0x6200, s0;
	s1 =	sadd.s32 s3, s1  }
0x2ca: {  	[hbm4b:s1+s5] =	stream.linear.scatter [tilespmem:s4], [sflag:$0x2], $0x1800, $0x38;
	[tilespmem:$0x1E200] =	vst v63  }
0x2cb: {  	s29 =	rddreg [dreg:$0xd];
	s25 =	sadd.s32 $0x7A00, s0;
	s2 =	sadd.s32 s3, s2  }
0x2cc: {  	[hbm4b:s2+s5] =	stream.linear.scatter [tilespmem:s25], [sflag:$0x2], $0x1800, $0x38;
	[tilespmem:$0x1E200] =	vst v63  }
0x2cd: {  	s1 =	sadd.s32 s26, s28;
	s2 =	sadd.s32 s29, s28;
	s28 =	sadd.s32 $0x1, s28  }
0x2ce: {  	s1 =	smul.u32 $0x300, s1;
	p0 =	sne.s32 s28, $0x10  }
.Ltmp2:
0x2cf: {  	_ = 	snop;
	(pc) =	sbr.rel @p0 .LBB2_2-.Ltmp2, $4  }
0x2d0: {  	s30 =	sadd.s32 $0x9200, s0;
	s1 =	sadd.s32 s3, s1;
	s2 =	smul.u32 $0x300, s2  }
0x2d1: {  	[hbm4b:s1+s5] =	stream.linear.scatter [tilespmem:s30], [sflag:$0x2], $0x1800, $0x38;
	[tilespmem:$0x1E200] =	vst v63  }
0x2d2: {  	s0 =	sadd.s32 $0xAA00, s0;
	s31 =	sadd.s32 s3, s2  }
0x2d3: {  	[hbm4b:s31+s5] =	stream.linear.scatter [tilespmem:s0], [sflag:$0x2], $0x1800, $0x38;
	[tilespmem:$0x1E200] =	vst v63  }
0x2d4: {  	s1 =	simm.s32 $0x2  }
0x2d5: {  	_ =	swait.ge [sflag:s1], $0x6000  }
0x2d6: {  	[sflag:s1] =	ssyncset.done $0x0  }
0x2d7: {  	[sflag:s1] =	ssyncadd.s32 $0xFFFFA000  }
0x2d8: {  	_ =	swait.ge [sflag:s1], $0x6000  }
0x2d9: {  	s2 =	rddreg [dreg:$0x14]  }
0x2da: {  	s0 =	rddreg [dreg:$0x13];
	s2 =	sadd.s32 $0x1, s2  }
0x2db: {  	p0 =	sne.s32 s2, s0  }
.Ltmp3:
0x2dc: {  	_ = 	snop;
	(pc) =	sbr.rel @p0 .LBB2_1-.Ltmp3, $3  }
0x2dd: {  	_ =	sdelay $0x1  }
0x2de: {  	[sflag:s1] =	ssyncset.done $0x0  }
0x2df: {  	[sflag:s1] =	ssyncadd.s32 $0xFFFFA000  }
0x2e0: {  	_ =	sfence.sel $0x180000  }
0x2e1: {  	[bflag:$0x0] =	sbarrier.arrive $0xFFFF  }
0x2e2: {  	_ =	strace $0x90000047  }
0x2e3: {  	s0 =	stileid.u32;
	[bflag:$0x2] =	sbarrier.arrive $0xFFFF  }
0x2e4: {  	p0 =	sne.s32 s0, $0x0;
	s0 =	rddreg [dreg:$0x4]  }
0x2e5: {  	s0 =	sadd.s32 @!p0 $0x100000, s0  }
0x2e6: {  	[sflag:s0] =	ssyncadd.tile.s32 @!p0 $0x1;
	_ =	shalt  }
.Lfunc_end2:
_tile_overlayer_lowered:
.L_overlay_start_2:
0x2e7: {  	(tag) =	ssettag $0x2  }
0x2e8: {  	s0 =	rddreg [dreg:$0x0];
	s2 =	stileid.u32  }
0x2e9: {  	s1 =	rddreg [dreg:$0x1];
	p0 =	sne.s32 s2, $0x0  }
0x2ea: {  	s3 =	rddreg [dreg:$0x2];
	[bflag:$0x3] =	sbarrier.arrive $0xFFFF;
	s2 =	simm.s32 @!p0 $0x1C05  }
0x2eb: {  	[timem:s3], [sflag:s2] =	dma.local @!p0 [hbm:s0], s1  }
0x2ec: {  	s0 =	simm.s32 @!p0 $0x5  }
0x2ed: {  	_ =	swait.ge @!p0 [sflag:s0], s1  }
0x2ee: {  	s1 =	ssub.s32 @!p0 $0x0, s1;
	[sflag:s0] =	ssyncset.done @!p0 $0x0  }
0x2ef: {  	[sflag:s0] =	ssyncadd.s32 @!p0 s1  }
0x2f0: {  	[bflag:$0x3] =	sbarrier.arrive $0xFFFF  }
0x2f1: {  	_ =	shalt  }

</sc_bundles>
